<compile_context>
chip_gen: v7x
topology: tpu7x:2x2x1
jax: 0.10.2.dev20260603
libtpu: 0.0.44.dev20260713+nightly
codegen_flags: <defaults>
</compile_context>

<pallas_src>
import functools

import jax
import jax.numpy as jnp
from jax import lax
from jax.experimental import pallas as pl
from jax.experimental.pallas import tpu as pltpu
from jax.experimental.pallas import tpu_sc as plsc

NUM_DAGS = 100000
D = 16
BATCH = 16384

TP = D * D
TN = NUM_DAGS

NC = 2
NS = 16
NW = NC * NS
P_PER_W = TP // NW
OUTCH = 4096
NOUTCH = BATCH // OUTCH
L = 16


def _make_gather():
    mesh = plsc.VectorSubcoreMesh(core_axis_name="c", subcore_axis_name="s")

    @functools.partial(
        pl.kernel,
        out_type=jax.ShapeDtypeStruct((TP, BATCH), jnp.float32),
        mesh=mesh,
        compiler_params=pltpu.CompilerParams(needs_layout_passes=False),
        scratch_types=[
            pltpu.VMEM((BATCH,), jnp.int32),
            pltpu.VMEM((TN,), jnp.float32),
            pltpu.VMEM((OUTCH,), jnp.float32),
            pltpu.VMEM((OUTCH,), jnp.float32),
            pltpu.SemaphoreType.DMA((2,)),
        ],
    )
    def gather(table_hbm, idx_hbm, out_hbm, idx_v, row_v, out_a, out_b, wsem):
        wid = lax.axis_index("s") * NC + lax.axis_index("c")
        pltpu.sync_copy(idx_hbm, idx_v)
        obufs = (out_a, out_b)
        prev = [None, None]
        for i in range(P_PER_W):
            p = wid * P_PER_W + i
            pltpu.sync_copy(table_hbm.at[p], row_v)
            for k in range(NOUTCH):
                s = k % 2
                obuf = obufs[s]
                if prev[s] is not None:
                    prev[s].wait()

                base = k * OUTCH

                @plsc.parallel_loop(0, OUTCH // L, unroll=8)
                def _(g, base=base, obuf=obuf):
                    iv = idx_v[pl.ds(base + g * L, L)]
                    obuf[pl.ds(g * L, L)] = plsc.load_gather(row_v, [iv])
                prev[s] = pltpu.async_copy(
                    obuf, out_hbm.at[p, pl.ds(k * OUTCH, OUTCH)], wsem.at[s])
        for s in range(2):
            if prev[s] is not None:
                prev[s].wait()

    return gather


_gather_kernel = _make_gather()


def kernel(w, idx):
    table_t = w.transpose(1, 2, 0).reshape(TP, TN)
    out_t = _gather_kernel(table_t, idx)
    return out_t.reshape(D, D, BATCH).transpose(2, 0, 1)

# --- scband reference (transcript-rebuilt; emitter-appended) ---
"""Pipeline reference for scband-w-dag-60421599920626 (READ-ONLY COPY).

The authoritative reference and input builder live on the scoring server;
editing this copy changes nothing except your own understanding.
"""

import jax, jax.numpy as jnp
import numpy as np

NUM_DAGS = 100000
D = 16
BATCH = 16384

def setup_inputs(seed: int = 0) -> dict:
    key = jax.random.key(seed)
    k_w, k_idx = jax.random.split(key)
    # Parameter initialized like torch.rand (uniform [0,1)); weights_init is an
    # external re-init hook in the original code, we keep a random init here.
    w = jax.random.uniform(k_w, (NUM_DAGS, D, D), dtype=jnp.float32)
    idx = jax.random.randint(k_idx, (BATCH,), 0, NUM_DAGS, dtype=jnp.int32)
    return {"w": w, "idx": idx}

def reference(w, idx):
    # forward: return self.w[idx]  -> gather rows (each row is a d x d matrix)
    return jnp.take(w, idx, axis=0)

if __name__ == "__main__":
    import jax
    _d = setup_inputs()
    print(jax.jit(kernel)(*tuple(_d.values())))

</pallas_src>

<mosaic_0001>
#map = affine_map<(d0, d1) -> (0, 0)>
#map1 = affine_map<(d0, d1) -> (0)>
module attributes {stable_mosaic.version = 14 : i64} {
  func.func @gather(%arg0: i32, %arg1: i32, %arg2: memref<256x100000xf32, #tpu.memory_space<hbm>>, %arg3: memref<16384xi32, #tpu.memory_space<hbm>>, %arg4: memref<256x16384xf32, #tpu.memory_space<hbm>>, %arg5: memref<16384xi32, #tpu.memory_space<vmem>>, %arg6: memref<100000xf32, #tpu.memory_space<vmem>>, %arg7: memref<4096xf32, #tpu.memory_space<vmem>>, %arg8: memref<4096xf32, #tpu.memory_space<vmem>>, %arg9: memref<2x!tpu.dma_semaphore, #tpu.memory_space<semaphore_mem>>) attributes {dimension_semantics = [#tpu.dimension_semantics<core_parallel>, #tpu.dimension_semantics<subcore_parallel>], iteration_bounds = array<i64: 2, 16>, scalar_prefetch = 0 : i64, scratch_operands = 5 : i64, tpu.core_type = #tpu.core_type<sc_vector_subcore>, window_params = [{transform_indices = #map}, {transform_indices = #map1}, {transform_indices = #map}]} {
    %mul3A = arith.constant 2 : i32
    %mul3A_0 = arith.muli %arg1, %mul3A : i32
    %add3A = arith.addi %mul3A_0, %arg0 : i32
    "tpu.region"() ({
      %run_scoped3A = tpu.sem_alloc : memref<!tpu.dma_semaphore, #tpu.memory_space<semaphore_mem>>
      tpu.enqueue_dma source(%arg3 : memref<16384xi32, #tpu.memory_space<hbm>>) target(%arg5 : memref<16384xi32, #tpu.memory_space<vmem>>) target_semaphore(%run_scoped3A : memref<!tpu.dma_semaphore, #tpu.memory_space<semaphore_mem>>)
      tpu.wait_dma2 semaphore(%run_scoped3A : memref<!tpu.dma_semaphore, #tpu.memory_space<semaphore_mem>>) src(%arg3 : memref<16384xi32, #tpu.memory_space<hbm>>) dst(%arg5 : memref<16384xi32, #tpu.memory_space<vmem>>)
      tpu.yield
    }) : () -> ()
    %mul3A_1 = arith.constant 8 : i32
    %mul3A_2 = arith.muli %add3A, %mul3A_1 : i32
    %add3A_3 = arith.constant 0 : i32
    %add3A_4 = arith.addi %mul3A_2, %add3A_3 : i32
    "tpu.region"() ({
      %run_scoped3A = tpu.sem_alloc : memref<!tpu.dma_semaphore, #tpu.memory_space<semaphore_mem>>
      %dma_start3A_702 = arith.constant 0 : i32
      %dma_start3A_703 = tpu.memref_slice %arg2[%add3A_4, %dma_start3A_702] : memref<256x100000xf32, #tpu.memory_space<hbm>> -> memref<1x100000xf32, #tpu.memory_space<hbm>>
      %dma_start3A_704 = tpu.memref_squeeze %dma_start3A_703 : memref<1x100000xf32, #tpu.memory_space<hbm>> -> memref<100000xf32, #tpu.memory_space<hbm>>
      %dma_start3A_705 = arith.constant 0 : i32
      %dma_start3A_706 = tpu.memref_slice %arg2[%add3A_4, %dma_start3A_705] : memref<256x100000xf32, #tpu.memory_space<hbm>> -> memref<1x100000xf32, #tpu.memory_space<hbm>>
      %dma_start3A_707 = tpu.memref_squeeze %dma_start3A_706 : memref<1x100000xf32, #tpu.memory_space<hbm>> -> memref<100000xf32, #tpu.memory_space<hbm>>
      tpu.enqueue_dma source(%dma_start3A_707 : memref<100000xf32, #tpu.memory_space<hbm>>) target(%arg6 : memref<100000xf32, #tpu.memory_space<vmem>>) target_semaphore(%run_scoped3A : memref<!tpu.dma_semaphore, #tpu.memory_space<semaphore_mem>>)
      %dma_wait3A_708 = arith.constant 0 : i32
      %dma_wait3A_709 = tpu.memref_slice %arg2[%add3A_4, %dma_wait3A_708] : memref<256x100000xf32, #tpu.memory_space<hbm>> -> memref<1x100000xf32, #tpu.memory_space<hbm>>
      %dma_wait3A_710 = tpu.memref_squeeze %dma_wait3A_709 : memref<1x100000xf32, #tpu.memory_space<hbm>> -> memref<100000xf32, #tpu.memory_space<hbm>>
      %dma_wait3A_711 = arith.constant 0 : i32
      %dma_wait3A_712 = tpu.memref_slice %arg2[%add3A_4, %dma_wait3A_711] : memref<256x100000xf32, #tpu.memory_space<hbm>> -> memref<1x100000xf32, #tpu.memory_space<hbm>>
      %dma_wait3A_713 = tpu.memref_squeeze %dma_wait3A_712 : memref<1x100000xf32, #tpu.memory_space<hbm>> -> memref<100000xf32, #tpu.memory_space<hbm>>
      tpu.wait_dma2 semaphore(%run_scoped3A : memref<!tpu.dma_semaphore, #tpu.memory_space<semaphore_mem>>) src(%dma_wait3A_713 : memref<100000xf32, #tpu.memory_space<hbm>>) dst(%arg6 : memref<100000xf32, #tpu.memory_space<vmem>>)
      tpu.yield
    }) : () -> ()
    %parallel_loop3A = arith.constant 0 : i32
    %parallel_loop3A_5 = arith.constant 256 : i32
    %parallel_loop3A_6 = arith.constant 1 : i32
    scf.for %parallel_loop3A_702 = %parallel_loop3A to %parallel_loop3A_5 step %parallel_loop3A_6  : i32 {
      %parallel_loop3A_703 = arith.constant 16 : i32
      %parallel_loop3A_704 = arith.muli %parallel_loop3A_702, %parallel_loop3A_703 : i32
      %parallel_loop3A_705 = arith.constant 0 : i32
      %parallel_loop3A_706 = arith.addi %parallel_loop3A_705, %parallel_loop3A_704 : i32
      %parallel_loop3A_707 = arith.index_cast %parallel_loop3A_706 : i32 to index
      %parallel_loop3A_708 = tpu.vector_load %arg5[%parallel_loop3A_707] {strides = array<i32>} : memref<16384xi32, #tpu.memory_space<vmem>>, vector<16xi32>,
      %parallel_loop3A_709 = tpu.vector_load_idx %arg6[%parallel_loop3A_708] : memref<100000xf32, #tpu.memory_space<vmem>>[vector<16xi32>], vector<16xf32>,
      %parallel_loop3A_710 = arith.constant 16 : i32
      %parallel_loop3A_711 = arith.muli %parallel_loop3A_702, %parallel_loop3A_710 : i32
      %parallel_loop3A_712 = arith.index_cast %parallel_loop3A_711 : i32 to index
      %parallel_loop3A_713 = tpu.vector_load %arg7[%parallel_loop3A_712] {strides = array<i32>} : memref<4096xf32, #tpu.memory_space<vmem>>, vector<16xf32>,
      tpu.vector_store %arg7[%parallel_loop3A_712], %parallel_loop3A_709 {strides = array<i32>} : memref<4096xf32, #tpu.memory_space<vmem>>, vector<16xf32>,
    } {sc.loop_unroll_factor = 8 : i64, sc.parallel_access}
    %dma_start3A = arith.constant 0 : i32
    %dma_start3A_7 = arith.constant 0 : i32
    %dma_start3A_8 = tpu.memref_slice %arg4[%add3A_4, %dma_start3A_7] : memref<256x16384xf32, #tpu.memory_space<hbm>> -> memref<1x4096xf32, #tpu.memory_space<hbm>>
    %dma_start3A_9 = tpu.memref_squeeze %dma_start3A_8 : memref<1x4096xf32, #tpu.memory_space<hbm>> -> memref<4096xf32, #tpu.memory_space<hbm>>
    %dma_start3A_10 = tpu.memref_slice %arg9[%dma_start3A] : memref<2x!tpu.dma_semaphore, #tpu.memory_space<semaphore_mem>> -> memref<1x!tpu.dma_semaphore, #tpu.memory_space<semaphore_mem>>
    %dma_start3A_11 = tpu.memref_squeeze %dma_start3A_10 : memref<1x!tpu.dma_semaphore, #tpu.memory_space<semaphore_mem>> -> memref<!tpu.dma_semaphore, #tpu.memory_space<semaphore_mem>>
    %dma_start3A_12 = arith.constant 0 : i32
    %dma_start3A_13 = tpu.memref_slice %arg4[%add3A_4, %dma_start3A_12] : memref<256x16384xf32, #tpu.memory_space<hbm>> -> memref<1x4096xf32, #tpu.memory_space<hbm>>
    %dma_start3A_14 = tpu.memref_squeeze %dma_start3A_13 : memref<1x4096xf32, #tpu.memory_space<hbm>> -> memref<4096xf32, #tpu.memory_space<hbm>>
    tpu.enqueue_dma source(%arg7 : memref<4096xf32, #tpu.memory_space<vmem>>) target(%dma_start3A_14 : memref<4096xf32, #tpu.memory_space<hbm>>) target_semaphore(%dma_start3A_11 : memref<!tpu.dma_semaphore, #tpu.memory_space<semaphore_mem>>)
    %parallel_loop3A_15 = arith.constant 0 : i32
    %parallel_loop3A_16 = arith.constant 256 : i32
    %parallel_loop3A_17 = arith.constant 1 : i32
    scf.for %parallel_loop3A_702 = %parallel_loop3A_15 to %parallel_loop3A_16 step %parallel_loop3A_17  : i32 {
      %parallel_loop3A_703 = arith.constant 16 : i32
      %parallel_loop3A_704 = arith.muli %parallel_loop3A_702, %parallel_loop3A_703 : i32
      %parallel_loop3A_705 = arith.constant 4096 : i32
      %parallel_loop3A_706 = arith.addi %parallel_loop3A_705, %parallel_loop3A_704 : i32
      %parallel_loop3A_707 = arith.index_cast %parallel_loop3A_706 : i32 to index
      %parallel_loop3A_708 = tpu.vector_load %arg5[%parallel_loop3A_707] {strides = array<i32>} : memref<16384xi32, #tpu.memory_space<vmem>>, vector<16xi32>,
      %parallel_loop3A_709 = tpu.vector_load_idx %arg6[%parallel_loop3A_708] : memref<100000xf32, #tpu.memory_space<vmem>>[vector<16xi32>], vector<16xf32>,
      %parallel_loop3A_710 = arith.constant 16 : i32
      %parallel_loop3A_711 = arith.muli %parallel_loop3A_702, %parallel_loop3A_710 : i32
      %parallel_loop3A_712 = arith.index_cast %parallel_loop3A_711 : i32 to index
      %parallel_loop3A_713 = tpu.vector_load %arg8[%parallel_loop3A_712] {strides = array<i32>} : memref<4096xf32, #tpu.memory_space<vmem>>, vector<16xf32>,
      tpu.vector_store %arg8[%parallel_loop3A_712], %parallel_loop3A_709 {strides = array<i32>} : memref<4096xf32, #tpu.memory_space<vmem>>, vector<16xf32>,
    } {sc.loop_unroll_factor = 8 : i64, sc.parallel_access}
    %dma_start3A_18 = arith.constant 1 : i32
    %dma_start3A_19 = arith.constant 4096 : i32
    %dma_start3A_20 = tpu.memref_slice %arg4[%add3A_4, %dma_start3A_19] : memref<256x16384xf32, #tpu.memory_space<hbm>> -> memref<1x4096xf32, #tpu.memory_space<hbm>>
    %dma_start3A_21 = tpu.memref_squeeze %dma_start3A_20 : memref<1x4096xf32, #tpu.memory_space<hbm>> -> memref<4096xf32, #tpu.memory_space<hbm>>
    %dma_start3A_22 = tpu.memref_slice %arg9[%dma_start3A_18] : memref<2x!tpu.dma_semaphore, #tpu.memory_space<semaphore_mem>> -> memref<1x!tpu.dma_semaphore, #tpu.memory_space<semaphore_mem>>
    %dma_start3A_23 = tpu.memref_squeeze %dma_start3A_22 : memref<1x!tpu.dma_semaphore, #tpu.memory_space<semaphore_mem>> -> memref<!tpu.dma_semaphore, #tpu.memory_space<semaphore_mem>>
    %dma_start3A_24 = arith.constant 4096 : i32
    %dma_start3A_25 = tpu.memref_slice %arg4[%add3A_4, %dma_start3A_24] : memref<256x16384xf32, #tpu.memory_space<hbm>> -> memref<1x4096xf32, #tpu.memory_space<hbm>>
    %dma_start3A_26 = tpu.memref_squeeze %dma_start3A_25 : memref<1x4096xf32, #tpu.memory_space<hbm>> -> memref<4096xf32, #tpu.memory_space<hbm>>
    tpu.enqueue_dma source(%arg8 : memref<4096xf32, #tpu.memory_space<vmem>>) target(%dma_start3A_26 : memref<4096xf32, #tpu.memory_space<hbm>>) target_semaphore(%dma_start3A_23 : memref<!tpu.dma_semaphore, #tpu.memory_space<semaphore_mem>>)
    %dma_wait3A = arith.constant 0 : i32
    %dma_wait3A_27 = arith.constant 0 : i32
    %dma_wait3A_28 = tpu.memref_slice %arg4[%add3A_4, %dma_wait3A_27] : memref<256x16384xf32, #tpu.memory_space<hbm>> -> memref<1x4096xf32, #tpu.memory_space<hbm>>
    %dma_wait3A_29 = tpu.memref_squeeze %dma_wait3A_28 : memref<1x4096xf32, #tpu.memory_space<hbm>> -> memref<4096xf32, #tpu.memory_space<hbm>>
    %dma_wait3A_30 = tpu.memref_slice %arg9[%dma_wait3A] : memref<2x!tpu.dma_semaphore, #tpu.memory_space<semaphore_mem>> -> memref<1x!tpu.dma_semaphore, #tpu.memory_space<semaphore_mem>>
    %dma_wait3A_31 = tpu.memref_squeeze %dma_wait3A_30 : memref<1x!tpu.dma_semaphore, #tpu.memory_space<semaphore_mem>> -> memref<!tpu.dma_semaphore, #tpu.memory_space<semaphore_mem>>
    %dma_wait3A_32 = arith.constant 0 : i32
    %dma_wait3A_33 = tpu.memref_slice %arg4[%add3A_4, %dma_wait3A_32] : memref<256x16384xf32, #tpu.memory_space<hbm>> -> memref<1x4096xf32, #tpu.memory_space<hbm>>
    %dma_wait3A_34 = tpu.memref_squeeze %dma_wait3A_33 : memref<1x4096xf32, #tpu.memory_space<hbm>> -> memref<4096xf32, #tpu.memory_space<hbm>>
    tpu.wait_dma2 semaphore(%dma_wait3A_31 : memref<!tpu.dma_semaphore, #tpu.memory_space<semaphore_mem>>) src(%arg7 : memref<4096xf32, #tpu.memory_space<vmem>>) dst(%dma_wait3A_34 : memref<4096xf32, #tpu.memory_space<hbm>>)
    %parallel_loop3A_35 = arith.constant 0 : i32
    %parallel_loop3A_36 = arith.constant 256 : i32
    %parallel_loop3A_37 = arith.constant 1 : i32
    scf.for %parallel_loop3A_702 = %parallel_loop3A_35 to %parallel_loop3A_36 step %parallel_loop3A_37  : i32 {
      %parallel_loop3A_703 = arith.constant 16 : i32
      %parallel_loop3A_704 = arith.muli %parallel_loop3A_702, %parallel_loop3A_703 : i32
      %parallel_loop3A_705 = arith.constant 8192 : i32
      %parallel_loop3A_706 = arith.addi %parallel_loop3A_705, %parallel_loop3A_704 : i32
      %parallel_loop3A_707 = arith.index_cast %parallel_loop3A_706 : i32 to index
      %parallel_loop3A_708 = tpu.vector_load %arg5[%parallel_loop3A_707] {strides = array<i32>} : memref<16384xi32, #tpu.memory_space<vmem>>, vector<16xi32>,
      %parallel_loop3A_709 = tpu.vector_load_idx %arg6[%parallel_loop3A_708] : memref<100000xf32, #tpu.memory_space<vmem>>[vector<16xi32>], vector<16xf32>,
      %parallel_loop3A_710 = arith.constant 16 : i32
      %parallel_loop3A_711 = arith.muli %parallel_loop3A_702, %parallel_loop3A_710 : i32
      %parallel_loop3A_712 = arith.index_cast %parallel_loop3A_711 : i32 to index
      %parallel_loop3A_713 = tpu.vector_load %arg7[%parallel_loop3A_712] {strides = array<i32>} : memref<4096xf32, #tpu.memory_space<vmem>>, vector<16xf32>,
      tpu.vector_store %arg7[%parallel_loop3A_712], %parallel_loop3A_709 {strides = array<i32>} : memref<4096xf32, #tpu.memory_space<vmem>>, vector<16xf32>,
    } {sc.loop_unroll_factor = 8 : i64, sc.parallel_access}
    %dma_start3A_38 = arith.constant 0 : i32
    %dma_start3A_39 = arith.constant 8192 : i32
    %dma_start3A_40 = tpu.memref_slice %arg4[%add3A_4, %dma_start3A_39] : memref<256x16384xf32, #tpu.memory_space<hbm>> -> memref<1x4096xf32, #tpu.memory_space<hbm>>
    %dma_start3A_41 = tpu.memref_squeeze %dma_start3A_40 : memref<1x4096xf32, #tpu.memory_space<hbm>> -> memref<4096xf32, #tpu.memory_space<hbm>>
    %dma_start3A_42 = tpu.memref_slice %arg9[%dma_start3A_38] : memref<2x!tpu.dma_semaphore, #tpu.memory_space<semaphore_mem>> -> memref<1x!tpu.dma_semaphore, #tpu.memory_space<semaphore_mem>>
    %dma_start3A_43 = tpu.memref_squeeze %dma_start3A_42 : memref<1x!tpu.dma_semaphore, #tpu.memory_space<semaphore_mem>> -> memref<!tpu.dma_semaphore, #tpu.memory_space<semaphore_mem>>
    %dma_start3A_44 = arith.constant 8192 : i32
    %dma_start3A_45 = tpu.memref_slice %arg4[%add3A_4, %dma_start3A_44] : memref<256x16384xf32, #tpu.memory_space<hbm>> -> memref<1x4096xf32, #tpu.memory_space<hbm>>
    %dma_start3A_46 = tpu.memref_squeeze %dma_start3A_45 : memref<1x4096xf32, #tpu.memory_space<hbm>> -> memref<4096xf32, #tpu.memory_space<hbm>>
    tpu.enqueue_dma source(%arg7 : memref<4096xf32, #tpu.memory_space<vmem>>) target(%dma_start3A_46 : memref<4096xf32, #tpu.memory_space<hbm>>) target_semaphore(%dma_start3A_43 : memref<!tpu.dma_semaphore, #tpu.memory_space<semaphore_mem>>)
    %dma_wait3A_47 = arith.constant 1 : i32
    %dma_wait3A_48 = arith.constant 4096 : i32
    %dma_wait3A_49 = tpu.memref_slice %arg4[%add3A_4, %dma_wait3A_48] : memref<256x16384xf32, #tpu.memory_space<hbm>> -> memref<1x4096xf32, #tpu.memory_space<hbm>>
    %dma_wait3A_50 = tpu.memref_squeeze %dma_wait3A_49 : memref<1x4096xf32, #tpu.memory_space<hbm>> -> memref<4096xf32, #tpu.memory_space<hbm>>
    %dma_wait3A_51 = tpu.memref_slice %arg9[%dma_wait3A_47] : memref<2x!tpu.dma_semaphore, #tpu.memory_space<semaphore_mem>> -> memref<1x!tpu.dma_semaphore, #tpu.memory_space<semaphore_mem>>
    %dma_wait3A_52 = tpu.memref_squeeze %dma_wait3A_51 : memref<1x!tpu.dma_semaphore, #tpu.memory_space<semaphore_mem>> -> memref<!tpu.dma_semaphore, #tpu.memory_space<semaphore_mem>>
    %dma_wait3A_53 = arith.constant 4096 : i32
    %dma_wait3A_54 = tpu.memref_slice %arg4[%add3A_4, %dma_wait3A_53] : memref<256x16384xf32, #tpu.memory_space<hbm>> -> memref<1x4096xf32, #tpu.memory_space<hbm>>
    %dma_wait3A_55 = tpu.memref_squeeze %dma_wait3A_54 : memref<1x4096xf32, #tpu.memory_space<hbm>> -> memref<4096xf32, #tpu.memory_space<hbm>>
    tpu.wait_dma2 semaphore(%dma_wait3A_52 : memref<!tpu.dma_semaphore, #tpu.memory_space<semaphore_mem>>) src(%arg8 : memref<4096xf32, #tpu.memory_space<vmem>>) dst(%dma_wait3A_55 : memref<4096xf32, #tpu.memory_space<hbm>>)
    %parallel_loop3A_56 = arith.constant 0 : i32
    %parallel_loop3A_57 = arith.constant 256 : i32
    %parallel_loop3A_58 = arith.constant 1 : i32
    scf.for %parallel_loop3A_702 = %parallel_loop3A_56 to %parallel_loop3A_57 step %parallel_loop3A_58  : i32 {
      %parallel_loop3A_703 = arith.constant 16 : i32
      %parallel_loop3A_704 = arith.muli %parallel_loop3A_702, %parallel_loop3A_703 : i32
      %parallel_loop3A_705 = arith.constant 12288 : i32
      %parallel_loop3A_706 = arith.addi %parallel_loop3A_705, %parallel_loop3A_704 : i32
      %parallel_loop3A_707 = arith.index_cast %parallel_loop3A_706 : i32 to index
      %parallel_loop3A_708 = tpu.vector_load %arg5[%parallel_loop3A_707] {strides = array<i32>} : memref<16384xi32, #tpu.memory_space<vmem>>, vector<16xi32>,
      %parallel_loop3A_709 = tpu.vector_load_idx %arg6[%parallel_loop3A_708] : memref<100000xf32, #tpu.memory_space<vmem>>[vector<16xi32>], vector<16xf32>,
      %parallel_loop3A_710 = arith.constant 16 : i32
      %parallel_loop3A_711 = arith.muli %parallel_loop3A_702, %parallel_loop3A_710 : i32
      %parallel_loop3A_712 = arith.index_cast %parallel_loop3A_711 : i32 to index
      %parallel_loop3A_713 = tpu.vector_load %arg8[%parallel_loop3A_712] {strides = array<i32>} : memref<4096xf32, #tpu.memory_space<vmem>>, vector<16xf32>,
      tpu.vector_store %arg8[%parallel_loop3A_712], %parallel_loop3A_709 {strides = array<i32>} : memref<4096xf32, #tpu.memory_space<vmem>>, vector<16xf32>,
    } {sc.loop_unroll_factor = 8 : i64, sc.parallel_access}
    %dma_start3A_59 = arith.constant 1 : i32
    %dma_start3A_60 = arith.constant 12288 : i32
    %dma_start3A_61 = tpu.memref_slice %arg4[%add3A_4, %dma_start3A_60] : memref<256x16384xf32, #tpu.memory_space<hbm>> -> memref<1x4096xf32, #tpu.memory_space<hbm>>
    %dma_start3A_62 = tpu.memref_squeeze %dma_start3A_61 : memref<1x4096xf32, #tpu.memory_space<hbm>> -> memref<4096xf32, #tpu.memory_space<hbm>>
    %dma_start3A_63 = tpu.memref_slice %arg9[%dma_start3A_59] : memref<2x!tpu.dma_semaphore, #tpu.memory_space<semaphore_mem>> -> memref<1x!tpu.dma_semaphore, #tpu.memory_space<semaphore_mem>>
    %dma_start3A_64 = tpu.memref_squeeze %dma_start3A_63 : memref<1x!tpu.dma_semaphore, #tpu.memory_space<semaphore_mem>> -> memref<!tpu.dma_semaphore, #tpu.memory_space<semaphore_mem>>
    %dma_start3A_65 = arith.constant 12288 : i32
    %dma_start3A_66 = tpu.memref_slice %arg4[%add3A_4, %dma_start3A_65] : memref<256x16384xf32, #tpu.memory_space<hbm>> -> memref<1x4096xf32, #tpu.memory_space<hbm>>
    %dma_start3A_67 = tpu.memref_squeeze %dma_start3A_66 : memref<1x4096xf32, #tpu.memory_space<hbm>> -> memref<4096xf32, #tpu.memory_space<hbm>>
    tpu.enqueue_dma source(%arg8 : memref<4096xf32, #tpu.memory_space<vmem>>) target(%dma_start3A_67 : memref<4096xf32, #tpu.memory_space<hbm>>) target_semaphore(%dma_start3A_64 : memref<!tpu.dma_semaphore, #tpu.memory_space<semaphore_mem>>)
    %mul3A_68 = arith.constant 8 : i32
    %mul3A_69 = arith.muli %add3A, %mul3A_68 : i32
    %add3A_70 = arith.constant 1 : i32
    %add3A_71 = arith.addi %mul3A_69, %add3A_70 : i32
    "tpu.region"() ({
      %run_scoped3A = tpu.sem_alloc : memref<!tpu.dma_semaphore, #tpu.memory_space<semaphore_mem>>
      %dma_start3A_702 = arith.constant 0 : i32
      %dma_start3A_703 = tpu.memref_slice %arg2[%add3A_71, %dma_start3A_702] : memref<256x100000xf32, #tpu.memory_space<hbm>> -> memref<1x100000xf32, #tpu.memory_space<hbm>>
      %dma_start3A_704 = tpu.memref_squeeze %dma_start3A_703 : memref<1x100000xf32, #tpu.memory_space<hbm>> -> memref<100000xf32, #tpu.memory_space<hbm>>
      %dma_start3A_705 = arith.constant 0 : i32
      %dma_start3A_706 = tpu.memref_slice %arg2[%add3A_71, %dma_start3A_705] : memref<256x100000xf32, #tpu.memory_space<hbm>> -> memref<1x100000xf32, #tpu.memory_space<hbm>>
      %dma_start3A_707 = tpu.memref_squeeze %dma_start3A_706 : memref<1x100000xf32, #tpu.memory_space<hbm>> -> memref<100000xf32, #tpu.memory_space<hbm>>
      tpu.enqueue_dma source(%dma_start3A_707 : memref<100000xf32, #tpu.memory_space<hbm>>) target(%arg6 : memref<100000xf32, #tpu.memory_space<vmem>>) target_semaphore(%run_scoped3A : memref<!tpu.dma_semaphore, #tpu.memory_space<semaphore_mem>>)
      %dma_wait3A_708 = arith.constant 0 : i32
      %dma_wait3A_709 = tpu.memref_slice %arg2[%add3A_71, %dma_wait3A_708] : memref<256x100000xf32, #tpu.memory_space<hbm>> -> memref<1x100000xf32, #tpu.memory_space<hbm>>
      %dma_wait3A_710 = tpu.memref_squeeze %dma_wait3A_709 : memref<1x100000xf32, #tpu.memory_space<hbm>> -> memref<100000xf32, #tpu.memory_space<hbm>>
      %dma_wait3A_711 = arith.constant 0 : i32
      %dma_wait3A_712 = tpu.memref_slice %arg2[%add3A_71, %dma_wait3A_711] : memref<256x100000xf32, #tpu.memory_space<hbm>> -> memref<1x100000xf32, #tpu.memory_space<hbm>>
      %dma_wait3A_713 = tpu.memref_squeeze %dma_wait3A_712 : memref<1x100000xf32, #tpu.memory_space<hbm>> -> memref<100000xf32, #tpu.memory_space<hbm>>
      tpu.wait_dma2 semaphore(%run_scoped3A : memref<!tpu.dma_semaphore, #tpu.memory_space<semaphore_mem>>) src(%dma_wait3A_713 : memref<100000xf32, #tpu.memory_space<hbm>>) dst(%arg6 : memref<100000xf32, #tpu.memory_space<vmem>>)
      tpu.yield
    }) : () -> ()
    %dma_wait3A_72 = arith.constant 0 : i32
    %dma_wait3A_73 = arith.constant 8192 : i32
    %dma_wait3A_74 = tpu.memref_slice %arg4[%add3A_4, %dma_wait3A_73] : memref<256x16384xf32, #tpu.memory_space<hbm>> -> memref<1x4096xf32, #tpu.memory_space<hbm>>
    %dma_wait3A_75 = tpu.memref_squeeze %dma_wait3A_74 : memref<1x4096xf32, #tpu.memory_space<hbm>> -> memref<4096xf32, #tpu.memory_space<hbm>>
    %dma_wait3A_76 = tpu.memref_slice %arg9[%dma_wait3A_72] : memref<2x!tpu.dma_semaphore, #tpu.memory_space<semaphore_mem>> -> memref<1x!tpu.dma_semaphore, #tpu.memory_space<semaphore_mem>>
    %dma_wait3A_77 = tpu.memref_squeeze %dma_wait3A_76 : memref<1x!tpu.dma_semaphore, #tpu.memory_space<semaphore_mem>> -> memref<!tpu.dma_semaphore, #tpu.memory_space<semaphore_mem>>
    %dma_wait3A_78 = arith.constant 8192 : i32
    %dma_wait3A_79 = tpu.memref_slice %arg4[%add3A_4, %dma_wait3A_78] : memref<256x16384xf32, #tpu.memory_space<hbm>> -> memref<1x4096xf32, #tpu.memory_space<hbm>>
    %dma_wait3A_80 = tpu.memref_squeeze %dma_wait3A_79 : memref<1x4096xf32, #tpu.memory_space<hbm>> -> memref<4096xf32, #tpu.memory_space<hbm>>
    tpu.wait_dma2 semaphore(%dma_wait3A_77 : memref<!tpu.dma_semaphore, #tpu.memory_space<semaphore_mem>>) src(%arg7 : memref<4096xf32, #tpu.memory_space<vmem>>) dst(%dma_wait3A_80 : memref<4096xf32, #tpu.memory_space<hbm>>)
    %parallel_loop3A_81 = arith.constant 0 : i32
    %parallel_loop3A_82 = arith.constant 256 : i32
    %parallel_loop3A_83 = arith.constant 1 : i32
    scf.for %parallel_loop3A_702 = %parallel_loop3A_81 to %parallel_loop3A_82 step %parallel_loop3A_83  : i32 {
      %parallel_loop3A_703 = arith.constant 16 : i32
      %parallel_loop3A_704 = arith.muli %parallel_loop3A_702, %parallel_loop3A_703 : i32
      %parallel_loop3A_705 = arith.constant 0 : i32
      %parallel_loop3A_706 = arith.addi %parallel_loop3A_705, %parallel_loop3A_704 : i32
      %parallel_loop3A_707 = arith.index_cast %parallel_loop3A_706 : i32 to index
      %parallel_loop3A_708 = tpu.vector_load %arg5[%parallel_loop3A_707] {strides = array<i32>} : memref<16384xi32, #tpu.memory_space<vmem>>, vector<16xi32>,
      %parallel_loop3A_709 = tpu.vector_load_idx %arg6[%parallel_loop3A_708] : memref<100000xf32, #tpu.memory_space<vmem>>[vector<16xi32>], vector<16xf32>,
      %parallel_loop3A_710 = arith.constant 16 : i32
      %parallel_loop3A_711 = arith.muli %parallel_loop3A_702, %parallel_loop3A_710 : i32
      %parallel_loop3A_712 = arith.index_cast %parallel_loop3A_711 : i32 to index
      %parallel_loop3A_713 = tpu.vector_load %arg7[%parallel_loop3A_712] {strides = array<i32>} : memref<4096xf32, #tpu.memory_space<vmem>>, vector<16xf32>,
      tpu.vector_store %arg7[%parallel_loop3A_712], %parallel_loop3A_709 {strides = array<i32>} : memref<4096xf32, #tpu.memory_space<vmem>>, vector<16xf32>,
    } {sc.loop_unroll_factor = 8 : i64, sc.parallel_access}
    %dma_start3A_84 = arith.constant 0 : i32
    %dma_start3A_85 = arith.constant 0 : i32
    %dma_start3A_86 = tpu.memref_slice %arg4[%add3A_71, %dma_start3A_85] : memref<256x16384xf32, #tpu.memory_space<hbm>> -> memref<1x4096xf32, #tpu.memory_space<hbm>>
    %dma_start3A_87 = tpu.memref_squeeze %dma_start3A_86 : memref<1x4096xf32, #tpu.memory_space<hbm>> -> memref<4096xf32, #tpu.memory_space<hbm>>
    %dma_start3A_88 = tpu.memref_slice %arg9[%dma_start3A_84] : memref<2x!tpu.dma_semaphore, #tpu.memory_space<semaphore_mem>> -> memref<1x!tpu.dma_semaphore, #tpu.memory_space<semaphore_mem>>
    %dma_start3A_89 = tpu.memref_squeeze %dma_start3A_88 : memref<1x!tpu.dma_semaphore, #tpu.memory_space<semaphore_mem>> -> memref<!tpu.dma_semaphore, #tpu.memory_space<semaphore_mem>>
    %dma_start3A_90 = arith.constant 0 : i32
    %dma_start3A_91 = tpu.memref_slice %arg4[%add3A_71, %dma_start3A_90] : memref<256x16384xf32, #tpu.memory_space<hbm>> -> memref<1x4096xf32, #tpu.memory_space<hbm>>
    %dma_start3A_92 = tpu.memref_squeeze %dma_start3A_91 : memref<1x4096xf32, #tpu.memory_space<hbm>> -> memref<4096xf32, #tpu.memory_space<hbm>>
    tpu.enqueue_dma source(%arg7 : memref<4096xf32, #tpu.memory_space<vmem>>) target(%dma_start3A_92 : memref<4096xf32, #tpu.memory_space<hbm>>) target_semaphore(%dma_start3A_89 : memref<!tpu.dma_semaphore, #tpu.memory_space<semaphore_mem>>)
    %dma_wait3A_93 = arith.constant 1 : i32
    %dma_wait3A_94 = arith.constant 12288 : i32
    %dma_wait3A_95 = tpu.memref_slice %arg4[%add3A_4, %dma_wait3A_94] : memref<256x16384xf32, #tpu.memory_space<hbm>> -> memref<1x4096xf32, #tpu.memory_space<hbm>>
    %dma_wait3A_96 = tpu.memref_squeeze %dma_wait3A_95 : memref<1x4096xf32, #tpu.memory_space<hbm>> -> memref<4096xf32, #tpu.memory_space<hbm>>
    %dma_wait3A_97 = tpu.memref_slice %arg9[%dma_wait3A_93] : memref<2x!tpu.dma_semaphore, #tpu.memory_space<semaphore_mem>> -> memref<1x!tpu.dma_semaphore, #tpu.memory_space<semaphore_mem>>
    %dma_wait3A_98 = tpu.memref_squeeze %dma_wait3A_97 : memref<1x!tpu.dma_semaphore, #tpu.memory_space<semaphore_mem>> -> memref<!tpu.dma_semaphore, #tpu.memory_space<semaphore_mem>>
    %dma_wait3A_99 = arith.constant 12288 : i32
    %dma_wait3A_100 = tpu.memref_slice %arg4[%add3A_4, %dma_wait3A_99] : memref<256x16384xf32, #tpu.memory_space<hbm>> -> memref<1x4096xf32, #tpu.memory_space<hbm>>
    %dma_wait3A_101 = tpu.memref_squeeze %dma_wait3A_100 : memref<1x4096xf32, #tpu.memory_space<hbm>> -> memref<4096xf32, #tpu.memory_space<hbm>>
    tpu.wait_dma2 semaphore(%dma_wait3A_98 : memref<!tpu.dma_semaphore, #tpu.memory_space<semaphore_mem>>) src(%arg8 : memref<4096xf32, #tpu.memory_space<vmem>>) dst(%dma_wait3A_101 : memref<4096xf32, #tpu.memory_space<hbm>>)
    %parallel_loop3A_102 = arith.constant 0 : i32
    %parallel_loop3A_103 = arith.constant 256 : i32
    %parallel_loop3A_104 = arith.constant 1 : i32
    scf.for %parallel_loop3A_702 = %parallel_loop3A_102 to %parallel_loop3A_103 step %parallel_loop3A_104  : i32 {
      %parallel_loop3A_703 = arith.constant 16 : i32
      %parallel_loop3A_704 = arith.muli %parallel_loop3A_702, %parallel_loop3A_703 : i32
      %parallel_loop3A_705 = arith.constant 4096 : i32
      %parallel_loop3A_706 = arith.addi %parallel_loop3A_705, %parallel_loop3A_704 : i32
      %parallel_loop3A_707 = arith.index_cast %parallel_loop3A_706 : i32 to index
      %parallel_loop3A_708 = tpu.vector_load %arg5[%parallel_loop3A_707] {strides = array<i32>} : memref<16384xi32, #tpu.memory_space<vmem>>, vector<16xi32>,
      %parallel_loop3A_709 = tpu.vector_load_idx %arg6[%parallel_loop3A_708] : memref<100000xf32, #tpu.memory_space<vmem>>[vector<16xi32>], vector<16xf32>,
      %parallel_loop3A_710 = arith.constant 16 : i32
      %parallel_loop3A_711 = arith.muli %parallel_loop3A_702, %parallel_loop3A_710 : i32
      %parallel_loop3A_712 = arith.index_cast %parallel_loop3A_711 : i32 to index
      %parallel_loop3A_713 = tpu.vector_load %arg8[%parallel_loop3A_712] {strides = array<i32>} : memref<4096xf32, #tpu.memory_space<vmem>>, vector<16xf32>,
      tpu.vector_store %arg8[%parallel_loop3A_712], %parallel_loop3A_709 {strides = array<i32>} : memref<4096xf32, #tpu.memory_space<vmem>>, vector<16xf32>,
    } {sc.loop_unroll_factor = 8 : i64, sc.parallel_access}
    %dma_start3A_105 = arith.constant 1 : i32
    %dma_start3A_106 = arith.constant 4096 : i32
    %dma_start3A_107 = tpu.memref_slice %arg4[%add3A_71, %dma_start3A_106] : memref<256x16384xf32, #tpu.memory_space<hbm>> -> memref<1x4096xf32, #tpu.memory_space<hbm>>
    %dma_start3A_108 = tpu.memref_squeeze %dma_start3A_107 : memref<1x4096xf32, #tpu.memory_space<hbm>> -> memref<4096xf32, #tpu.memory_space<hbm>>
    %dma_start3A_109 = tpu.memref_slice %arg9[%dma_start3A_105] : memref<2x!tpu.dma_semaphore, #tpu.memory_space<semaphore_mem>> -> memref<1x!tpu.dma_semaphore, #tpu.memory_space<semaphore_mem>>
    %dma_start3A_110 = tpu.memref_squeeze %dma_start3A_109 : memref<1x!tpu.dma_semaphore, #tpu.memory_space<semaphore_mem>> -> memref<!tpu.dma_semaphore, #tpu.memory_space<semaphore_mem>>
    %dma_start3A_111 = arith.constant 4096 : i32
    %dma_start3A_112 = tpu.memref_slice %arg4[%add3A_71, %dma_start3A_111] : memref<256x16384xf32, #tpu.memory_space<hbm>> -> memref<1x4096xf32, #tpu.memory_space<hbm>>
    %dma_start3A_113 = tpu.memref_squeeze %dma_start3A_112 : memref<1x4096xf32, #tpu.memory_space<hbm>> -> memref<4096xf32, #tpu.memory_space<hbm>>
    tpu.enqueue_dma source(%arg8 : memref<4096xf32, #tpu.memory_space<vmem>>) target(%dma_start3A_113 : memref<4096xf32, #tpu.memory_space<hbm>>) target_semaphore(%dma_start3A_110 : memref<!tpu.dma_semaphore, #tpu.memory_space<semaphore_mem>>)
    %dma_wait3A_114 = arith.constant 0 : i32
    %dma_wait3A_115 = arith.constant 0 : i32
    %dma_wait3A_116 = tpu.memref_slice %arg4[%add3A_71, %dma_wait3A_115] : memref<256x16384xf32, #tpu.memory_space<hbm>> -> memref<1x4096xf32, #tpu.memory_space<hbm>>
    %dma_wait3A_117 = tpu.memref_squeeze %dma_wait3A_116 : memref<1x4096xf32, #tpu.memory_space<hbm>> -> memref<4096xf32, #tpu.memory_space<hbm>>
    %dma_wait3A_118 = tpu.memref_slice %arg9[%dma_wait3A_114] : memref<2x!tpu.dma_semaphore, #tpu.memory_space<semaphore_mem>> -> memref<1x!tpu.dma_semaphore, #tpu.memory_space<semaphore_mem>>
    %dma_wait3A_119 = tpu.memref_squeeze %dma_wait3A_118 : memref<1x!tpu.dma_semaphore, #tpu.memory_space<semaphore_mem>> -> memref<!tpu.dma_semaphore, #tpu.memory_space<semaphore_mem>>
    %dma_wait3A_120 = arith.constant 0 : i32
    %dma_wait3A_121 = tpu.memref_slice %arg4[%add3A_71, %dma_wait3A_120] : memref<256x16384xf32, #tpu.memory_space<hbm>> -> memref<1x4096xf32, #tpu.memory_space<hbm>>
    %dma_wait3A_122 = tpu.memref_squeeze %dma_wait3A_121 : memref<1x4096xf32, #tpu.memory_space<hbm>> -> memref<4096xf32, #tpu.memory_space<hbm>>
    tpu.wait_dma2 semaphore(%dma_wait3A_119 : memref<!tpu.dma_semaphore, #tpu.memory_space<semaphore_mem>>) src(%arg7 : memref<4096xf32, #tpu.memory_space<vmem>>) dst(%dma_wait3A_122 : memref<4096xf32, #tpu.memory_space<hbm>>)
    %parallel_loop3A_123 = arith.constant 0 : i32
    %parallel_loop3A_124 = arith.constant 256 : i32
    %parallel_loop3A_125 = arith.constant 1 : i32
    scf.for %parallel_loop3A_702 = %parallel_loop3A_123 to %parallel_loop3A_124 step %parallel_loop3A_125  : i32 {
      %parallel_loop3A_703 = arith.constant 16 : i32
      %parallel_loop3A_704 = arith.muli %parallel_loop3A_702, %parallel_loop3A_703 : i32
      %parallel_loop3A_705 = arith.constant 8192 : i32
      %parallel_loop3A_706 = arith.addi %parallel_loop3A_705, %parallel_loop3A_704 : i32
      %parallel_loop3A_707 = arith.index_cast %parallel_loop3A_706 : i32 to index
      %parallel_loop3A_708 = tpu.vector_load %arg5[%parallel_loop3A_707] {strides = array<i32>} : memref<16384xi32, #tpu.memory_space<vmem>>, vector<16xi32>,
      %parallel_loop3A_709 = tpu.vector_load_idx %arg6[%parallel_loop3A_708] : memref<100000xf32, #tpu.memory_space<vmem>>[vector<16xi32>], vector<16xf32>,
      %parallel_loop3A_710 = arith.constant 16 : i32
      %parallel_loop3A_711 = arith.muli %parallel_loop3A_702, %parallel_loop3A_710 : i32
      %parallel_loop3A_712 = arith.index_cast %parallel_loop3A_711 : i32 to index
      %parallel_loop3A_713 = tpu.vector_load %arg7[%parallel_loop3A_712] {strides = array<i32>} : memref<4096xf32, #tpu.memory_space<vmem>>, vector<16xf32>,
      tpu.vector_store %arg7[%parallel_loop3A_712], %parallel_loop3A_709 {strides = array<i32>} : memref<4096xf32, #tpu.memory_space<vmem>>, vector<16xf32>,
    } {sc.loop_unroll_factor = 8 : i64, sc.parallel_access}
    %dma_start3A_126 = arith.constant 0 : i32
    %dma_start3A_127 = arith.constant 8192 : i32
    %dma_start3A_128 = tpu.memref_slice %arg4[%add3A_71, %dma_start3A_127] : memref<256x16384xf32, #tpu.memory_space<hbm>> -> memref<1x4096xf32, #tpu.memory_space<hbm>>
    %dma_start3A_129 = tpu.memref_squeeze %dma_start3A_128 : memref<1x4096xf32, #tpu.memory_space<hbm>> -> memref<4096xf32, #tpu.memory_space<hbm>>
    %dma_start3A_130 = tpu.memref_slice %arg9[%dma_start3A_126] : memref<2x!tpu.dma_semaphore, #tpu.memory_space<semaphore_mem>> -> memref<1x!tpu.dma_semaphore, #tpu.memory_space<semaphore_mem>>
    %dma_start3A_131 = tpu.memref_squeeze %dma_start3A_130 : memref<1x!tpu.dma_semaphore, #tpu.memory_space<semaphore_mem>> -> memref<!tpu.dma_semaphore, #tpu.memory_space<semaphore_mem>>
    %dma_start3A_132 = arith.constant 8192 : i32
    %dma_start3A_133 = tpu.memref_slice %arg4[%add3A_71, %dma_start3A_132] : memref<256x16384xf32, #tpu.memory_space<hbm>> -> memref<1x4096xf32, #tpu.memory_space<hbm>>
    %dma_start3A_134 = tpu.memref_squeeze %dma_start3A_133 : memref<1x4096xf32, #tpu.memory_space<hbm>> -> memref<4096xf32, #tpu.memory_space<hbm>>
    tpu.enqueue_dma source(%arg7 : memref<4096xf32, #tpu.memory_space<vmem>>) target(%dma_start3A_134 : memref<4096xf32, #tpu.memory_space<hbm>>) target_semaphore(%dma_start3A_131 : memref<!tpu.dma_semaphore, #tpu.memory_space<semaphore_mem>>)
    %dma_wait3A_135 = arith.constant 1 : i32
    %dma_wait3A_136 = arith.constant 4096 : i32
    %dma_wait3A_137 = tpu.memref_slice %arg4[%add3A_71, %dma_wait3A_136] : memref<256x16384xf32, #tpu.memory_space<hbm>> -> memref<1x4096xf32, #tpu.memory_space<hbm>>
    %dma_wait3A_138 = tpu.memref_squeeze %dma_wait3A_137 : memref<1x4096xf32, #tpu.memory_space<hbm>> -> memref<4096xf32, #tpu.memory_space<hbm>>
    %dma_wait3A_139 = tpu.memref_slice %arg9[%dma_wait3A_135] : memref<2x!tpu.dma_semaphore, #tpu.memory_space<semaphore_mem>> -> memref<1x!tpu.dma_semaphore, #tpu.memory_space<semaphore_mem>>
    %dma_wait3A_140 = tpu.memref_squeeze %dma_wait3A_139 : memref<1x!tpu.dma_semaphore, #tpu.memory_space<semaphore_mem>> -> memref<!tpu.dma_semaphore, #tpu.memory_space<semaphore_mem>>
    %dma_wait3A_141 = arith.constant 4096 : i32
    %dma_wait3A_142 = tpu.memref_slice %arg4[%add3A_71, %dma_wait3A_141] : memref<256x16384xf32, #tpu.memory_space<hbm>> -> memref<1x4096xf32, #tpu.memory_space<hbm>>
    %dma_wait3A_143 = tpu.memref_squeeze %dma_wait3A_142 : memref<1x4096xf32, #tpu.memory_space<hbm>> -> memref<4096xf32, #tpu.memory_space<hbm>>
    tpu.wait_dma2 semaphore(%dma_wait3A_140 : memref<!tpu.dma_semaphore, #tpu.memory_space<semaphore_mem>>) src(%arg8 : memref<4096xf32, #tpu.memory_space<vmem>>) dst(%dma_wait3A_143 : memref<4096xf32, #tpu.memory_space<hbm>>)
    %parallel_loop3A_144 = arith.constant 0 : i32
    %parallel_loop3A_145 = arith.constant 256 : i32
    %parallel_loop3A_146 = arith.constant 1 : i32
    scf.for %parallel_loop3A_702 = %parallel_loop3A_144 to %parallel_loop3A_145 step %parallel_loop3A_146  : i32 {
      %parallel_loop3A_703 = arith.constant 16 : i32
      %parallel_loop3A_704 = arith.muli %parallel_loop3A_702, %parallel_loop3A_703 : i32
      %parallel_loop3A_705 = arith.constant 12288 : i32
      %parallel_loop3A_706 = arith.addi %parallel_loop3A_705, %parallel_loop3A_704 : i32
      %parallel_loop3A_707 = arith.index_cast %parallel_loop3A_706 : i32 to index
      %parallel_loop3A_708 = tpu.vector_load %arg5[%parallel_loop3A_707] {strides = array<i32>} : memref<16384xi32, #tpu.memory_space<vmem>>, vector<16xi32>,
      %parallel_loop3A_709 = tpu.vector_load_idx %arg6[%parallel_loop3A_708] : memref<100000xf32, #tpu.memory_space<vmem>>[vector<16xi32>], vector<16xf32>,
      %parallel_loop3A_710 = arith.constant 16 : i32
      %parallel_loop3A_711 = arith.muli %parallel_loop3A_702, %parallel_loop3A_710 : i32
      %parallel_loop3A_712 = arith.index_cast %parallel_loop3A_711 : i32 to index
      %parallel_loop3A_713 = tpu.vector_load %arg8[%parallel_loop3A_712] {strides = array<i32>} : memref<4096xf32, #tpu.memory_space<vmem>>, vector<16xf32>,
      tpu.vector_store %arg8[%parallel_loop3A_712], %parallel_loop3A_709 {strides = array<i32>} : memref<4096xf32, #tpu.memory_space<vmem>>, vector<16xf32>,
    } {sc.loop_unroll_factor = 8 : i64, sc.parallel_access}
    %dma_start3A_147 = arith.constant 1 : i32
    %dma_start3A_148 = arith.constant 12288 : i32
    %dma_start3A_149 = tpu.memref_slice %arg4[%add3A_71, %dma_start3A_148] : memref<256x16384xf32, #tpu.memory_space<hbm>> -> memref<1x4096xf32, #tpu.memory_space<hbm>>
    %dma_start3A_150 = tpu.memref_squeeze %dma_start3A_149 : memref<1x4096xf32, #tpu.memory_space<hbm>> -> memref<4096xf32, #tpu.memory_space<hbm>>
    %dma_start3A_151 = tpu.memref_slice %arg9[%dma_start3A_147] : memref<2x!tpu.dma_semaphore, #tpu.memory_space<semaphore_mem>> -> memref<1x!tpu.dma_semaphore, #tpu.memory_space<semaphore_mem>>
    %dma_start3A_152 = tpu.memref_squeeze %dma_start3A_151 : memref<1x!tpu.dma_semaphore, #tpu.memory_space<semaphore_mem>> -> memref<!tpu.dma_semaphore, #tpu.memory_space<semaphore_mem>>
    %dma_start3A_153 = arith.constant 12288 : i32
    %dma_start3A_154 = tpu.memref_slice %arg4[%add3A_71, %dma_start3A_153] : memref<256x16384xf32, #tpu.memory_space<hbm>> -> memref<1x4096xf32, #tpu.memory_space<hbm>>
    %dma_start3A_155 = tpu.memref_squeeze %dma_start3A_154 : memref<1x4096xf32, #tpu.memory_space<hbm>> -> memref<4096xf32, #tpu.memory_space<hbm>>
    tpu.enqueue_dma source(%arg8 : memref<4096xf32, #tpu.memory_space<vmem>>) target(%dma_start3A_155 : memref<4096xf32, #tpu.memory_space<hbm>>) target_semaphore(%dma_start3A_152 : memref<!tpu.dma_semaphore, #tpu.memory_space<semaphore_mem>>)
    %mul3A_156 = arith.constant 8 : i32
    %mul3A_157 = arith.muli %add3A, %mul3A_156 : i32
    %add3A_158 = arith.constant 2 : i32
    %add3A_159 = arith.addi %mul3A_157, %add3A_158 : i32
    "tpu.region"() ({
      %run_scoped3A = tpu.sem_alloc : memref<!tpu.dma_semaphore, #tpu.memory_space<semaphore_mem>>
      %dma_start3A_702 = arith.constant 0 : i32
      %dma_start3A_703 = tpu.memref_slice %arg2[%add3A_159, %dma_start3A_702] : memref<256x100000xf32, #tpu.memory_space<hbm>> -> memref<1x100000xf32, #tpu.memory_space<hbm>>
      %dma_start3A_704 = tpu.memref_squeeze %dma_start3A_703 : memref<1x100000xf32, #tpu.memory_space<hbm>> -> memref<100000xf32, #tpu.memory_space<hbm>>
      %dma_start3A_705 = arith.constant 0 : i32
      %dma_start3A_706 = tpu.memref_slice %arg2[%add3A_159, %dma_start3A_705] : memref<256x100000xf32, #tpu.memory_space<hbm>> -> memref<1x100000xf32, #tpu.memory_space<hbm>>
      %dma_start3A_707 = tpu.memref_squeeze %dma_start3A_706 : memref<1x100000xf32, #tpu.memory_space<hbm>> -> memref<100000xf32, #tpu.memory_space<hbm>>
      tpu.enqueue_dma source(%dma_start3A_707 : memref<100000xf32, #tpu.memory_space<hbm>>) target(%arg6 : memref<100000xf32, #tpu.memory_space<vmem>>) target_semaphore(%run_scoped3A : memref<!tpu.dma_semaphore, #tpu.memory_space<semaphore_mem>>)
      %dma_wait3A_708 = arith.constant 0 : i32
      %dma_wait3A_709 = tpu.memref_slice %arg2[%add3A_159, %dma_wait3A_708] : memref<256x100000xf32, #tpu.memory_space<hbm>> -> memref<1x100000xf32, #tpu.memory_space<hbm>>
      %dma_wait3A_710 = tpu.memref_squeeze %dma_wait3A_709 : memref<1x100000xf32, #tpu.memory_space<hbm>> -> memref<100000xf32, #tpu.memory_space<hbm>>
      %dma_wait3A_711 = arith.constant 0 : i32
      %dma_wait3A_712 = tpu.memref_slice %arg2[%add3A_159, %dma_wait3A_711] : memref<256x100000xf32, #tpu.memory_space<hbm>> -> memref<1x100000xf32, #tpu.memory_space<hbm>>
      %dma_wait3A_713 = tpu.memref_squeeze %dma_wait3A_712 : memref<1x100000xf32, #tpu.memory_space<hbm>> -> memref<100000xf32, #tpu.memory_space<hbm>>
      tpu.wait_dma2 semaphore(%run_scoped3A : memref<!tpu.dma_semaphore, #tpu.memory_space<semaphore_mem>>) src(%dma_wait3A_713 : memref<100000xf32, #tpu.memory_space<hbm>>) dst(%arg6 : memref<100000xf32, #tpu.memory_space<vmem>>)
      tpu.yield
    }) : () -> ()
    %dma_wait3A_160 = arith.constant 0 : i32
    %dma_wait3A_161 = arith.constant 8192 : i32
    %dma_wait3A_162 = tpu.memref_slice %arg4[%add3A_71, %dma_wait3A_161] : memref<256x16384xf32, #tpu.memory_space<hbm>> -> memref<1x4096xf32, #tpu.memory_space<hbm>>
    %dma_wait3A_163 = tpu.memref_squeeze %dma_wait3A_162 : memref<1x4096xf32, #tpu.memory_space<hbm>> -> memref<4096xf32, #tpu.memory_space<hbm>>
    %dma_wait3A_164 = tpu.memref_slice %arg9[%dma_wait3A_160] : memref<2x!tpu.dma_semaphore, #tpu.memory_space<semaphore_mem>> -> memref<1x!tpu.dma_semaphore, #tpu.memory_space<semaphore_mem>>
    %dma_wait3A_165 = tpu.memref_squeeze %dma_wait3A_164 : memref<1x!tpu.dma_semaphore, #tpu.memory_space<semaphore_mem>> -> memref<!tpu.dma_semaphore, #tpu.memory_space<semaphore_mem>>
    %dma_wait3A_166 = arith.constant 8192 : i32
    %dma_wait3A_167 = tpu.memref_slice %arg4[%add3A_71, %dma_wait3A_166] : memref<256x16384xf32, #tpu.memory_space<hbm>> -> memref<1x4096xf32, #tpu.memory_space<hbm>>
    %dma_wait3A_168 = tpu.memref_squeeze %dma_wait3A_167 : memref<1x4096xf32, #tpu.memory_space<hbm>> -> memref<4096xf32, #tpu.memory_space<hbm>>
    tpu.wait_dma2 semaphore(%dma_wait3A_165 : memref<!tpu.dma_semaphore, #tpu.memory_space<semaphore_mem>>) src(%arg7 : memref<4096xf32, #tpu.memory_space<vmem>>) dst(%dma_wait3A_168 : memref<4096xf32, #tpu.memory_space<hbm>>)
    %parallel_loop3A_169 = arith.constant 0 : i32
    %parallel_loop3A_170 = arith.constant 256 : i32
    %parallel_loop3A_171 = arith.constant 1 : i32
    scf.for %parallel_loop3A_702 = %parallel_loop3A_169 to %parallel_loop3A_170 step %parallel_loop3A_171  : i32 {
      %parallel_loop3A_703 = arith.constant 16 : i32
      %parallel_loop3A_704 = arith.muli %parallel_loop3A_702, %parallel_loop3A_703 : i32
      %parallel_loop3A_705 = arith.constant 0 : i32
      %parallel_loop3A_706 = arith.addi %parallel_loop3A_705, %parallel_loop3A_704 : i32
      %parallel_loop3A_707 = arith.index_cast %parallel_loop3A_706 : i32 to index
      %parallel_loop3A_708 = tpu.vector_load %arg5[%parallel_loop3A_707] {strides = array<i32>} : memref<16384xi32, #tpu.memory_space<vmem>>, vector<16xi32>,
      %parallel_loop3A_709 = tpu.vector_load_idx %arg6[%parallel_loop3A_708] : memref<100000xf32, #tpu.memory_space<vmem>>[vector<16xi32>], vector<16xf32>,
      %parallel_loop3A_710 = arith.constant 16 : i32
      %parallel_loop3A_711 = arith.muli %parallel_loop3A_702, %parallel_loop3A_710 : i32
      %parallel_loop3A_712 = arith.index_cast %parallel_loop3A_711 : i32 to index
      %parallel_loop3A_713 = tpu.vector_load %arg7[%parallel_loop3A_712] {strides = array<i32>} : memref<4096xf32, #tpu.memory_space<vmem>>, vector<16xf32>,
      tpu.vector_store %arg7[%parallel_loop3A_712], %parallel_loop3A_709 {strides = array<i32>} : memref<4096xf32, #tpu.memory_space<vmem>>, vector<16xf32>,
    } {sc.loop_unroll_factor = 8 : i64, sc.parallel_access}
    %dma_start3A_172 = arith.constant 0 : i32
    %dma_start3A_173 = arith.constant 0 : i32
    %dma_start3A_174 = tpu.memref_slice %arg4[%add3A_159, %dma_start3A_173] : memref<256x16384xf32, #tpu.memory_space<hbm>> -> memref<1x4096xf32, #tpu.memory_space<hbm>>
    %dma_start3A_175 = tpu.memref_squeeze %dma_start3A_174 : memref<1x4096xf32, #tpu.memory_space<hbm>> -> memref<4096xf32, #tpu.memory_space<hbm>>
    %dma_start3A_176 = tpu.memref_slice %arg9[%dma_start3A_172] : memref<2x!tpu.dma_semaphore, #tpu.memory_space<semaphore_mem>> -> memref<1x!tpu.dma_semaphore, #tpu.memory_space<semaphore_mem>>
    %dma_start3A_177 = tpu.memref_squeeze %dma_start3A_176 : memref<1x!tpu.dma_semaphore, #tpu.memory_space<semaphore_mem>> -> memref<!tpu.dma_semaphore, #tpu.memory_space<semaphore_mem>>
    %dma_start3A_178 = arith.constant 0 : i32
    %dma_start3A_179 = tpu.memref_slice %arg4[%add3A_159, %dma_start3A_178] : memref<256x16384xf32, #tpu.memory_space<hbm>> -> memref<1x4096xf32, #tpu.memory_space<hbm>>
    %dma_start3A_180 = tpu.memref_squeeze %dma_start3A_179 : memref<1x4096xf32, #tpu.memory_space<hbm>> -> memref<4096xf32, #tpu.memory_space<hbm>>
    tpu.enqueue_dma source(%arg7 : memref<4096xf32, #tpu.memory_space<vmem>>) target(%dma_start3A_180 : memref<4096xf32, #tpu.memory_space<hbm>>) target_semaphore(%dma_start3A_177 : memref<!tpu.dma_semaphore, #tpu.memory_space<semaphore_mem>>)
    %dma_wait3A_181 = arith.constant 1 : i32
    %dma_wait3A_182 = arith.constant 12288 : i32
    %dma_wait3A_183 = tpu.memref_slice %arg4[%add3A_71, %dma_wait3A_182] : memref<256x16384xf32, #tpu.memory_space<hbm>> -> memref<1x4096xf32, #tpu.memory_space<hbm>>
    %dma_wait3A_184 = tpu.memref_squeeze %dma_wait3A_183 : memref<1x4096xf32, #tpu.memory_space<hbm>> -> memref<4096xf32, #tpu.memory_space<hbm>>
    %dma_wait3A_185 = tpu.memref_slice %arg9[%dma_wait3A_181] : memref<2x!tpu.dma_semaphore, #tpu.memory_space<semaphore_mem>> -> memref<1x!tpu.dma_semaphore, #tpu.memory_space<semaphore_mem>>
    %dma_wait3A_186 = tpu.memref_squeeze %dma_wait3A_185 : memref<1x!tpu.dma_semaphore, #tpu.memory_space<semaphore_mem>> -> memref<!tpu.dma_semaphore, #tpu.memory_space<semaphore_mem>>
    %dma_wait3A_187 = arith.constant 12288 : i32
    %dma_wait3A_188 = tpu.memref_slice %arg4[%add3A_71, %dma_wait3A_187] : memref<256x16384xf32, #tpu.memory_space<hbm>> -> memref<1x4096xf32, #tpu.memory_space<hbm>>
    %dma_wait3A_189 = tpu.memref_squeeze %dma_wait3A_188 : memref<1x4096xf32, #tpu.memory_space<hbm>> -> memref<4096xf32, #tpu.memory_space<hbm>>
    tpu.wait_dma2 semaphore(%dma_wait3A_186 : memref<!tpu.dma_semaphore, #tpu.memory_space<semaphore_mem>>) src(%arg8 : memref<4096xf32, #tpu.memory_space<vmem>>) dst(%dma_wait3A_189 : memref<4096xf32, #tpu.memory_space<hbm>>)
    %parallel_loop3A_190 = arith.constant 0 : i32
    %parallel_loop3A_191 = arith.constant 256 : i32
    %parallel_loop3A_192 = arith.constant 1 : i32
    scf.for %parallel_loop3A_702 = %parallel_loop3A_190 to %parallel_loop3A_191 step %parallel_loop3A_192  : i32 {
      %parallel_loop3A_703 = arith.constant 16 : i32
      %parallel_loop3A_704 = arith.muli %parallel_loop3A_702, %parallel_loop3A_703 : i32
      %parallel_loop3A_705 = arith.constant 4096 : i32
      %parallel_loop3A_706 = arith.addi %parallel_loop3A_705, %parallel_loop3A_704 : i32
      %parallel_loop3A_707 = arith.index_cast %parallel_loop3A_706 : i32 to index
      %parallel_loop3A_708 = tpu.vector_load %arg5[%parallel_loop3A_707] {strides = array<i32>} : memref<16384xi32, #tpu.memory_space<vmem>>, vector<16xi32>,
      %parallel_loop3A_709 = tpu.vector_load_idx %arg6[%parallel_loop3A_708] : memref<100000xf32, #tpu.memory_space<vmem>>[vector<16xi32>], vector<16xf32>,
      %parallel_loop3A_710 = arith.constant 16 : i32
      %parallel_loop3A_711 = arith.muli %parallel_loop3A_702, %parallel_loop3A_710 : i32
      %parallel_loop3A_712 = arith.index_cast %parallel_loop3A_711 : i32 to index
      %parallel_loop3A_713 = tpu.vector_load %arg8[%parallel_loop3A_712] {strides = array<i32>} : memref<4096xf32, #tpu.memory_space<vmem>>, vector<16xf32>,
      tpu.vector_store %arg8[%parallel_loop3A_712], %parallel_loop3A_709 {strides = array<i32>} : memref<4096xf32, #tpu.memory_space<vmem>>, vector<16xf32>,
    } {sc.loop_unroll_factor = 8 : i64, sc.parallel_access}
    %dma_start3A_193 = arith.constant 1 : i32
    %dma_start3A_194 = arith.constant 4096 : i32
    %dma_start3A_195 = tpu.memref_slice %arg4[%add3A_159, %dma_start3A_194] : memref<256x16384xf32, #tpu.memory_space<hbm>> -> memref<1x4096xf32, #tpu.memory_space<hbm>>
    %dma_start3A_196 = tpu.memref_squeeze %dma_start3A_195 : memref<1x4096xf32, #tpu.memory_space<hbm>> -> memref<4096xf32, #tpu.memory_space<hbm>>
    %dma_start3A_197 = tpu.memref_slice %arg9[%dma_start3A_193] : memref<2x!tpu.dma_semaphore, #tpu.memory_space<semaphore_mem>> -> memref<1x!tpu.dma_semaphore, #tpu.memory_space<semaphore_mem>>
    %dma_start3A_198 = tpu.memref_squeeze %dma_start3A_197 : memref<1x!tpu.dma_semaphore, #tpu.memory_space<semaphore_mem>> -> memref<!tpu.dma_semaphore, #tpu.memory_space<semaphore_mem>>
    %dma_start3A_199 = arith.constant 4096 : i32
    %dma_start3A_200 = tpu.memref_slice %arg4[%add3A_159, %dma_start3A_199] : memref<256x16384xf32, #tpu.memory_space<hbm>> -> memref<1x4096xf32, #tpu.memory_space<hbm>>
    %dma_start3A_201 = tpu.memref_squeeze %dma_start3A_200 : memref<1x4096xf32, #tpu.memory_space<hbm>> -> memref<4096xf32, #tpu.memory_space<hbm>>
    tpu.enqueue_dma source(%arg8 : memref<4096xf32, #tpu.memory_space<vmem>>) target(%dma_start3A_201 : memref<4096xf32, #tpu.memory_space<hbm>>) target_semaphore(%dma_start3A_198 : memref<!tpu.dma_semaphore, #tpu.memory_space<semaphore_mem>>)
    %dma_wait3A_202 = arith.constant 0 : i32
    %dma_wait3A_203 = arith.constant 0 : i32
    %dma_wait3A_204 = tpu.memref_slice %arg4[%add3A_159, %dma_wait3A_203] : memref<256x16384xf32, #tpu.memory_space<hbm>> -> memref<1x4096xf32, #tpu.memory_space<hbm>>
    %dma_wait3A_205 = tpu.memref_squeeze %dma_wait3A_204 : memref<1x4096xf32, #tpu.memory_space<hbm>> -> memref<4096xf32, #tpu.memory_space<hbm>>
    %dma_wait3A_206 = tpu.memref_slice %arg9[%dma_wait3A_202] : memref<2x!tpu.dma_semaphore, #tpu.memory_space<semaphore_mem>> -> memref<1x!tpu.dma_semaphore, #tpu.memory_space<semaphore_mem>>
    %dma_wait3A_207 = tpu.memref_squeeze %dma_wait3A_206 : memref<1x!tpu.dma_semaphore, #tpu.memory_space<semaphore_mem>> -> memref<!tpu.dma_semaphore, #tpu.memory_space<semaphore_mem>>
    %dma_wait3A_208 = arith.constant 0 : i32
    %dma_wait3A_209 = tpu.memref_slice %arg4[%add3A_159, %dma_wait3A_208] : memref<256x16384xf32, #tpu.memory_space<hbm>> -> memref<1x4096xf32, #tpu.memory_space<hbm>>
    %dma_wait3A_210 = tpu.memref_squeeze %dma_wait3A_209 : memref<1x4096xf32, #tpu.memory_space<hbm>> -> memref<4096xf32, #tpu.memory_space<hbm>>
    tpu.wait_dma2 semaphore(%dma_wait3A_207 : memref<!tpu.dma_semaphore, #tpu.memory_space<semaphore_mem>>) src(%arg7 : memref<4096xf32, #tpu.memory_space<vmem>>) dst(%dma_wait3A_210 : memref<4096xf32, #tpu.memory_space<hbm>>)
    %parallel_loop3A_211 = arith.constant 0 : i32
    %parallel_loop3A_212 = arith.constant 256 : i32
    %parallel_loop3A_213 = arith.constant 1 : i32
    scf.for %parallel_loop3A_702 = %parallel_loop3A_211 to %parallel_loop3A_212 step %parallel_loop3A_213  : i32 {
      %parallel_loop3A_703 = arith.constant 16 : i32
      %parallel_loop3A_704 = arith.muli %parallel_loop3A_702, %parallel_loop3A_703 : i32
      %parallel_loop3A_705 = arith.constant 8192 : i32
      %parallel_loop3A_706 = arith.addi %parallel_loop3A_705, %parallel_loop3A_704 : i32
      %parallel_loop3A_707 = arith.index_cast %parallel_loop3A_706 : i32 to index
      %parallel_loop3A_708 = tpu.vector_load %arg5[%parallel_loop3A_707] {strides = array<i32>} : memref<16384xi32, #tpu.memory_space<vmem>>, vector<16xi32>,
      %parallel_loop3A_709 = tpu.vector_load_idx %arg6[%parallel_loop3A_708] : memref<100000xf32, #tpu.memory_space<vmem>>[vector<16xi32>], vector<16xf32>,
      %parallel_loop3A_710 = arith.constant 16 : i32
      %parallel_loop3A_711 = arith.muli %parallel_loop3A_702, %parallel_loop3A_710 : i32
      %parallel_loop3A_712 = arith.index_cast %parallel_loop3A_711 : i32 to index
      %parallel_loop3A_713 = tpu.vector_load %arg7[%parallel_loop3A_712] {strides = array<i32>} : memref<4096xf32, #tpu.memory_space<vmem>>, vector<16xf32>,
      tpu.vector_store %arg7[%parallel_loop3A_712], %parallel_loop3A_709 {strides = array<i32>} : memref<4096xf32, #tpu.memory_space<vmem>>, vector<16xf32>,
    } {sc.loop_unroll_factor = 8 : i64, sc.parallel_access}
    %dma_start3A_214 = arith.constant 0 : i32
    %dma_start3A_215 = arith.constant 8192 : i32
    %dma_start3A_216 = tpu.memref_slice %arg4[%add3A_159, %dma_start3A_215] : memref<256x16384xf32, #tpu.memory_space<hbm>> -> memref<1x4096xf32, #tpu.memory_space<hbm>>
    %dma_start3A_217 = tpu.memref_squeeze %dma_start3A_216 : memref<1x4096xf32, #tpu.memory_space<hbm>> -> memref<4096xf32, #tpu.memory_space<hbm>>
    %dma_start3A_218 = tpu.memref_slice %arg9[%dma_start3A_214] : memref<2x!tpu.dma_semaphore, #tpu.memory_space<semaphore_mem>> -> memref<1x!tpu.dma_semaphore, #tpu.memory_space<semaphore_mem>>
    %dma_start3A_219 = tpu.memref_squeeze %dma_start3A_218 : memref<1x!tpu.dma_semaphore, #tpu.memory_space<semaphore_mem>> -> memref<!tpu.dma_semaphore, #tpu.memory_space<semaphore_mem>>
    %dma_start3A_220 = arith.constant 8192 : i32
    %dma_start3A_221 = tpu.memref_slice %arg4[%add3A_159, %dma_start3A_220] : memref<256x16384xf32, #tpu.memory_space<hbm>> -> memref<1x4096xf32, #tpu.memory_space<hbm>>
    %dma_start3A_222 = tpu.memref_squeeze %dma_start3A_221 : memref<1x4096xf32, #tpu.memory_space<hbm>> -> memref<4096xf32, #tpu.memory_space<hbm>>
    tpu.enqueue_dma source(%arg7 : memref<4096xf32, #tpu.memory_space<vmem>>) target(%dma_start3A_222 : memref<4096xf32, #tpu.memory_space<hbm>>) target_semaphore(%dma_start3A_219 : memref<!tpu.dma_semaphore, #tpu.memory_space<semaphore_mem>>)
    %dma_wait3A_223 = arith.constant 1 : i32
    %dma_wait3A_224 = arith.constant 4096 : i32
    %dma_wait3A_225 = tpu.memref_slice %arg4[%add3A_159, %dma_wait3A_224] : memref<256x16384xf32, #tpu.memory_space<hbm>> -> memref<1x4096xf32, #tpu.memory_space<hbm>>
    %dma_wait3A_226 = tpu.memref_squeeze %dma_wait3A_225 : memref<1x4096xf32, #tpu.memory_space<hbm>> -> memref<4096xf32, #tpu.memory_space<hbm>>
    %dma_wait3A_227 = tpu.memref_slice %arg9[%dma_wait3A_223] : memref<2x!tpu.dma_semaphore, #tpu.memory_space<semaphore_mem>> -> memref<1x!tpu.dma_semaphore, #tpu.memory_space<semaphore_mem>>
    %dma_wait3A_228 = tpu.memref_squeeze %dma_wait3A_227 : memref<1x!tpu.dma_semaphore, #tpu.memory_space<semaphore_mem>> -> memref<!tpu.dma_semaphore, #tpu.memory_space<semaphore_mem>>
    %dma_wait3A_229 = arith.constant 4096 : i32
    %dma_wait3A_230 = tpu.memref_slice %arg4[%add3A_159, %dma_wait3A_229] : memref<256x16384xf32, #tpu.memory_space<hbm>> -> memref<1x4096xf32, #tpu.memory_space<hbm>>
    %dma_wait3A_231 = tpu.memref_squeeze %dma_wait3A_230 : memref<1x4096xf32, #tpu.memory_space<hbm>> -> memref<4096xf32, #tpu.memory_space<hbm>>
    tpu.wait_dma2 semaphore(%dma_wait3A_228 : memref<!tpu.dma_semaphore, #tpu.memory_space<semaphore_mem>>) src(%arg8 : memref<4096xf32, #tpu.memory_space<vmem>>) dst(%dma_wait3A_231 : memref<4096xf32, #tpu.memory_space<hbm>>)
    %parallel_loop3A_232 = arith.constant 0 : i32
    %parallel_loop3A_233 = arith.constant 256 : i32
    %parallel_loop3A_234 = arith.constant 1 : i32
    scf.for %parallel_loop3A_702 = %parallel_loop3A_232 to %parallel_loop3A_233 step %parallel_loop3A_234  : i32 {
      %parallel_loop3A_703 = arith.constant 16 : i32
      %parallel_loop3A_704 = arith.muli %parallel_loop3A_702, %parallel_loop3A_703 : i32
      %parallel_loop3A_705 = arith.constant 12288 : i32
      %parallel_loop3A_706 = arith.addi %parallel_loop3A_705, %parallel_loop3A_704 : i32
      %parallel_loop3A_707 = arith.index_cast %parallel_loop3A_706 : i32 to index
      %parallel_loop3A_708 = tpu.vector_load %arg5[%parallel_loop3A_707] {strides = array<i32>} : memref<16384xi32, #tpu.memory_space<vmem>>, vector<16xi32>,
      %parallel_loop3A_709 = tpu.vector_load_idx %arg6[%parallel_loop3A_708] : memref<100000xf32, #tpu.memory_space<vmem>>[vector<16xi32>], vector<16xf32>,
      %parallel_loop3A_710 = arith.constant 16 : i32
      %parallel_loop3A_711 = arith.muli %parallel_loop3A_702, %parallel_loop3A_710 : i32
      %parallel_loop3A_712 = arith.index_cast %parallel_loop3A_711 : i32 to index
      %parallel_loop3A_713 = tpu.vector_load %arg8[%parallel_loop3A_712] {strides = array<i32>} : memref<4096xf32, #tpu.memory_space<vmem>>, vector<16xf32>,
      tpu.vector_store %arg8[%parallel_loop3A_712], %parallel_loop3A_709 {strides = array<i32>} : memref<4096xf32, #tpu.memory_space<vmem>>, vector<16xf32>,
    } {sc.loop_unroll_factor = 8 : i64, sc.parallel_access}
    %dma_start3A_235 = arith.constant 1 : i32
    %dma_start3A_236 = arith.constant 12288 : i32
    %dma_start3A_237 = tpu.memref_slice %arg4[%add3A_159, %dma_start3A_236] : memref<256x16384xf32, #tpu.memory_space<hbm>> -> memref<1x4096xf32, #tpu.memory_space<hbm>>
    %dma_start3A_238 = tpu.memref_squeeze %dma_start3A_237 : memref<1x4096xf32, #tpu.memory_space<hbm>> -> memref<4096xf32, #tpu.memory_space<hbm>>
    %dma_start3A_239 = tpu.memref_slice %arg9[%dma_start3A_235] : memref<2x!tpu.dma_semaphore, #tpu.memory_space<semaphore_mem>> -> memref<1x!tpu.dma_semaphore, #tpu.memory_space<semaphore_mem>>
    %dma_start3A_240 = tpu.memref_squeeze %dma_start3A_239 : memref<1x!tpu.dma_semaphore, #tpu.memory_space<semaphore_mem>> -> memref<!tpu.dma_semaphore, #tpu.memory_space<semaphore_mem>>
    %dma_start3A_241 = arith.constant 12288 : i32
    %dma_start3A_242 = tpu.memref_slice %arg4[%add3A_159, %dma_start3A_241] : memref<256x16384xf32, #tpu.memory_space<hbm>> -> memref<1x4096xf32, #tpu.memory_space<hbm>>
    %dma_start3A_243 = tpu.memref_squeeze %dma_start3A_242 : memref<1x4096xf32, #tpu.memory_space<hbm>> -> memref<4096xf32, #tpu.memory_space<hbm>>
    tpu.enqueue_dma source(%arg8 : memref<4096xf32, #tpu.memory_space<vmem>>) target(%dma_start3A_243 : memref<4096xf32, #tpu.memory_space<hbm>>) target_semaphore(%dma_start3A_240 : memref<!tpu.dma_semaphore, #tpu.memory_space<semaphore_mem>>)
    %mul3A_244 = arith.constant 8 : i32
    %mul3A_245 = arith.muli %add3A, %mul3A_244 : i32
    %add3A_246 = arith.constant 3 : i32
    %add3A_247 = arith.addi %mul3A_245, %add3A_246 : i32
    "tpu.region"() ({
      %run_scoped3A = tpu.sem_alloc : memref<!tpu.dma_semaphore, #tpu.memory_space<semaphore_mem>>
      %dma_start3A_702 = arith.constant 0 : i32
      %dma_start3A_703 = tpu.memref_slice %arg2[%add3A_247, %dma_start3A_702] : memref<256x100000xf32, #tpu.memory_space<hbm>> -> memref<1x100000xf32, #tpu.memory_space<hbm>>
      %dma_start3A_704 = tpu.memref_squeeze %dma_start3A_703 : memref<1x100000xf32, #tpu.memory_space<hbm>> -> memref<100000xf32, #tpu.memory_space<hbm>>
      %dma_start3A_705 = arith.constant 0 : i32
      %dma_start3A_706 = tpu.memref_slice %arg2[%add3A_247, %dma_start3A_705] : memref<256x100000xf32, #tpu.memory_space<hbm>> -> memref<1x100000xf32, #tpu.memory_space<hbm>>
      %dma_start3A_707 = tpu.memref_squeeze %dma_start3A_706 : memref<1x100000xf32, #tpu.memory_space<hbm>> -> memref<100000xf32, #tpu.memory_space<hbm>>
      tpu.enqueue_dma source(%dma_start3A_707 : memref<100000xf32, #tpu.memory_space<hbm>>) target(%arg6 : memref<100000xf32, #tpu.memory_space<vmem>>) target_semaphore(%run_scoped3A : memref<!tpu.dma_semaphore, #tpu.memory_space<semaphore_mem>>)
      %dma_wait3A_708 = arith.constant 0 : i32
      %dma_wait3A_709 = tpu.memref_slice %arg2[%add3A_247, %dma_wait3A_708] : memref<256x100000xf32, #tpu.memory_space<hbm>> -> memref<1x100000xf32, #tpu.memory_space<hbm>>
      %dma_wait3A_710 = tpu.memref_squeeze %dma_wait3A_709 : memref<1x100000xf32, #tpu.memory_space<hbm>> -> memref<100000xf32, #tpu.memory_space<hbm>>
      %dma_wait3A_711 = arith.constant 0 : i32
      %dma_wait3A_712 = tpu.memref_slice %arg2[%add3A_247, %dma_wait3A_711] : memref<256x100000xf32, #tpu.memory_space<hbm>> -> memref<1x100000xf32, #tpu.memory_space<hbm>>
      %dma_wait3A_713 = tpu.memref_squeeze %dma_wait3A_712 : memref<1x100000xf32, #tpu.memory_space<hbm>> -> memref<100000xf32, #tpu.memory_space<hbm>>
      tpu.wait_dma2 semaphore(%run_scoped3A : memref<!tpu.dma_semaphore, #tpu.memory_space<semaphore_mem>>) src(%dma_wait3A_713 : memref<100000xf32, #tpu.memory_space<hbm>>) dst(%arg6 : memref<100000xf32, #tpu.memory_space<vmem>>)
      tpu.yield
    }) : () -> ()
    %dma_wait3A_248 = arith.constant 0 : i32
    %dma_wait3A_249 = arith.constant 8192 : i32
    %dma_wait3A_250 = tpu.memref_slice %arg4[%add3A_159, %dma_wait3A_249] : memref<256x16384xf32, #tpu.memory_space<hbm>> -> memref<1x4096xf32, #tpu.memory_space<hbm>>
    %dma_wait3A_251 = tpu.memref_squeeze %dma_wait3A_250 : memref<1x4096xf32, #tpu.memory_space<hbm>> -> memref<4096xf32, #tpu.memory_space<hbm>>
    %dma_wait3A_252 = tpu.memref_slice %arg9[%dma_wait3A_248] : memref<2x!tpu.dma_semaphore, #tpu.memory_space<semaphore_mem>> -> memref<1x!tpu.dma_semaphore, #tpu.memory_space<semaphore_mem>>
    %dma_wait3A_253 = tpu.memref_squeeze %dma_wait3A_252 : memref<1x!tpu.dma_semaphore, #tpu.memory_space<semaphore_mem>> -> memref<!tpu.dma_semaphore, #tpu.memory_space<semaphore_mem>>
    %dma_wait3A_254 = arith.constant 8192 : i32
    %dma_wait3A_255 = tpu.memref_slice %arg4[%add3A_159, %dma_wait3A_254] : memref<256x16384xf32, #tpu.memory_space<hbm>> -> memref<1x4096xf32, #tpu.memory_space<hbm>>
    %dma_wait3A_256 = tpu.memref_squeeze %dma_wait3A_255 : memref<1x4096xf32, #tpu.memory_space<hbm>> -> memref<4096xf32, #tpu.memory_space<hbm>>
    tpu.wait_dma2 semaphore(%dma_wait3A_253 : memref<!tpu.dma_semaphore, #tpu.memory_space<semaphore_mem>>) src(%arg7 : memref<4096xf32, #tpu.memory_space<vmem>>) dst(%dma_wait3A_256 : memref<4096xf32, #tpu.memory_space<hbm>>)
    %parallel_loop3A_257 = arith.constant 0 : i32
    %parallel_loop3A_258 = arith.constant 256 : i32
    %parallel_loop3A_259 = arith.constant 1 : i32
    scf.for %parallel_loop3A_702 = %parallel_loop3A_257 to %parallel_loop3A_258 step %parallel_loop3A_259  : i32 {
      %parallel_loop3A_703 = arith.constant 16 : i32
      %parallel_loop3A_704 = arith.muli %parallel_loop3A_702, %parallel_loop3A_703 : i32
      %parallel_loop3A_705 = arith.constant 0 : i32
      %parallel_loop3A_706 = arith.addi %parallel_loop3A_705, %parallel_loop3A_704 : i32
      %parallel_loop3A_707 = arith.index_cast %parallel_loop3A_706 : i32 to index
      %parallel_loop3A_708 = tpu.vector_load %arg5[%parallel_loop3A_707] {strides = array<i32>} : memref<16384xi32, #tpu.memory_space<vmem>>, vector<16xi32>,
      %parallel_loop3A_709 = tpu.vector_load_idx %arg6[%parallel_loop3A_708] : memref<100000xf32, #tpu.memory_space<vmem>>[vector<16xi32>], vector<16xf32>,
      %parallel_loop3A_710 = arith.constant 16 : i32
      %parallel_loop3A_711 = arith.muli %parallel_loop3A_702, %parallel_loop3A_710 : i32
      %parallel_loop3A_712 = arith.index_cast %parallel_loop3A_711 : i32 to index
      %parallel_loop3A_713 = tpu.vector_load %arg7[%parallel_loop3A_712] {strides = array<i32>} : memref<4096xf32, #tpu.memory_space<vmem>>, vector<16xf32>,
      tpu.vector_store %arg7[%parallel_loop3A_712], %parallel_loop3A_709 {strides = array<i32>} : memref<4096xf32, #tpu.memory_space<vmem>>, vector<16xf32>,
    } {sc.loop_unroll_factor = 8 : i64, sc.parallel_access}
    %dma_start3A_260 = arith.constant 0 : i32
    %dma_start3A_261 = arith.constant 0 : i32
    %dma_start3A_262 = tpu.memref_slice %arg4[%add3A_247, %dma_start3A_261] : memref<256x16384xf32, #tpu.memory_space<hbm>> -> memref<1x4096xf32, #tpu.memory_space<hbm>>
    %dma_start3A_263 = tpu.memref_squeeze %dma_start3A_262 : memref<1x4096xf32, #tpu.memory_space<hbm>> -> memref<4096xf32, #tpu.memory_space<hbm>>
    %dma_start3A_264 = tpu.memref_slice %arg9[%dma_start3A_260] : memref<2x!tpu.dma_semaphore, #tpu.memory_space<semaphore_mem>> -> memref<1x!tpu.dma_semaphore, #tpu.memory_space<semaphore_mem>>
    %dma_start3A_265 = tpu.memref_squeeze %dma_start3A_264 : memref<1x!tpu.dma_semaphore, #tpu.memory_space<semaphore_mem>> -> memref<!tpu.dma_semaphore, #tpu.memory_space<semaphore_mem>>
    %dma_start3A_266 = arith.constant 0 : i32
    %dma_start3A_267 = tpu.memref_slice %arg4[%add3A_247, %dma_start3A_266] : memref<256x16384xf32, #tpu.memory_space<hbm>> -> memref<1x4096xf32, #tpu.memory_space<hbm>>
    %dma_start3A_268 = tpu.memref_squeeze %dma_start3A_267 : memref<1x4096xf32, #tpu.memory_space<hbm>> -> memref<4096xf32, #tpu.memory_space<hbm>>
    tpu.enqueue_dma source(%arg7 : memref<4096xf32, #tpu.memory_space<vmem>>) target(%dma_start3A_268 : memref<4096xf32, #tpu.memory_space<hbm>>) target_semaphore(%dma_start3A_265 : memref<!tpu.dma_semaphore, #tpu.memory_space<semaphore_mem>>)
    %dma_wait3A_269 = arith.constant 1 : i32
    %dma_wait3A_270 = arith.constant 12288 : i32
    %dma_wait3A_271 = tpu.memref_slice %arg4[%add3A_159, %dma_wait3A_270] : memref<256x16384xf32, #tpu.memory_space<hbm>> -> memref<1x4096xf32, #tpu.memory_space<hbm>>
    %dma_wait3A_272 = tpu.memref_squeeze %dma_wait3A_271 : memref<1x4096xf32, #tpu.memory_space<hbm>> -> memref<4096xf32, #tpu.memory_space<hbm>>
    %dma_wait3A_273 = tpu.memref_slice %arg9[%dma_wait3A_269] : memref<2x!tpu.dma_semaphore, #tpu.memory_space<semaphore_mem>> -> memref<1x!tpu.dma_semaphore, #tpu.memory_space<semaphore_mem>>
    %dma_wait3A_274 = tpu.memref_squeeze %dma_wait3A_273 : memref<1x!tpu.dma_semaphore, #tpu.memory_space<semaphore_mem>> -> memref<!tpu.dma_semaphore, #tpu.memory_space<semaphore_mem>>
    %dma_wait3A_275 = arith.constant 12288 : i32
    %dma_wait3A_276 = tpu.memref_slice %arg4[%add3A_159, %dma_wait3A_275] : memref<256x16384xf32, #tpu.memory_space<hbm>> -> memref<1x4096xf32, #tpu.memory_space<hbm>>
    %dma_wait3A_277 = tpu.memref_squeeze %dma_wait3A_276 : memref<1x4096xf32, #tpu.memory_space<hbm>> -> memref<4096xf32, #tpu.memory_space<hbm>>
    tpu.wait_dma2 semaphore(%dma_wait3A_274 : memref<!tpu.dma_semaphore, #tpu.memory_space<semaphore_mem>>) src(%arg8 : memref<4096xf32, #tpu.memory_space<vmem>>) dst(%dma_wait3A_277 : memref<4096xf32, #tpu.memory_space<hbm>>)
    %parallel_loop3A_278 = arith.constant 0 : i32
    %parallel_loop3A_279 = arith.constant 256 : i32
    %parallel_loop3A_280 = arith.constant 1 : i32
    scf.for %parallel_loop3A_702 = %parallel_loop3A_278 to %parallel_loop3A_279 step %parallel_loop3A_280  : i32 {
      %parallel_loop3A_703 = arith.constant 16 : i32
      %parallel_loop3A_704 = arith.muli %parallel_loop3A_702, %parallel_loop3A_703 : i32
      %parallel_loop3A_705 = arith.constant 4096 : i32
      %parallel_loop3A_706 = arith.addi %parallel_loop3A_705, %parallel_loop3A_704 : i32
      %parallel_loop3A_707 = arith.index_cast %parallel_loop3A_706 : i32 to index
      %parallel_loop3A_708 = tpu.vector_load %arg5[%parallel_loop3A_707] {strides = array<i32>} : memref<16384xi32, #tpu.memory_space<vmem>>, vector<16xi32>,
      %parallel_loop3A_709 = tpu.vector_load_idx %arg6[%parallel_loop3A_708] : memref<100000xf32, #tpu.memory_space<vmem>>[vector<16xi32>], vector<16xf32>,
      %parallel_loop3A_710 = arith.constant 16 : i32
      %parallel_loop3A_711 = arith.muli %parallel_loop3A_702, %parallel_loop3A_710 : i32
      %parallel_loop3A_712 = arith.index_cast %parallel_loop3A_711 : i32 to index
      %parallel_loop3A_713 = tpu.vector_load %arg8[%parallel_loop3A_712] {strides = array<i32>} : memref<4096xf32, #tpu.memory_space<vmem>>, vector<16xf32>,
      tpu.vector_store %arg8[%parallel_loop3A_712], %parallel_loop3A_709 {strides = array<i32>} : memref<4096xf32, #tpu.memory_space<vmem>>, vector<16xf32>,
    } {sc.loop_unroll_factor = 8 : i64, sc.parallel_access}
    %dma_start3A_281 = arith.constant 1 : i32
    %dma_start3A_282 = arith.constant 4096 : i32
    %dma_start3A_283 = tpu.memref_slice %arg4[%add3A_247, %dma_start3A_282] : memref<256x16384xf32, #tpu.memory_space<hbm>> -> memref<1x4096xf32, #tpu.memory_space<hbm>>
    %dma_start3A_284 = tpu.memref_squeeze %dma_start3A_283 : memref<1x4096xf32, #tpu.memory_space<hbm>> -> memref<4096xf32, #tpu.memory_space<hbm>>
    %dma_start3A_285 = tpu.memref_slice %arg9[%dma_start3A_281] : memref<2x!tpu.dma_semaphore, #tpu.memory_space<semaphore_mem>> -> memref<1x!tpu.dma_semaphore, #tpu.memory_space<semaphore_mem>>
    %dma_start3A_286 = tpu.memref_squeeze %dma_start3A_285 : memref<1x!tpu.dma_semaphore, #tpu.memory_space<semaphore_mem>> -> memref<!tpu.dma_semaphore, #tpu.memory_space<semaphore_mem>>
    %dma_start3A_287 = arith.constant 4096 : i32
    %dma_start3A_288 = tpu.memref_slice %arg4[%add3A_247, %dma_start3A_287] : memref<256x16384xf32, #tpu.memory_space<hbm>> -> memref<1x4096xf32, #tpu.memory_space<hbm>>
    %dma_start3A_289 = tpu.memref_squeeze %dma_start3A_288 : memref<1x4096xf32, #tpu.memory_space<hbm>> -> memref<4096xf32, #tpu.memory_space<hbm>>
    tpu.enqueue_dma source(%arg8 : memref<4096xf32, #tpu.memory_space<vmem>>) target(%dma_start3A_289 : memref<4096xf32, #tpu.memory_space<hbm>>) target_semaphore(%dma_start3A_286 : memref<!tpu.dma_semaphore, #tpu.memory_space<semaphore_mem>>)
    %dma_wait3A_290 = arith.constant 0 : i32
    %dma_wait3A_291 = arith.constant 0 : i32
    %dma_wait3A_292 = tpu.memref_slice %arg4[%add3A_247, %dma_wait3A_291] : memref<256x16384xf32, #tpu.memory_space<hbm>> -> memref<1x4096xf32, #tpu.memory_space<hbm>>
    %dma_wait3A_293 = tpu.memref_squeeze %dma_wait3A_292 : memref<1x4096xf32, #tpu.memory_space<hbm>> -> memref<4096xf32, #tpu.memory_space<hbm>>
    %dma_wait3A_294 = tpu.memref_slice %arg9[%dma_wait3A_290] : memref<2x!tpu.dma_semaphore, #tpu.memory_space<semaphore_mem>> -> memref<1x!tpu.dma_semaphore, #tpu.memory_space<semaphore_mem>>
    %dma_wait3A_295 = tpu.memref_squeeze %dma_wait3A_294 : memref<1x!tpu.dma_semaphore, #tpu.memory_space<semaphore_mem>> -> memref<!tpu.dma_semaphore, #tpu.memory_space<semaphore_mem>>
    %dma_wait3A_296 = arith.constant 0 : i32
    %dma_wait3A_297 = tpu.memref_slice %arg4[%add3A_247, %dma_wait3A_296] : memref<256x16384xf32, #tpu.memory_space<hbm>> -> memref<1x4096xf32, #tpu.memory_space<hbm>>
    %dma_wait3A_298 = tpu.memref_squeeze %dma_wait3A_297 : memref<1x4096xf32, #tpu.memory_space<hbm>> -> memref<4096xf32, #tpu.memory_space<hbm>>
    tpu.wait_dma2 semaphore(%dma_wait3A_295 : memref<!tpu.dma_semaphore, #tpu.memory_space<semaphore_mem>>) src(%arg7 : memref<4096xf32, #tpu.memory_space<vmem>>) dst(%dma_wait3A_298 : memref<4096xf32, #tpu.memory_space<hbm>>)
    %parallel_loop3A_299 = arith.constant 0 : i32
    %parallel_loop3A_300 = arith.constant 256 : i32
    %parallel_loop3A_301 = arith.constant 1 : i32
    scf.for %parallel_loop3A_702 = %parallel_loop3A_299 to %parallel_loop3A_300 step %parallel_loop3A_301  : i32 {
      %parallel_loop3A_703 = arith.constant 16 : i32
      %parallel_loop3A_704 = arith.muli %parallel_loop3A_702, %parallel_loop3A_703 : i32
      %parallel_loop3A_705 = arith.constant 8192 : i32
      %parallel_loop3A_706 = arith.addi %parallel_loop3A_705, %parallel_loop3A_704 : i32
      %parallel_loop3A_707 = arith.index_cast %parallel_loop3A_706 : i32 to index
      %parallel_loop3A_708 = tpu.vector_load %arg5[%parallel_loop3A_707] {strides = array<i32>} : memref<16384xi32, #tpu.memory_space<vmem>>, vector<16xi32>,
      %parallel_loop3A_709 = tpu.vector_load_idx %arg6[%parallel_loop3A_708] : memref<100000xf32, #tpu.memory_space<vmem>>[vector<16xi32>], vector<16xf32>,
      %parallel_loop3A_710 = arith.constant 16 : i32
      %parallel_loop3A_711 = arith.muli %parallel_loop3A_702, %parallel_loop3A_710 : i32
      %parallel_loop3A_712 = arith.index_cast %parallel_loop3A_711 : i32 to index
      %parallel_loop3A_713 = tpu.vector_load %arg7[%parallel_loop3A_712] {strides = array<i32>} : memref<4096xf32, #tpu.memory_space<vmem>>, vector<16xf32>,
      tpu.vector_store %arg7[%parallel_loop3A_712], %parallel_loop3A_709 {strides = array<i32>} : memref<4096xf32, #tpu.memory_space<vmem>>, vector<16xf32>,
    } {sc.loop_unroll_factor = 8 : i64, sc.parallel_access}
    %dma_start3A_302 = arith.constant 0 : i32
    %dma_start3A_303 = arith.constant 8192 : i32
    %dma_start3A_304 = tpu.memref_slice %arg4[%add3A_247, %dma_start3A_303] : memref<256x16384xf32, #tpu.memory_space<hbm>> -> memref<1x4096xf32, #tpu.memory_space<hbm>>
    %dma_start3A_305 = tpu.memref_squeeze %dma_start3A_304 : memref<1x4096xf32, #tpu.memory_space<hbm>> -> memref<4096xf32, #tpu.memory_space<hbm>>
    %dma_start3A_306 = tpu.memref_slice %arg9[%dma_start3A_302] : memref<2x!tpu.dma_semaphore, #tpu.memory_space<semaphore_mem>> -> memref<1x!tpu.dma_semaphore, #tpu.memory_space<semaphore_mem>>
    %dma_start3A_307 = tpu.memref_squeeze %dma_start3A_306 : memref<1x!tpu.dma_semaphore, #tpu.memory_space<semaphore_mem>> -> memref<!tpu.dma_semaphore, #tpu.memory_space<semaphore_mem>>
    %dma_start3A_308 = arith.constant 8192 : i32
    %dma_start3A_309 = tpu.memref_slice %arg4[%add3A_247, %dma_start3A_308] : memref<256x16384xf32, #tpu.memory_space<hbm>> -> memref<1x4096xf32, #tpu.memory_space<hbm>>
    %dma_start3A_310 = tpu.memref_squeeze %dma_start3A_309 : memref<1x4096xf32, #tpu.memory_space<hbm>> -> memref<4096xf32, #tpu.memory_space<hbm>>
    tpu.enqueue_dma source(%arg7 : memref<4096xf32, #tpu.memory_space<vmem>>) target(%dma_start3A_310 : memref<4096xf32, #tpu.memory_space<hbm>>) target_semaphore(%dma_start3A_307 : memref<!tpu.dma_semaphore, #tpu.memory_space<semaphore_mem>>)
    %dma_wait3A_311 = arith.constant 1 : i32
    %dma_wait3A_312 = arith.constant 4096 : i32
    %dma_wait3A_313 = tpu.memref_slice %arg4[%add3A_247, %dma_wait3A_312] : memref<256x16384xf32, #tpu.memory_space<hbm>> -> memref<1x4096xf32, #tpu.memory_space<hbm>>
    %dma_wait3A_314 = tpu.memref_squeeze %dma_wait3A_313 : memref<1x4096xf32, #tpu.memory_space<hbm>> -> memref<4096xf32, #tpu.memory_space<hbm>>
    %dma_wait3A_315 = tpu.memref_slice %arg9[%dma_wait3A_311] : memref<2x!tpu.dma_semaphore, #tpu.memory_space<semaphore_mem>> -> memref<1x!tpu.dma_semaphore, #tpu.memory_space<semaphore_mem>>
    %dma_wait3A_316 = tpu.memref_squeeze %dma_wait3A_315 : memref<1x!tpu.dma_semaphore, #tpu.memory_space<semaphore_mem>> -> memref<!tpu.dma_semaphore, #tpu.memory_space<semaphore_mem>>
    %dma_wait3A_317 = arith.constant 4096 : i32
    %dma_wait3A_318 = tpu.memref_slice %arg4[%add3A_247, %dma_wait3A_317] : memref<256x16384xf32, #tpu.memory_space<hbm>> -> memref<1x4096xf32, #tpu.memory_space<hbm>>
    %dma_wait3A_319 = tpu.memref_squeeze %dma_wait3A_318 : memref<1x4096xf32, #tpu.memory_space<hbm>> -> memref<4096xf32, #tpu.memory_space<hbm>>
    tpu.wait_dma2 semaphore(%dma_wait3A_316 : memref<!tpu.dma_semaphore, #tpu.memory_space<semaphore_mem>>) src(%arg8 : memref<4096xf32, #tpu.memory_space<vmem>>) dst(%dma_wait3A_319 : memref<4096xf32, #tpu.memory_space<hbm>>)
    %parallel_loop3A_320 = arith.constant 0 : i32
    %parallel_loop3A_321 = arith.constant 256 : i32
    %parallel_loop3A_322 = arith.constant 1 : i32
    scf.for %parallel_loop3A_702 = %parallel_loop3A_320 to %parallel_loop3A_321 step %parallel_loop3A_322  : i32 {
      %parallel_loop3A_703 = arith.constant 16 : i32
      %parallel_loop3A_704 = arith.muli %parallel_loop3A_702, %parallel_loop3A_703 : i32
      %parallel_loop3A_705 = arith.constant 12288 : i32
      %parallel_loop3A_706 = arith.addi %parallel_loop3A_705, %parallel_loop3A_704 : i32
      %parallel_loop3A_707 = arith.index_cast %parallel_loop3A_706 : i32 to index
      %parallel_loop3A_708 = tpu.vector_load %arg5[%parallel_loop3A_707] {strides = array<i32>} : memref<16384xi32, #tpu.memory_space<vmem>>, vector<16xi32>,
      %parallel_loop3A_709 = tpu.vector_load_idx %arg6[%parallel_loop3A_708] : memref<100000xf32, #tpu.memory_space<vmem>>[vector<16xi32>], vector<16xf32>,
      %parallel_loop3A_710 = arith.constant 16 : i32
      %parallel_loop3A_711 = arith.muli %parallel_loop3A_702, %parallel_loop3A_710 : i32
      %parallel_loop3A_712 = arith.index_cast %parallel_loop3A_711 : i32 to index
      %parallel_loop3A_713 = tpu.vector_load %arg8[%parallel_loop3A_712] {strides = array<i32>} : memref<4096xf32, #tpu.memory_space<vmem>>, vector<16xf32>,
      tpu.vector_store %arg8[%parallel_loop3A_712], %parallel_loop3A_709 {strides = array<i32>} : memref<4096xf32, #tpu.memory_space<vmem>>, vector<16xf32>,
    } {sc.loop_unroll_factor = 8 : i64, sc.parallel_access}
    %dma_start3A_323 = arith.constant 1 : i32
    %dma_start3A_324 = arith.constant 12288 : i32
    %dma_start3A_325 = tpu.memref_slice %arg4[%add3A_247, %dma_start3A_324] : memref<256x16384xf32, #tpu.memory_space<hbm>> -> memref<1x4096xf32, #tpu.memory_space<hbm>>
    %dma_start3A_326 = tpu.memref_squeeze %dma_start3A_325 : memref<1x4096xf32, #tpu.memory_space<hbm>> -> memref<4096xf32, #tpu.memory_space<hbm>>
    %dma_start3A_327 = tpu.memref_slice %arg9[%dma_start3A_323] : memref<2x!tpu.dma_semaphore, #tpu.memory_space<semaphore_mem>> -> memref<1x!tpu.dma_semaphore, #tpu.memory_space<semaphore_mem>>
    %dma_start3A_328 = tpu.memref_squeeze %dma_start3A_327 : memref<1x!tpu.dma_semaphore, #tpu.memory_space<semaphore_mem>> -> memref<!tpu.dma_semaphore, #tpu.memory_space<semaphore_mem>>
    %dma_start3A_329 = arith.constant 12288 : i32
    %dma_start3A_330 = tpu.memref_slice %arg4[%add3A_247, %dma_start3A_329] : memref<256x16384xf32, #tpu.memory_space<hbm>> -> memref<1x4096xf32, #tpu.memory_space<hbm>>
    %dma_start3A_331 = tpu.memref_squeeze %dma_start3A_330 : memref<1x4096xf32, #tpu.memory_space<hbm>> -> memref<4096xf32, #tpu.memory_space<hbm>>
    tpu.enqueue_dma source(%arg8 : memref<4096xf32, #tpu.memory_space<vmem>>) target(%dma_start3A_331 : memref<4096xf32, #tpu.memory_space<hbm>>) target_semaphore(%dma_start3A_328 : memref<!tpu.dma_semaphore, #tpu.memory_space<semaphore_mem>>)
    %mul3A_332 = arith.constant 8 : i32
    %mul3A_333 = arith.muli %add3A, %mul3A_332 : i32
    %add3A_334 = arith.constant 4 : i32
    %add3A_335 = arith.addi %mul3A_333, %add3A_334 : i32
    "tpu.region"() ({
      %run_scoped3A = tpu.sem_alloc : memref<!tpu.dma_semaphore, #tpu.memory_space<semaphore_mem>>
      %dma_start3A_702 = arith.constant 0 : i32
      %dma_start3A_703 = tpu.memref_slice %arg2[%add3A_335, %dma_start3A_702] : memref<256x100000xf32, #tpu.memory_space<hbm>> -> memref<1x100000xf32, #tpu.memory_space<hbm>>
      %dma_start3A_704 = tpu.memref_squeeze %dma_start3A_703 : memref<1x100000xf32, #tpu.memory_space<hbm>> -> memref<100000xf32, #tpu.memory_space<hbm>>
      %dma_start3A_705 = arith.constant 0 : i32
      %dma_start3A_706 = tpu.memref_slice %arg2[%add3A_335, %dma_start3A_705] : memref<256x100000xf32, #tpu.memory_space<hbm>> -> memref<1x100000xf32, #tpu.memory_space<hbm>>
      %dma_start3A_707 = tpu.memref_squeeze %dma_start3A_706 : memref<1x100000xf32, #tpu.memory_space<hbm>> -> memref<100000xf32, #tpu.memory_space<hbm>>
      tpu.enqueue_dma source(%dma_start3A_707 : memref<100000xf32, #tpu.memory_space<hbm>>) target(%arg6 : memref<100000xf32, #tpu.memory_space<vmem>>) target_semaphore(%run_scoped3A : memref<!tpu.dma_semaphore, #tpu.memory_space<semaphore_mem>>)
      %dma_wait3A_708 = arith.constant 0 : i32
      %dma_wait3A_709 = tpu.memref_slice %arg2[%add3A_335, %dma_wait3A_708] : memref<256x100000xf32, #tpu.memory_space<hbm>> -> memref<1x100000xf32, #tpu.memory_space<hbm>>
      %dma_wait3A_710 = tpu.memref_squeeze %dma_wait3A_709 : memref<1x100000xf32, #tpu.memory_space<hbm>> -> memref<100000xf32, #tpu.memory_space<hbm>>
      %dma_wait3A_711 = arith.constant 0 : i32
      %dma_wait3A_712 = tpu.memref_slice %arg2[%add3A_335, %dma_wait3A_711] : memref<256x100000xf32, #tpu.memory_space<hbm>> -> memref<1x100000xf32, #tpu.memory_space<hbm>>
      %dma_wait3A_713 = tpu.memref_squeeze %dma_wait3A_712 : memref<1x100000xf32, #tpu.memory_space<hbm>> -> memref<100000xf32, #tpu.memory_space<hbm>>
      tpu.wait_dma2 semaphore(%run_scoped3A : memref<!tpu.dma_semaphore, #tpu.memory_space<semaphore_mem>>) src(%dma_wait3A_713 : memref<100000xf32, #tpu.memory_space<hbm>>) dst(%arg6 : memref<100000xf32, #tpu.memory_space<vmem>>)
      tpu.yield
    }) : () -> ()
    %dma_wait3A_336 = arith.constant 0 : i32
    %dma_wait3A_337 = arith.constant 8192 : i32
    %dma_wait3A_338 = tpu.memref_slice %arg4[%add3A_247, %dma_wait3A_337] : memref<256x16384xf32, #tpu.memory_space<hbm>> -> memref<1x4096xf32, #tpu.memory_space<hbm>>
    %dma_wait3A_339 = tpu.memref_squeeze %dma_wait3A_338 : memref<1x4096xf32, #tpu.memory_space<hbm>> -> memref<4096xf32, #tpu.memory_space<hbm>>
    %dma_wait3A_340 = tpu.memref_slice %arg9[%dma_wait3A_336] : memref<2x!tpu.dma_semaphore, #tpu.memory_space<semaphore_mem>> -> memref<1x!tpu.dma_semaphore, #tpu.memory_space<semaphore_mem>>
    %dma_wait3A_341 = tpu.memref_squeeze %dma_wait3A_340 : memref<1x!tpu.dma_semaphore, #tpu.memory_space<semaphore_mem>> -> memref<!tpu.dma_semaphore, #tpu.memory_space<semaphore_mem>>
    %dma_wait3A_342 = arith.constant 8192 : i32
    %dma_wait3A_343 = tpu.memref_slice %arg4[%add3A_247, %dma_wait3A_342] : memref<256x16384xf32, #tpu.memory_space<hbm>> -> memref<1x4096xf32, #tpu.memory_space<hbm>>
    %dma_wait3A_344 = tpu.memref_squeeze %dma_wait3A_343 : memref<1x4096xf32, #tpu.memory_space<hbm>> -> memref<4096xf32, #tpu.memory_space<hbm>>
    tpu.wait_dma2 semaphore(%dma_wait3A_341 : memref<!tpu.dma_semaphore, #tpu.memory_space<semaphore_mem>>) src(%arg7 : memref<4096xf32, #tpu.memory_space<vmem>>) dst(%dma_wait3A_344 : memref<4096xf32, #tpu.memory_space<hbm>>)
    %parallel_loop3A_345 = arith.constant 0 : i32
    %parallel_loop3A_346 = arith.constant 256 : i32
    %parallel_loop3A_347 = arith.constant 1 : i32
    scf.for %parallel_loop3A_702 = %parallel_loop3A_345 to %parallel_loop3A_346 step %parallel_loop3A_347  : i32 {
      %parallel_loop3A_703 = arith.constant 16 : i32
      %parallel_loop3A_704 = arith.muli %parallel_loop3A_702, %parallel_loop3A_703 : i32
      %parallel_loop3A_705 = arith.constant 0 : i32
      %parallel_loop3A_706 = arith.addi %parallel_loop3A_705, %parallel_loop3A_704 : i32
      %parallel_loop3A_707 = arith.index_cast %parallel_loop3A_706 : i32 to index
      %parallel_loop3A_708 = tpu.vector_load %arg5[%parallel_loop3A_707] {strides = array<i32>} : memref<16384xi32, #tpu.memory_space<vmem>>, vector<16xi32>,
      %parallel_loop3A_709 = tpu.vector_load_idx %arg6[%parallel_loop3A_708] : memref<100000xf32, #tpu.memory_space<vmem>>[vector<16xi32>], vector<16xf32>,
      %parallel_loop3A_710 = arith.constant 16 : i32
      %parallel_loop3A_711 = arith.muli %parallel_loop3A_702, %parallel_loop3A_710 : i32
      %parallel_loop3A_712 = arith.index_cast %parallel_loop3A_711 : i32 to index
      %parallel_loop3A_713 = tpu.vector_load %arg7[%parallel_loop3A_712] {strides = array<i32>} : memref<4096xf32, #tpu.memory_space<vmem>>, vector<16xf32>,
      tpu.vector_store %arg7[%parallel_loop3A_712], %parallel_loop3A_709 {strides = array<i32>} : memref<4096xf32, #tpu.memory_space<vmem>>, vector<16xf32>,
    } {sc.loop_unroll_factor = 8 : i64, sc.parallel_access}
    %dma_start3A_348 = arith.constant 0 : i32
    %dma_start3A_349 = arith.constant 0 : i32
    %dma_start3A_350 = tpu.memref_slice %arg4[%add3A_335, %dma_start3A_349] : memref<256x16384xf32, #tpu.memory_space<hbm>> -> memref<1x4096xf32, #tpu.memory_space<hbm>>
    %dma_start3A_351 = tpu.memref_squeeze %dma_start3A_350 : memref<1x4096xf32, #tpu.memory_space<hbm>> -> memref<4096xf32, #tpu.memory_space<hbm>>
    %dma_start3A_352 = tpu.memref_slice %arg9[%dma_start3A_348] : memref<2x!tpu.dma_semaphore, #tpu.memory_space<semaphore_mem>> -> memref<1x!tpu.dma_semaphore, #tpu.memory_space<semaphore_mem>>
    %dma_start3A_353 = tpu.memref_squeeze %dma_start3A_352 : memref<1x!tpu.dma_semaphore, #tpu.memory_space<semaphore_mem>> -> memref<!tpu.dma_semaphore, #tpu.memory_space<semaphore_mem>>
    %dma_start3A_354 = arith.constant 0 : i32
    %dma_start3A_355 = tpu.memref_slice %arg4[%add3A_335, %dma_start3A_354] : memref<256x16384xf32, #tpu.memory_space<hbm>> -> memref<1x4096xf32, #tpu.memory_space<hbm>>
    %dma_start3A_356 = tpu.memref_squeeze %dma_start3A_355 : memref<1x4096xf32, #tpu.memory_space<hbm>> -> memref<4096xf32, #tpu.memory_space<hbm>>
    tpu.enqueue_dma source(%arg7 : memref<4096xf32, #tpu.memory_space<vmem>>) target(%dma_start3A_356 : memref<4096xf32, #tpu.memory_space<hbm>>) target_semaphore(%dma_start3A_353 : memref<!tpu.dma_semaphore, #tpu.memory_space<semaphore_mem>>)
    %dma_wait3A_357 = arith.constant 1 : i32
    %dma_wait3A_358 = arith.constant 12288 : i32
    %dma_wait3A_359 = tpu.memref_slice %arg4[%add3A_247, %dma_wait3A_358] : memref<256x16384xf32, #tpu.memory_space<hbm>> -> memref<1x4096xf32, #tpu.memory_space<hbm>>
    %dma_wait3A_360 = tpu.memref_squeeze %dma_wait3A_359 : memref<1x4096xf32, #tpu.memory_space<hbm>> -> memref<4096xf32, #tpu.memory_space<hbm>>
    %dma_wait3A_361 = tpu.memref_slice %arg9[%dma_wait3A_357] : memref<2x!tpu.dma_semaphore, #tpu.memory_space<semaphore_mem>> -> memref<1x!tpu.dma_semaphore, #tpu.memory_space<semaphore_mem>>
    %dma_wait3A_362 = tpu.memref_squeeze %dma_wait3A_361 : memref<1x!tpu.dma_semaphore, #tpu.memory_space<semaphore_mem>> -> memref<!tpu.dma_semaphore, #tpu.memory_space<semaphore_mem>>
    %dma_wait3A_363 = arith.constant 12288 : i32
    %dma_wait3A_364 = tpu.memref_slice %arg4[%add3A_247, %dma_wait3A_363] : memref<256x16384xf32, #tpu.memory_space<hbm>> -> memref<1x4096xf32, #tpu.memory_space<hbm>>
    %dma_wait3A_365 = tpu.memref_squeeze %dma_wait3A_364 : memref<1x4096xf32, #tpu.memory_space<hbm>> -> memref<4096xf32, #tpu.memory_space<hbm>>
    tpu.wait_dma2 semaphore(%dma_wait3A_362 : memref<!tpu.dma_semaphore, #tpu.memory_space<semaphore_mem>>) src(%arg8 : memref<4096xf32, #tpu.memory_space<vmem>>) dst(%dma_wait3A_365 : memref<4096xf32, #tpu.memory_space<hbm>>)
    %parallel_loop3A_366 = arith.constant 0 : i32
    %parallel_loop3A_367 = arith.constant 256 : i32
    %parallel_loop3A_368 = arith.constant 1 : i32
    scf.for %parallel_loop3A_702 = %parallel_loop3A_366 to %parallel_loop3A_367 step %parallel_loop3A_368  : i32 {
      %parallel_loop3A_703 = arith.constant 16 : i32
      %parallel_loop3A_704 = arith.muli %parallel_loop3A_702, %parallel_loop3A_703 : i32
      %parallel_loop3A_705 = arith.constant 4096 : i32
      %parallel_loop3A_706 = arith.addi %parallel_loop3A_705, %parallel_loop3A_704 : i32
      %parallel_loop3A_707 = arith.index_cast %parallel_loop3A_706 : i32 to index
      %parallel_loop3A_708 = tpu.vector_load %arg5[%parallel_loop3A_707] {strides = array<i32>} : memref<16384xi32, #tpu.memory_space<vmem>>, vector<16xi32>,
      %parallel_loop3A_709 = tpu.vector_load_idx %arg6[%parallel_loop3A_708] : memref<100000xf32, #tpu.memory_space<vmem>>[vector<16xi32>], vector<16xf32>,
      %parallel_loop3A_710 = arith.constant 16 : i32
      %parallel_loop3A_711 = arith.muli %parallel_loop3A_702, %parallel_loop3A_710 : i32
      %parallel_loop3A_712 = arith.index_cast %parallel_loop3A_711 : i32 to index
      %parallel_loop3A_713 = tpu.vector_load %arg8[%parallel_loop3A_712] {strides = array<i32>} : memref<4096xf32, #tpu.memory_space<vmem>>, vector<16xf32>,
      tpu.vector_store %arg8[%parallel_loop3A_712], %parallel_loop3A_709 {strides = array<i32>} : memref<4096xf32, #tpu.memory_space<vmem>>, vector<16xf32>,
    } {sc.loop_unroll_factor = 8 : i64, sc.parallel_access}
    %dma_start3A_369 = arith.constant 1 : i32
    %dma_start3A_370 = arith.constant 4096 : i32
    %dma_start3A_371 = tpu.memref_slice %arg4[%add3A_335, %dma_start3A_370] : memref<256x16384xf32, #tpu.memory_space<hbm>> -> memref<1x4096xf32, #tpu.memory_space<hbm>>
    %dma_start3A_372 = tpu.memref_squeeze %dma_start3A_371 : memref<1x4096xf32, #tpu.memory_space<hbm>> -> memref<4096xf32, #tpu.memory_space<hbm>>
    %dma_start3A_373 = tpu.memref_slice %arg9[%dma_start3A_369] : memref<2x!tpu.dma_semaphore, #tpu.memory_space<semaphore_mem>> -> memref<1x!tpu.dma_semaphore, #tpu.memory_space<semaphore_mem>>
    %dma_start3A_374 = tpu.memref_squeeze %dma_start3A_373 : memref<1x!tpu.dma_semaphore, #tpu.memory_space<semaphore_mem>> -> memref<!tpu.dma_semaphore, #tpu.memory_space<semaphore_mem>>
    %dma_start3A_375 = arith.constant 4096 : i32
    %dma_start3A_376 = tpu.memref_slice %arg4[%add3A_335, %dma_start3A_375] : memref<256x16384xf32, #tpu.memory_space<hbm>> -> memref<1x4096xf32, #tpu.memory_space<hbm>>
    %dma_start3A_377 = tpu.memref_squeeze %dma_start3A_376 : memref<1x4096xf32, #tpu.memory_space<hbm>> -> memref<4096xf32, #tpu.memory_space<hbm>>
    tpu.enqueue_dma source(%arg8 : memref<4096xf32, #tpu.memory_space<vmem>>) target(%dma_start3A_377 : memref<4096xf32, #tpu.memory_space<hbm>>) target_semaphore(%dma_start3A_374 : memref<!tpu.dma_semaphore, #tpu.memory_space<semaphore_mem>>)
    %dma_wait3A_378 = arith.constant 0 : i32
    %dma_wait3A_379 = arith.constant 0 : i32
    %dma_wait3A_380 = tpu.memref_slice %arg4[%add3A_335, %dma_wait3A_379] : memref<256x16384xf32, #tpu.memory_space<hbm>> -> memref<1x4096xf32, #tpu.memory_space<hbm>>
    %dma_wait3A_381 = tpu.memref_squeeze %dma_wait3A_380 : memref<1x4096xf32, #tpu.memory_space<hbm>> -> memref<4096xf32, #tpu.memory_space<hbm>>
    %dma_wait3A_382 = tpu.memref_slice %arg9[%dma_wait3A_378] : memref<2x!tpu.dma_semaphore, #tpu.memory_space<semaphore_mem>> -> memref<1x!tpu.dma_semaphore, #tpu.memory_space<semaphore_mem>>
    %dma_wait3A_383 = tpu.memref_squeeze %dma_wait3A_382 : memref<1x!tpu.dma_semaphore, #tpu.memory_space<semaphore_mem>> -> memref<!tpu.dma_semaphore, #tpu.memory_space<semaphore_mem>>
    %dma_wait3A_384 = arith.constant 0 : i32
    %dma_wait3A_385 = tpu.memref_slice %arg4[%add3A_335, %dma_wait3A_384] : memref<256x16384xf32, #tpu.memory_space<hbm>> -> memref<1x4096xf32, #tpu.memory_space<hbm>>
    %dma_wait3A_386 = tpu.memref_squeeze %dma_wait3A_385 : memref<1x4096xf32, #tpu.memory_space<hbm>> -> memref<4096xf32, #tpu.memory_space<hbm>>
    tpu.wait_dma2 semaphore(%dma_wait3A_383 : memref<!tpu.dma_semaphore, #tpu.memory_space<semaphore_mem>>) src(%arg7 : memref<4096xf32, #tpu.memory_space<vmem>>) dst(%dma_wait3A_386 : memref<4096xf32, #tpu.memory_space<hbm>>)
    %parallel_loop3A_387 = arith.constant 0 : i32
    %parallel_loop3A_388 = arith.constant 256 : i32
    %parallel_loop3A_389 = arith.constant 1 : i32
    scf.for %parallel_loop3A_702 = %parallel_loop3A_387 to %parallel_loop3A_388 step %parallel_loop3A_389  : i32 {
      %parallel_loop3A_703 = arith.constant 16 : i32
      %parallel_loop3A_704 = arith.muli %parallel_loop3A_702, %parallel_loop3A_703 : i32
      %parallel_loop3A_705 = arith.constant 8192 : i32
      %parallel_loop3A_706 = arith.addi %parallel_loop3A_705, %parallel_loop3A_704 : i32
      %parallel_loop3A_707 = arith.index_cast %parallel_loop3A_706 : i32 to index
      %parallel_loop3A_708 = tpu.vector_load %arg5[%parallel_loop3A_707] {strides = array<i32>} : memref<16384xi32, #tpu.memory_space<vmem>>, vector<16xi32>,
      %parallel_loop3A_709 = tpu.vector_load_idx %arg6[%parallel_loop3A_708] : memref<100000xf32, #tpu.memory_space<vmem>>[vector<16xi32>], vector<16xf32>,
      %parallel_loop3A_710 = arith.constant 16 : i32
      %parallel_loop3A_711 = arith.muli %parallel_loop3A_702, %parallel_loop3A_710 : i32
      %parallel_loop3A_712 = arith.index_cast %parallel_loop3A_711 : i32 to index
      %parallel_loop3A_713 = tpu.vector_load %arg7[%parallel_loop3A_712] {strides = array<i32>} : memref<4096xf32, #tpu.memory_space<vmem>>, vector<16xf32>,
      tpu.vector_store %arg7[%parallel_loop3A_712], %parallel_loop3A_709 {strides = array<i32>} : memref<4096xf32, #tpu.memory_space<vmem>>, vector<16xf32>,
    } {sc.loop_unroll_factor = 8 : i64, sc.parallel_access}
    %dma_start3A_390 = arith.constant 0 : i32
    %dma_start3A_391 = arith.constant 8192 : i32
    %dma_start3A_392 = tpu.memref_slice %arg4[%add3A_335, %dma_start3A_391] : memref<256x16384xf32, #tpu.memory_space<hbm>> -> memref<1x4096xf32, #tpu.memory_space<hbm>>
    %dma_start3A_393 = tpu.memref_squeeze %dma_start3A_392 : memref<1x4096xf32, #tpu.memory_space<hbm>> -> memref<4096xf32, #tpu.memory_space<hbm>>
    %dma_start3A_394 = tpu.memref_slice %arg9[%dma_start3A_390] : memref<2x!tpu.dma_semaphore, #tpu.memory_space<semaphore_mem>> -> memref<1x!tpu.dma_semaphore, #tpu.memory_space<semaphore_mem>>
    %dma_start3A_395 = tpu.memref_squeeze %dma_start3A_394 : memref<1x!tpu.dma_semaphore, #tpu.memory_space<semaphore_mem>> -> memref<!tpu.dma_semaphore, #tpu.memory_space<semaphore_mem>>
    %dma_start3A_396 = arith.constant 8192 : i32
    %dma_start3A_397 = tpu.memref_slice %arg4[%add3A_335, %dma_start3A_396] : memref<256x16384xf32, #tpu.memory_space<hbm>> -> memref<1x4096xf32, #tpu.memory_space<hbm>>
    %dma_start3A_398 = tpu.memref_squeeze %dma_start3A_397 : memref<1x4096xf32, #tpu.memory_space<hbm>> -> memref<4096xf32, #tpu.memory_space<hbm>>
    tpu.enqueue_dma source(%arg7 : memref<4096xf32, #tpu.memory_space<vmem>>) target(%dma_start3A_398 : memref<4096xf32, #tpu.memory_space<hbm>>) target_semaphore(%dma_start3A_395 : memref<!tpu.dma_semaphore, #tpu.memory_space<semaphore_mem>>)
    %dma_wait3A_399 = arith.constant 1 : i32
    %dma_wait3A_400 = arith.constant 4096 : i32
    %dma_wait3A_401 = tpu.memref_slice %arg4[%add3A_335, %dma_wait3A_400] : memref<256x16384xf32, #tpu.memory_space<hbm>> -> memref<1x4096xf32, #tpu.memory_space<hbm>>
    %dma_wait3A_402 = tpu.memref_squeeze %dma_wait3A_401 : memref<1x4096xf32, #tpu.memory_space<hbm>> -> memref<4096xf32, #tpu.memory_space<hbm>>
    %dma_wait3A_403 = tpu.memref_slice %arg9[%dma_wait3A_399] : memref<2x!tpu.dma_semaphore, #tpu.memory_space<semaphore_mem>> -> memref<1x!tpu.dma_semaphore, #tpu.memory_space<semaphore_mem>>
    %dma_wait3A_404 = tpu.memref_squeeze %dma_wait3A_403 : memref<1x!tpu.dma_semaphore, #tpu.memory_space<semaphore_mem>> -> memref<!tpu.dma_semaphore, #tpu.memory_space<semaphore_mem>>
    %dma_wait3A_405 = arith.constant 4096 : i32
    %dma_wait3A_406 = tpu.memref_slice %arg4[%add3A_335, %dma_wait3A_405] : memref<256x16384xf32, #tpu.memory_space<hbm>> -> memref<1x4096xf32, #tpu.memory_space<hbm>>
    %dma_wait3A_407 = tpu.memref_squeeze %dma_wait3A_406 : memref<1x4096xf32, #tpu.memory_space<hbm>> -> memref<4096xf32, #tpu.memory_space<hbm>>
    tpu.wait_dma2 semaphore(%dma_wait3A_404 : memref<!tpu.dma_semaphore, #tpu.memory_space<semaphore_mem>>) src(%arg8 : memref<4096xf32, #tpu.memory_space<vmem>>) dst(%dma_wait3A_407 : memref<4096xf32, #tpu.memory_space<hbm>>)
    %parallel_loop3A_408 = arith.constant 0 : i32
    %parallel_loop3A_409 = arith.constant 256 : i32
    %parallel_loop3A_410 = arith.constant 1 : i32
    scf.for %parallel_loop3A_702 = %parallel_loop3A_408 to %parallel_loop3A_409 step %parallel_loop3A_410  : i32 {
      %parallel_loop3A_703 = arith.constant 16 : i32
      %parallel_loop3A_704 = arith.muli %parallel_loop3A_702, %parallel_loop3A_703 : i32
      %parallel_loop3A_705 = arith.constant 12288 : i32
      %parallel_loop3A_706 = arith.addi %parallel_loop3A_705, %parallel_loop3A_704 : i32
      %parallel_loop3A_707 = arith.index_cast %parallel_loop3A_706 : i32 to index
      %parallel_loop3A_708 = tpu.vector_load %arg5[%parallel_loop3A_707] {strides = array<i32>} : memref<16384xi32, #tpu.memory_space<vmem>>, vector<16xi32>,
      %parallel_loop3A_709 = tpu.vector_load_idx %arg6[%parallel_loop3A_708] : memref<100000xf32, #tpu.memory_space<vmem>>[vector<16xi32>], vector<16xf32>,
      %parallel_loop3A_710 = arith.constant 16 : i32
      %parallel_loop3A_711 = arith.muli %parallel_loop3A_702, %parallel_loop3A_710 : i32
      %parallel_loop3A_712 = arith.index_cast %parallel_loop3A_711 : i32 to index
      %parallel_loop3A_713 = tpu.vector_load %arg8[%parallel_loop3A_712] {strides = array<i32>} : memref<4096xf32, #tpu.memory_space<vmem>>, vector<16xf32>,
      tpu.vector_store %arg8[%parallel_loop3A_712], %parallel_loop3A_709 {strides = array<i32>} : memref<4096xf32, #tpu.memory_space<vmem>>, vector<16xf32>,
    } {sc.loop_unroll_factor = 8 : i64, sc.parallel_access}
    %dma_start3A_411 = arith.constant 1 : i32
    %dma_start3A_412 = arith.constant 12288 : i32
    %dma_start3A_413 = tpu.memref_slice %arg4[%add3A_335, %dma_start3A_412] : memref<256x16384xf32, #tpu.memory_space<hbm>> -> memref<1x4096xf32, #tpu.memory_space<hbm>>
    %dma_start3A_414 = tpu.memref_squeeze %dma_start3A_413 : memref<1x4096xf32, #tpu.memory_space<hbm>> -> memref<4096xf32, #tpu.memory_space<hbm>>
    %dma_start3A_415 = tpu.memref_slice %arg9[%dma_start3A_411] : memref<2x!tpu.dma_semaphore, #tpu.memory_space<semaphore_mem>> -> memref<1x!tpu.dma_semaphore, #tpu.memory_space<semaphore_mem>>
    %dma_start3A_416 = tpu.memref_squeeze %dma_start3A_415 : memref<1x!tpu.dma_semaphore, #tpu.memory_space<semaphore_mem>> -> memref<!tpu.dma_semaphore, #tpu.memory_space<semaphore_mem>>
    %dma_start3A_417 = arith.constant 12288 : i32
    %dma_start3A_418 = tpu.memref_slice %arg4[%add3A_335, %dma_start3A_417] : memref<256x16384xf32, #tpu.memory_space<hbm>> -> memref<1x4096xf32, #tpu.memory_space<hbm>>
    %dma_start3A_419 = tpu.memref_squeeze %dma_start3A_418 : memref<1x4096xf32, #tpu.memory_space<hbm>> -> memref<4096xf32, #tpu.memory_space<hbm>>
    tpu.enqueue_dma source(%arg8 : memref<4096xf32, #tpu.memory_space<vmem>>) target(%dma_start3A_419 : memref<4096xf32, #tpu.memory_space<hbm>>) target_semaphore(%dma_start3A_416 : memref<!tpu.dma_semaphore, #tpu.memory_space<semaphore_mem>>)
    %mul3A_420 = arith.constant 8 : i32
    %mul3A_421 = arith.muli %add3A, %mul3A_420 : i32
    %add3A_422 = arith.constant 5 : i32
    %add3A_423 = arith.addi %mul3A_421, %add3A_422 : i32
    "tpu.region"() ({
      %run_scoped3A = tpu.sem_alloc : memref<!tpu.dma_semaphore, #tpu.memory_space<semaphore_mem>>
      %dma_start3A_702 = arith.constant 0 : i32
      %dma_start3A_703 = tpu.memref_slice %arg2[%add3A_423, %dma_start3A_702] : memref<256x100000xf32, #tpu.memory_space<hbm>> -> memref<1x100000xf32, #tpu.memory_space<hbm>>
      %dma_start3A_704 = tpu.memref_squeeze %dma_start3A_703 : memref<1x100000xf32, #tpu.memory_space<hbm>> -> memref<100000xf32, #tpu.memory_space<hbm>>
      %dma_start3A_705 = arith.constant 0 : i32
      %dma_start3A_706 = tpu.memref_slice %arg2[%add3A_423, %dma_start3A_705] : memref<256x100000xf32, #tpu.memory_space<hbm>> -> memref<1x100000xf32, #tpu.memory_space<hbm>>
      %dma_start3A_707 = tpu.memref_squeeze %dma_start3A_706 : memref<1x100000xf32, #tpu.memory_space<hbm>> -> memref<100000xf32, #tpu.memory_space<hbm>>
      tpu.enqueue_dma source(%dma_start3A_707 : memref<100000xf32, #tpu.memory_space<hbm>>) target(%arg6 : memref<100000xf32, #tpu.memory_space<vmem>>) target_semaphore(%run_scoped3A : memref<!tpu.dma_semaphore, #tpu.memory_space<semaphore_mem>>)
      %dma_wait3A_708 = arith.constant 0 : i32
      %dma_wait3A_709 = tpu.memref_slice %arg2[%add3A_423, %dma_wait3A_708] : memref<256x100000xf32, #tpu.memory_space<hbm>> -> memref<1x100000xf32, #tpu.memory_space<hbm>>
      %dma_wait3A_710 = tpu.memref_squeeze %dma_wait3A_709 : memref<1x100000xf32, #tpu.memory_space<hbm>> -> memref<100000xf32, #tpu.memory_space<hbm>>
      %dma_wait3A_711 = arith.constant 0 : i32
      %dma_wait3A_712 = tpu.memref_slice %arg2[%add3A_423, %dma_wait3A_711] : memref<256x100000xf32, #tpu.memory_space<hbm>> -> memref<1x100000xf32, #tpu.memory_space<hbm>>
      %dma_wait3A_713 = tpu.memref_squeeze %dma_wait3A_712 : memref<1x100000xf32, #tpu.memory_space<hbm>> -> memref<100000xf32, #tpu.memory_space<hbm>>
      tpu.wait_dma2 semaphore(%run_scoped3A : memref<!tpu.dma_semaphore, #tpu.memory_space<semaphore_mem>>) src(%dma_wait3A_713 : memref<100000xf32, #tpu.memory_space<hbm>>) dst(%arg6 : memref<100000xf32, #tpu.memory_space<vmem>>)
      tpu.yield
    }) : () -> ()
    %dma_wait3A_424 = arith.constant 0 : i32
    %dma_wait3A_425 = arith.constant 8192 : i32
    %dma_wait3A_426 = tpu.memref_slice %arg4[%add3A_335, %dma_wait3A_425] : memref<256x16384xf32, #tpu.memory_space<hbm>> -> memref<1x4096xf32, #tpu.memory_space<hbm>>
    %dma_wait3A_427 = tpu.memref_squeeze %dma_wait3A_426 : memref<1x4096xf32, #tpu.memory_space<hbm>> -> memref<4096xf32, #tpu.memory_space<hbm>>
    %dma_wait3A_428 = tpu.memref_slice %arg9[%dma_wait3A_424] : memref<2x!tpu.dma_semaphore, #tpu.memory_space<semaphore_mem>> -> memref<1x!tpu.dma_semaphore, #tpu.memory_space<semaphore_mem>>
    %dma_wait3A_429 = tpu.memref_squeeze %dma_wait3A_428 : memref<1x!tpu.dma_semaphore, #tpu.memory_space<semaphore_mem>> -> memref<!tpu.dma_semaphore, #tpu.memory_space<semaphore_mem>>
    %dma_wait3A_430 = arith.constant 8192 : i32
    %dma_wait3A_431 = tpu.memref_slice %arg4[%add3A_335, %dma_wait3A_430] : memref<256x16384xf32, #tpu.memory_space<hbm>> -> memref<1x4096xf32, #tpu.memory_space<hbm>>
    %dma_wait3A_432 = tpu.memref_squeeze %dma_wait3A_431 : memref<1x4096xf32, #tpu.memory_space<hbm>> -> memref<4096xf32, #tpu.memory_space<hbm>>
    tpu.wait_dma2 semaphore(%dma_wait3A_429 : memref<!tpu.dma_semaphore, #tpu.memory_space<semaphore_mem>>) src(%arg7 : memref<4096xf32, #tpu.memory_space<vmem>>) dst(%dma_wait3A_432 : memref<4096xf32, #tpu.memory_space<hbm>>)
    %parallel_loop3A_433 = arith.constant 0 : i32
    %parallel_loop3A_434 = arith.constant 256 : i32
    %parallel_loop3A_435 = arith.constant 1 : i32
    scf.for %parallel_loop3A_702 = %parallel_loop3A_433 to %parallel_loop3A_434 step %parallel_loop3A_435  : i32 {
      %parallel_loop3A_703 = arith.constant 16 : i32
      %parallel_loop3A_704 = arith.muli %parallel_loop3A_702, %parallel_loop3A_703 : i32
      %parallel_loop3A_705 = arith.constant 0 : i32
      %parallel_loop3A_706 = arith.addi %parallel_loop3A_705, %parallel_loop3A_704 : i32
      %parallel_loop3A_707 = arith.index_cast %parallel_loop3A_706 : i32 to index
      %parallel_loop3A_708 = tpu.vector_load %arg5[%parallel_loop3A_707] {strides = array<i32>} : memref<16384xi32, #tpu.memory_space<vmem>>, vector<16xi32>,
      %parallel_loop3A_709 = tpu.vector_load_idx %arg6[%parallel_loop3A_708] : memref<100000xf32, #tpu.memory_space<vmem>>[vector<16xi32>], vector<16xf32>,
      %parallel_loop3A_710 = arith.constant 16 : i32
      %parallel_loop3A_711 = arith.muli %parallel_loop3A_702, %parallel_loop3A_710 : i32
      %parallel_loop3A_712 = arith.index_cast %parallel_loop3A_711 : i32 to index
      %parallel_loop3A_713 = tpu.vector_load %arg7[%parallel_loop3A_712] {strides = array<i32>} : memref<4096xf32, #tpu.memory_space<vmem>>, vector<16xf32>,
      tpu.vector_store %arg7[%parallel_loop3A_712], %parallel_loop3A_709 {strides = array<i32>} : memref<4096xf32, #tpu.memory_space<vmem>>, vector<16xf32>,
    } {sc.loop_unroll_factor = 8 : i64, sc.parallel_access}
    %dma_start3A_436 = arith.constant 0 : i32
    %dma_start3A_437 = arith.constant 0 : i32
    %dma_start3A_438 = tpu.memref_slice %arg4[%add3A_423, %dma_start3A_437] : memref<256x16384xf32, #tpu.memory_space<hbm>> -> memref<1x4096xf32, #tpu.memory_space<hbm>>
    %dma_start3A_439 = tpu.memref_squeeze %dma_start3A_438 : memref<1x4096xf32, #tpu.memory_space<hbm>> -> memref<4096xf32, #tpu.memory_space<hbm>>
    %dma_start3A_440 = tpu.memref_slice %arg9[%dma_start3A_436] : memref<2x!tpu.dma_semaphore, #tpu.memory_space<semaphore_mem>> -> memref<1x!tpu.dma_semaphore, #tpu.memory_space<semaphore_mem>>
    %dma_start3A_441 = tpu.memref_squeeze %dma_start3A_440 : memref<1x!tpu.dma_semaphore, #tpu.memory_space<semaphore_mem>> -> memref<!tpu.dma_semaphore, #tpu.memory_space<semaphore_mem>>
    %dma_start3A_442 = arith.constant 0 : i32
    %dma_start3A_443 = tpu.memref_slice %arg4[%add3A_423, %dma_start3A_442] : memref<256x16384xf32, #tpu.memory_space<hbm>> -> memref<1x4096xf32, #tpu.memory_space<hbm>>
    %dma_start3A_444 = tpu.memref_squeeze %dma_start3A_443 : memref<1x4096xf32, #tpu.memory_space<hbm>> -> memref<4096xf32, #tpu.memory_space<hbm>>
    tpu.enqueue_dma source(%arg7 : memref<4096xf32, #tpu.memory_space<vmem>>) target(%dma_start3A_444 : memref<4096xf32, #tpu.memory_space<hbm>>) target_semaphore(%dma_start3A_441 : memref<!tpu.dma_semaphore, #tpu.memory_space<semaphore_mem>>)
    %dma_wait3A_445 = arith.constant 1 : i32
    %dma_wait3A_446 = arith.constant 12288 : i32
    %dma_wait3A_447 = tpu.memref_slice %arg4[%add3A_335, %dma_wait3A_446] : memref<256x16384xf32, #tpu.memory_space<hbm>> -> memref<1x4096xf32, #tpu.memory_space<hbm>>
    %dma_wait3A_448 = tpu.memref_squeeze %dma_wait3A_447 : memref<1x4096xf32, #tpu.memory_space<hbm>> -> memref<4096xf32, #tpu.memory_space<hbm>>
    %dma_wait3A_449 = tpu.memref_slice %arg9[%dma_wait3A_445] : memref<2x!tpu.dma_semaphore, #tpu.memory_space<semaphore_mem>> -> memref<1x!tpu.dma_semaphore, #tpu.memory_space<semaphore_mem>>
    %dma_wait3A_450 = tpu.memref_squeeze %dma_wait3A_449 : memref<1x!tpu.dma_semaphore, #tpu.memory_space<semaphore_mem>> -> memref<!tpu.dma_semaphore, #tpu.memory_space<semaphore_mem>>
    %dma_wait3A_451 = arith.constant 12288 : i32
    %dma_wait3A_452 = tpu.memref_slice %arg4[%add3A_335, %dma_wait3A_451] : memref<256x16384xf32, #tpu.memory_space<hbm>> -> memref<1x4096xf32, #tpu.memory_space<hbm>>
    %dma_wait3A_453 = tpu.memref_squeeze %dma_wait3A_452 : memref<1x4096xf32, #tpu.memory_space<hbm>> -> memref<4096xf32, #tpu.memory_space<hbm>>
    tpu.wait_dma2 semaphore(%dma_wait3A_450 : memref<!tpu.dma_semaphore, #tpu.memory_space<semaphore_mem>>) src(%arg8 : memref<4096xf32, #tpu.memory_space<vmem>>) dst(%dma_wait3A_453 : memref<4096xf32, #tpu.memory_space<hbm>>)
    %parallel_loop3A_454 = arith.constant 0 : i32
    %parallel_loop3A_455 = arith.constant 256 : i32
    %parallel_loop3A_456 = arith.constant 1 : i32
    scf.for %parallel_loop3A_702 = %parallel_loop3A_454 to %parallel_loop3A_455 step %parallel_loop3A_456  : i32 {
      %parallel_loop3A_703 = arith.constant 16 : i32
      %parallel_loop3A_704 = arith.muli %parallel_loop3A_702, %parallel_loop3A_703 : i32
      %parallel_loop3A_705 = arith.constant 4096 : i32
      %parallel_loop3A_706 = arith.addi %parallel_loop3A_705, %parallel_loop3A_704 : i32
      %parallel_loop3A_707 = arith.index_cast %parallel_loop3A_706 : i32 to index
      %parallel_loop3A_708 = tpu.vector_load %arg5[%parallel_loop3A_707] {strides = array<i32>} : memref<16384xi32, #tpu.memory_space<vmem>>, vector<16xi32>,
      %parallel_loop3A_709 = tpu.vector_load_idx %arg6[%parallel_loop3A_708] : memref<100000xf32, #tpu.memory_space<vmem>>[vector<16xi32>], vector<16xf32>,
      %parallel_loop3A_710 = arith.constant 16 : i32
      %parallel_loop3A_711 = arith.muli %parallel_loop3A_702, %parallel_loop3A_710 : i32
      %parallel_loop3A_712 = arith.index_cast %parallel_loop3A_711 : i32 to index
      %parallel_loop3A_713 = tpu.vector_load %arg8[%parallel_loop3A_712] {strides = array<i32>} : memref<4096xf32, #tpu.memory_space<vmem>>, vector<16xf32>,
      tpu.vector_store %arg8[%parallel_loop3A_712], %parallel_loop3A_709 {strides = array<i32>} : memref<4096xf32, #tpu.memory_space<vmem>>, vector<16xf32>,
    } {sc.loop_unroll_factor = 8 : i64, sc.parallel_access}
    %dma_start3A_457 = arith.constant 1 : i32
    %dma_start3A_458 = arith.constant 4096 : i32
    %dma_start3A_459 = tpu.memref_slice %arg4[%add3A_423, %dma_start3A_458] : memref<256x16384xf32, #tpu.memory_space<hbm>> -> memref<1x4096xf32, #tpu.memory_space<hbm>>
    %dma_start3A_460 = tpu.memref_squeeze %dma_start3A_459 : memref<1x4096xf32, #tpu.memory_space<hbm>> -> memref<4096xf32, #tpu.memory_space<hbm>>
    %dma_start3A_461 = tpu.memref_slice %arg9[%dma_start3A_457] : memref<2x!tpu.dma_semaphore, #tpu.memory_space<semaphore_mem>> -> memref<1x!tpu.dma_semaphore, #tpu.memory_space<semaphore_mem>>
    %dma_start3A_462 = tpu.memref_squeeze %dma_start3A_461 : memref<1x!tpu.dma_semaphore, #tpu.memory_space<semaphore_mem>> -> memref<!tpu.dma_semaphore, #tpu.memory_space<semaphore_mem>>
    %dma_start3A_463 = arith.constant 4096 : i32
    %dma_start3A_464 = tpu.memref_slice %arg4[%add3A_423, %dma_start3A_463] : memref<256x16384xf32, #tpu.memory_space<hbm>> -> memref<1x4096xf32, #tpu.memory_space<hbm>>
    %dma_start3A_465 = tpu.memref_squeeze %dma_start3A_464 : memref<1x4096xf32, #tpu.memory_space<hbm>> -> memref<4096xf32, #tpu.memory_space<hbm>>
    tpu.enqueue_dma source(%arg8 : memref<4096xf32, #tpu.memory_space<vmem>>) target(%dma_start3A_465 : memref<4096xf32, #tpu.memory_space<hbm>>) target_semaphore(%dma_start3A_462 : memref<!tpu.dma_semaphore, #tpu.memory_space<semaphore_mem>>)
    %dma_wait3A_466 = arith.constant 0 : i32
    %dma_wait3A_467 = arith.constant 0 : i32
    %dma_wait3A_468 = tpu.memref_slice %arg4[%add3A_423, %dma_wait3A_467] : memref<256x16384xf32, #tpu.memory_space<hbm>> -> memref<1x4096xf32, #tpu.memory_space<hbm>>
    %dma_wait3A_469 = tpu.memref_squeeze %dma_wait3A_468 : memref<1x4096xf32, #tpu.memory_space<hbm>> -> memref<4096xf32, #tpu.memory_space<hbm>>
    %dma_wait3A_470 = tpu.memref_slice %arg9[%dma_wait3A_466] : memref<2x!tpu.dma_semaphore, #tpu.memory_space<semaphore_mem>> -> memref<1x!tpu.dma_semaphore, #tpu.memory_space<semaphore_mem>>
    %dma_wait3A_471 = tpu.memref_squeeze %dma_wait3A_470 : memref<1x!tpu.dma_semaphore, #tpu.memory_space<semaphore_mem>> -> memref<!tpu.dma_semaphore, #tpu.memory_space<semaphore_mem>>
    %dma_wait3A_472 = arith.constant 0 : i32
    %dma_wait3A_473 = tpu.memref_slice %arg4[%add3A_423, %dma_wait3A_472] : memref<256x16384xf32, #tpu.memory_space<hbm>> -> memref<1x4096xf32, #tpu.memory_space<hbm>>
    %dma_wait3A_474 = tpu.memref_squeeze %dma_wait3A_473 : memref<1x4096xf32, #tpu.memory_space<hbm>> -> memref<4096xf32, #tpu.memory_space<hbm>>
    tpu.wait_dma2 semaphore(%dma_wait3A_471 : memref<!tpu.dma_semaphore, #tpu.memory_space<semaphore_mem>>) src(%arg7 : memref<4096xf32, #tpu.memory_space<vmem>>) dst(%dma_wait3A_474 : memref<4096xf32, #tpu.memory_space<hbm>>)
    %parallel_loop3A_475 = arith.constant 0 : i32
    %parallel_loop3A_476 = arith.constant 256 : i32
    %parallel_loop3A_477 = arith.constant 1 : i32
    scf.for %parallel_loop3A_702 = %parallel_loop3A_475 to %parallel_loop3A_476 step %parallel_loop3A_477  : i32 {
      %parallel_loop3A_703 = arith.constant 16 : i32
      %parallel_loop3A_704 = arith.muli %parallel_loop3A_702, %parallel_loop3A_703 : i32
      %parallel_loop3A_705 = arith.constant 8192 : i32
      %parallel_loop3A_706 = arith.addi %parallel_loop3A_705, %parallel_loop3A_704 : i32
      %parallel_loop3A_707 = arith.index_cast %parallel_loop3A_706 : i32 to index
      %parallel_loop3A_708 = tpu.vector_load %arg5[%parallel_loop3A_707] {strides = array<i32>} : memref<16384xi32, #tpu.memory_space<vmem>>, vector<16xi32>,
      %parallel_loop3A_709 = tpu.vector_load_idx %arg6[%parallel_loop3A_708] : memref<100000xf32, #tpu.memory_space<vmem>>[vector<16xi32>], vector<16xf32>,
      %parallel_loop3A_710 = arith.constant 16 : i32
      %parallel_loop3A_711 = arith.muli %parallel_loop3A_702, %parallel_loop3A_710 : i32
      %parallel_loop3A_712 = arith.index_cast %parallel_loop3A_711 : i32 to index
      %parallel_loop3A_713 = tpu.vector_load %arg7[%parallel_loop3A_712] {strides = array<i32>} : memref<4096xf32, #tpu.memory_space<vmem>>, vector<16xf32>,
      tpu.vector_store %arg7[%parallel_loop3A_712], %parallel_loop3A_709 {strides = array<i32>} : memref<4096xf32, #tpu.memory_space<vmem>>, vector<16xf32>,
    } {sc.loop_unroll_factor = 8 : i64, sc.parallel_access}
    %dma_start3A_478 = arith.constant 0 : i32
    %dma_start3A_479 = arith.constant 8192 : i32
    %dma_start3A_480 = tpu.memref_slice %arg4[%add3A_423, %dma_start3A_479] : memref<256x16384xf32, #tpu.memory_space<hbm>> -> memref<1x4096xf32, #tpu.memory_space<hbm>>
    %dma_start3A_481 = tpu.memref_squeeze %dma_start3A_480 : memref<1x4096xf32, #tpu.memory_space<hbm>> -> memref<4096xf32, #tpu.memory_space<hbm>>
    %dma_start3A_482 = tpu.memref_slice %arg9[%dma_start3A_478] : memref<2x!tpu.dma_semaphore, #tpu.memory_space<semaphore_mem>> -> memref<1x!tpu.dma_semaphore, #tpu.memory_space<semaphore_mem>>
    %dma_start3A_483 = tpu.memref_squeeze %dma_start3A_482 : memref<1x!tpu.dma_semaphore, #tpu.memory_space<semaphore_mem>> -> memref<!tpu.dma_semaphore, #tpu.memory_space<semaphore_mem>>
    %dma_start3A_484 = arith.constant 8192 : i32
    %dma_start3A_485 = tpu.memref_slice %arg4[%add3A_423, %dma_start3A_484] : memref<256x16384xf32, #tpu.memory_space<hbm>> -> memref<1x4096xf32, #tpu.memory_space<hbm>>
    %dma_start3A_486 = tpu.memref_squeeze %dma_start3A_485 : memref<1x4096xf32, #tpu.memory_space<hbm>> -> memref<4096xf32, #tpu.memory_space<hbm>>
    tpu.enqueue_dma source(%arg7 : memref<4096xf32, #tpu.memory_space<vmem>>) target(%dma_start3A_486 : memref<4096xf32, #tpu.memory_space<hbm>>) target_semaphore(%dma_start3A_483 : memref<!tpu.dma_semaphore, #tpu.memory_space<semaphore_mem>>)
    %dma_wait3A_487 = arith.constant 1 : i32
    %dma_wait3A_488 = arith.constant 4096 : i32
    %dma_wait3A_489 = tpu.memref_slice %arg4[%add3A_423, %dma_wait3A_488] : memref<256x16384xf32, #tpu.memory_space<hbm>> -> memref<1x4096xf32, #tpu.memory_space<hbm>>
    %dma_wait3A_490 = tpu.memref_squeeze %dma_wait3A_489 : memref<1x4096xf32, #tpu.memory_space<hbm>> -> memref<4096xf32, #tpu.memory_space<hbm>>
    %dma_wait3A_491 = tpu.memref_slice %arg9[%dma_wait3A_487] : memref<2x!tpu.dma_semaphore, #tpu.memory_space<semaphore_mem>> -> memref<1x!tpu.dma_semaphore, #tpu.memory_space<semaphore_mem>>
    %dma_wait3A_492 = tpu.memref_squeeze %dma_wait3A_491 : memref<1x!tpu.dma_semaphore, #tpu.memory_space<semaphore_mem>> -> memref<!tpu.dma_semaphore, #tpu.memory_space<semaphore_mem>>
    %dma_wait3A_493 = arith.constant 4096 : i32
    %dma_wait3A_494 = tpu.memref_slice %arg4[%add3A_423, %dma_wait3A_493] : memref<256x16384xf32, #tpu.memory_space<hbm>> -> memref<1x4096xf32, #tpu.memory_space<hbm>>
    %dma_wait3A_495 = tpu.memref_squeeze %dma_wait3A_494 : memref<1x4096xf32, #tpu.memory_space<hbm>> -> memref<4096xf32, #tpu.memory_space<hbm>>
    tpu.wait_dma2 semaphore(%dma_wait3A_492 : memref<!tpu.dma_semaphore, #tpu.memory_space<semaphore_mem>>) src(%arg8 : memref<4096xf32, #tpu.memory_space<vmem>>) dst(%dma_wait3A_495 : memref<4096xf32, #tpu.memory_space<hbm>>)
    %parallel_loop3A_496 = arith.constant 0 : i32
    %parallel_loop3A_497 = arith.constant 256 : i32
    %parallel_loop3A_498 = arith.constant 1 : i32
    scf.for %parallel_loop3A_702 = %parallel_loop3A_496 to %parallel_loop3A_497 step %parallel_loop3A_498  : i32 {
      %parallel_loop3A_703 = arith.constant 16 : i32
      %parallel_loop3A_704 = arith.muli %parallel_loop3A_702, %parallel_loop3A_703 : i32
      %parallel_loop3A_705 = arith.constant 12288 : i32
      %parallel_loop3A_706 = arith.addi %parallel_loop3A_705, %parallel_loop3A_704 : i32
      %parallel_loop3A_707 = arith.index_cast %parallel_loop3A_706 : i32 to index
      %parallel_loop3A_708 = tpu.vector_load %arg5[%parallel_loop3A_707] {strides = array<i32>} : memref<16384xi32, #tpu.memory_space<vmem>>, vector<16xi32>,
      %parallel_loop3A_709 = tpu.vector_load_idx %arg6[%parallel_loop3A_708] : memref<100000xf32, #tpu.memory_space<vmem>>[vector<16xi32>], vector<16xf32>,
      %parallel_loop3A_710 = arith.constant 16 : i32
      %parallel_loop3A_711 = arith.muli %parallel_loop3A_702, %parallel_loop3A_710 : i32
      %parallel_loop3A_712 = arith.index_cast %parallel_loop3A_711 : i32 to index
      %parallel_loop3A_713 = tpu.vector_load %arg8[%parallel_loop3A_712] {strides = array<i32>} : memref<4096xf32, #tpu.memory_space<vmem>>, vector<16xf32>,
      tpu.vector_store %arg8[%parallel_loop3A_712], %parallel_loop3A_709 {strides = array<i32>} : memref<4096xf32, #tpu.memory_space<vmem>>, vector<16xf32>,
    } {sc.loop_unroll_factor = 8 : i64, sc.parallel_access}
    %dma_start3A_499 = arith.constant 1 : i32
    %dma_start3A_500 = arith.constant 12288 : i32
    %dma_start3A_501 = tpu.memref_slice %arg4[%add3A_423, %dma_start3A_500] : memref<256x16384xf32, #tpu.memory_space<hbm>> -> memref<1x4096xf32, #tpu.memory_space<hbm>>
    %dma_start3A_502 = tpu.memref_squeeze %dma_start3A_501 : memref<1x4096xf32, #tpu.memory_space<hbm>> -> memref<4096xf32, #tpu.memory_space<hbm>>
    %dma_start3A_503 = tpu.memref_slice %arg9[%dma_start3A_499] : memref<2x!tpu.dma_semaphore, #tpu.memory_space<semaphore_mem>> -> memref<1x!tpu.dma_semaphore, #tpu.memory_space<semaphore_mem>>
    %dma_start3A_504 = tpu.memref_squeeze %dma_start3A_503 : memref<1x!tpu.dma_semaphore, #tpu.memory_space<semaphore_mem>> -> memref<!tpu.dma_semaphore, #tpu.memory_space<semaphore_mem>>
    %dma_start3A_505 = arith.constant 12288 : i32
    %dma_start3A_506 = tpu.memref_slice %arg4[%add3A_423, %dma_start3A_505] : memref<256x16384xf32, #tpu.memory_space<hbm>> -> memref<1x4096xf32, #tpu.memory_space<hbm>>
    %dma_start3A_507 = tpu.memref_squeeze %dma_start3A_506 : memref<1x4096xf32, #tpu.memory_space<hbm>> -> memref<4096xf32, #tpu.memory_space<hbm>>
    tpu.enqueue_dma source(%arg8 : memref<4096xf32, #tpu.memory_space<vmem>>) target(%dma_start3A_507 : memref<4096xf32, #tpu.memory_space<hbm>>) target_semaphore(%dma_start3A_504 : memref<!tpu.dma_semaphore, #tpu.memory_space<semaphore_mem>>)
    %mul3A_508 = arith.constant 8 : i32
    %mul3A_509 = arith.muli %add3A, %mul3A_508 : i32
    %add3A_510 = arith.constant 6 : i32
    %add3A_511 = arith.addi %mul3A_509, %add3A_510 : i32
    "tpu.region"() ({
      %run_scoped3A = tpu.sem_alloc : memref<!tpu.dma_semaphore, #tpu.memory_space<semaphore_mem>>
      %dma_start3A_702 = arith.constant 0 : i32
      %dma_start3A_703 = tpu.memref_slice %arg2[%add3A_511, %dma_start3A_702] : memref<256x100000xf32, #tpu.memory_space<hbm>> -> memref<1x100000xf32, #tpu.memory_space<hbm>>
      %dma_start3A_704 = tpu.memref_squeeze %dma_start3A_703 : memref<1x100000xf32, #tpu.memory_space<hbm>> -> memref<100000xf32, #tpu.memory_space<hbm>>
      %dma_start3A_705 = arith.constant 0 : i32
      %dma_start3A_706 = tpu.memref_slice %arg2[%add3A_511, %dma_start3A_705] : memref<256x100000xf32, #tpu.memory_space<hbm>> -> memref<1x100000xf32, #tpu.memory_space<hbm>>
      %dma_start3A_707 = tpu.memref_squeeze %dma_start3A_706 : memref<1x100000xf32, #tpu.memory_space<hbm>> -> memref<100000xf32, #tpu.memory_space<hbm>>
      tpu.enqueue_dma source(%dma_start3A_707 : memref<100000xf32, #tpu.memory_space<hbm>>) target(%arg6 : memref<100000xf32, #tpu.memory_space<vmem>>) target_semaphore(%run_scoped3A : memref<!tpu.dma_semaphore, #tpu.memory_space<semaphore_mem>>)
      %dma_wait3A_708 = arith.constant 0 : i32
      %dma_wait3A_709 = tpu.memref_slice %arg2[%add3A_511, %dma_wait3A_708] : memref<256x100000xf32, #tpu.memory_space<hbm>> -> memref<1x100000xf32, #tpu.memory_space<hbm>>
      %dma_wait3A_710 = tpu.memref_squeeze %dma_wait3A_709 : memref<1x100000xf32, #tpu.memory_space<hbm>> -> memref<100000xf32, #tpu.memory_space<hbm>>
      %dma_wait3A_711 = arith.constant 0 : i32
      %dma_wait3A_712 = tpu.memref_slice %arg2[%add3A_511, %dma_wait3A_711] : memref<256x100000xf32, #tpu.memory_space<hbm>> -> memref<1x100000xf32, #tpu.memory_space<hbm>>
      %dma_wait3A_713 = tpu.memref_squeeze %dma_wait3A_712 : memref<1x100000xf32, #tpu.memory_space<hbm>> -> memref<100000xf32, #tpu.memory_space<hbm>>
      tpu.wait_dma2 semaphore(%run_scoped3A : memref<!tpu.dma_semaphore, #tpu.memory_space<semaphore_mem>>) src(%dma_wait3A_713 : memref<100000xf32, #tpu.memory_space<hbm>>) dst(%arg6 : memref<100000xf32, #tpu.memory_space<vmem>>)
      tpu.yield
    }) : () -> ()
    %dma_wait3A_512 = arith.constant 0 : i32
    %dma_wait3A_513 = arith.constant 8192 : i32
    %dma_wait3A_514 = tpu.memref_slice %arg4[%add3A_423, %dma_wait3A_513] : memref<256x16384xf32, #tpu.memory_space<hbm>> -> memref<1x4096xf32, #tpu.memory_space<hbm>>
    %dma_wait3A_515 = tpu.memref_squeeze %dma_wait3A_514 : memref<1x4096xf32, #tpu.memory_space<hbm>> -> memref<4096xf32, #tpu.memory_space<hbm>>
    %dma_wait3A_516 = tpu.memref_slice %arg9[%dma_wait3A_512] : memref<2x!tpu.dma_semaphore, #tpu.memory_space<semaphore_mem>> -> memref<1x!tpu.dma_semaphore, #tpu.memory_space<semaphore_mem>>
    %dma_wait3A_517 = tpu.memref_squeeze %dma_wait3A_516 : memref<1x!tpu.dma_semaphore, #tpu.memory_space<semaphore_mem>> -> memref<!tpu.dma_semaphore, #tpu.memory_space<semaphore_mem>>
    %dma_wait3A_518 = arith.constant 8192 : i32
    %dma_wait3A_519 = tpu.memref_slice %arg4[%add3A_423, %dma_wait3A_518] : memref<256x16384xf32, #tpu.memory_space<hbm>> -> memref<1x4096xf32, #tpu.memory_space<hbm>>
    %dma_wait3A_520 = tpu.memref_squeeze %dma_wait3A_519 : memref<1x4096xf32, #tpu.memory_space<hbm>> -> memref<4096xf32, #tpu.memory_space<hbm>>
    tpu.wait_dma2 semaphore(%dma_wait3A_517 : memref<!tpu.dma_semaphore, #tpu.memory_space<semaphore_mem>>) src(%arg7 : memref<4096xf32, #tpu.memory_space<vmem>>) dst(%dma_wait3A_520 : memref<4096xf32, #tpu.memory_space<hbm>>)
    %parallel_loop3A_521 = arith.constant 0 : i32
    %parallel_loop3A_522 = arith.constant 256 : i32
    %parallel_loop3A_523 = arith.constant 1 : i32
    scf.for %parallel_loop3A_702 = %parallel_loop3A_521 to %parallel_loop3A_522 step %parallel_loop3A_523  : i32 {
      %parallel_loop3A_703 = arith.constant 16 : i32
      %parallel_loop3A_704 = arith.muli %parallel_loop3A_702, %parallel_loop3A_703 : i32
      %parallel_loop3A_705 = arith.constant 0 : i32
      %parallel_loop3A_706 = arith.addi %parallel_loop3A_705, %parallel_loop3A_704 : i32
      %parallel_loop3A_707 = arith.index_cast %parallel_loop3A_706 : i32 to index
      %parallel_loop3A_708 = tpu.vector_load %arg5[%parallel_loop3A_707] {strides = array<i32>} : memref<16384xi32, #tpu.memory_space<vmem>>, vector<16xi32>,
      %parallel_loop3A_709 = tpu.vector_load_idx %arg6[%parallel_loop3A_708] : memref<100000xf32, #tpu.memory_space<vmem>>[vector<16xi32>], vector<16xf32>,
      %parallel_loop3A_710 = arith.constant 16 : i32
      %parallel_loop3A_711 = arith.muli %parallel_loop3A_702, %parallel_loop3A_710 : i32
      %parallel_loop3A_712 = arith.index_cast %parallel_loop3A_711 : i32 to index
      %parallel_loop3A_713 = tpu.vector_load %arg7[%parallel_loop3A_712] {strides = array<i32>} : memref<4096xf32, #tpu.memory_space<vmem>>, vector<16xf32>,
      tpu.vector_store %arg7[%parallel_loop3A_712], %parallel_loop3A_709 {strides = array<i32>} : memref<4096xf32, #tpu.memory_space<vmem>>, vector<16xf32>,
    } {sc.loop_unroll_factor = 8 : i64, sc.parallel_access}
    %dma_start3A_524 = arith.constant 0 : i32
    %dma_start3A_525 = arith.constant 0 : i32
    %dma_start3A_526 = tpu.memref_slice %arg4[%add3A_511, %dma_start3A_525] : memref<256x16384xf32, #tpu.memory_space<hbm>> -> memref<1x4096xf32, #tpu.memory_space<hbm>>
    %dma_start3A_527 = tpu.memref_squeeze %dma_start3A_526 : memref<1x4096xf32, #tpu.memory_space<hbm>> -> memref<4096xf32, #tpu.memory_space<hbm>>
    %dma_start3A_528 = tpu.memref_slice %arg9[%dma_start3A_524] : memref<2x!tpu.dma_semaphore, #tpu.memory_space<semaphore_mem>> -> memref<1x!tpu.dma_semaphore, #tpu.memory_space<semaphore_mem>>
    %dma_start3A_529 = tpu.memref_squeeze %dma_start3A_528 : memref<1x!tpu.dma_semaphore, #tpu.memory_space<semaphore_mem>> -> memref<!tpu.dma_semaphore, #tpu.memory_space<semaphore_mem>>
    %dma_start3A_530 = arith.constant 0 : i32
    %dma_start3A_531 = tpu.memref_slice %arg4[%add3A_511, %dma_start3A_530] : memref<256x16384xf32, #tpu.memory_space<hbm>> -> memref<1x4096xf32, #tpu.memory_space<hbm>>
    %dma_start3A_532 = tpu.memref_squeeze %dma_start3A_531 : memref<1x4096xf32, #tpu.memory_space<hbm>> -> memref<4096xf32, #tpu.memory_space<hbm>>
    tpu.enqueue_dma source(%arg7 : memref<4096xf32, #tpu.memory_space<vmem>>) target(%dma_start3A_532 : memref<4096xf32, #tpu.memory_space<hbm>>) target_semaphore(%dma_start3A_529 : memref<!tpu.dma_semaphore, #tpu.memory_space<semaphore_mem>>)
    %dma_wait3A_533 = arith.constant 1 : i32
    %dma_wait3A_534 = arith.constant 12288 : i32
    %dma_wait3A_535 = tpu.memref_slice %arg4[%add3A_423, %dma_wait3A_534] : memref<256x16384xf32, #tpu.memory_space<hbm>> -> memref<1x4096xf32, #tpu.memory_space<hbm>>
    %dma_wait3A_536 = tpu.memref_squeeze %dma_wait3A_535 : memref<1x4096xf32, #tpu.memory_space<hbm>> -> memref<4096xf32, #tpu.memory_space<hbm>>
    %dma_wait3A_537 = tpu.memref_slice %arg9[%dma_wait3A_533] : memref<2x!tpu.dma_semaphore, #tpu.memory_space<semaphore_mem>> -> memref<1x!tpu.dma_semaphore, #tpu.memory_space<semaphore_mem>>
    %dma_wait3A_538 = tpu.memref_squeeze %dma_wait3A_537 : memref<1x!tpu.dma_semaphore, #tpu.memory_space<semaphore_mem>> -> memref<!tpu.dma_semaphore, #tpu.memory_space<semaphore_mem>>
    %dma_wait3A_539 = arith.constant 12288 : i32
    %dma_wait3A_540 = tpu.memref_slice %arg4[%add3A_423, %dma_wait3A_539] : memref<256x16384xf32, #tpu.memory_space<hbm>> -> memref<1x4096xf32, #tpu.memory_space<hbm>>
    %dma_wait3A_541 = tpu.memref_squeeze %dma_wait3A_540 : memref<1x4096xf32, #tpu.memory_space<hbm>> -> memref<4096xf32, #tpu.memory_space<hbm>>
    tpu.wait_dma2 semaphore(%dma_wait3A_538 : memref<!tpu.dma_semaphore, #tpu.memory_space<semaphore_mem>>) src(%arg8 : memref<4096xf32, #tpu.memory_space<vmem>>) dst(%dma_wait3A_541 : memref<4096xf32, #tpu.memory_space<hbm>>)
    %parallel_loop3A_542 = arith.constant 0 : i32
    %parallel_loop3A_543 = arith.constant 256 : i32
    %parallel_loop3A_544 = arith.constant 1 : i32
    scf.for %parallel_loop3A_702 = %parallel_loop3A_542 to %parallel_loop3A_543 step %parallel_loop3A_544  : i32 {
      %parallel_loop3A_703 = arith.constant 16 : i32
      %parallel_loop3A_704 = arith.muli %parallel_loop3A_702, %parallel_loop3A_703 : i32
      %parallel_loop3A_705 = arith.constant 4096 : i32
      %parallel_loop3A_706 = arith.addi %parallel_loop3A_705, %parallel_loop3A_704 : i32
      %parallel_loop3A_707 = arith.index_cast %parallel_loop3A_706 : i32 to index
      %parallel_loop3A_708 = tpu.vector_load %arg5[%parallel_loop3A_707] {strides = array<i32>} : memref<16384xi32, #tpu.memory_space<vmem>>, vector<16xi32>,
      %parallel_loop3A_709 = tpu.vector_load_idx %arg6[%parallel_loop3A_708] : memref<100000xf32, #tpu.memory_space<vmem>>[vector<16xi32>], vector<16xf32>,
      %parallel_loop3A_710 = arith.constant 16 : i32
      %parallel_loop3A_711 = arith.muli %parallel_loop3A_702, %parallel_loop3A_710 : i32
      %parallel_loop3A_712 = arith.index_cast %parallel_loop3A_711 : i32 to index
      %parallel_loop3A_713 = tpu.vector_load %arg8[%parallel_loop3A_712] {strides = array<i32>} : memref<4096xf32, #tpu.memory_space<vmem>>, vector<16xf32>,
      tpu.vector_store %arg8[%parallel_loop3A_712], %parallel_loop3A_709 {strides = array<i32>} : memref<4096xf32, #tpu.memory_space<vmem>>, vector<16xf32>,
    } {sc.loop_unroll_factor = 8 : i64, sc.parallel_access}
    %dma_start3A_545 = arith.constant 1 : i32
    %dma_start3A_546 = arith.constant 4096 : i32
    %dma_start3A_547 = tpu.memref_slice %arg4[%add3A_511, %dma_start3A_546] : memref<256x16384xf32, #tpu.memory_space<hbm>> -> memref<1x4096xf32, #tpu.memory_space<hbm>>
    %dma_start3A_548 = tpu.memref_squeeze %dma_start3A_547 : memref<1x4096xf32, #tpu.memory_space<hbm>> -> memref<4096xf32, #tpu.memory_space<hbm>>
    %dma_start3A_549 = tpu.memref_slice %arg9[%dma_start3A_545] : memref<2x!tpu.dma_semaphore, #tpu.memory_space<semaphore_mem>> -> memref<1x!tpu.dma_semaphore, #tpu.memory_space<semaphore_mem>>
    %dma_start3A_550 = tpu.memref_squeeze %dma_start3A_549 : memref<1x!tpu.dma_semaphore, #tpu.memory_space<semaphore_mem>> -> memref<!tpu.dma_semaphore, #tpu.memory_space<semaphore_mem>>
    %dma_start3A_551 = arith.constant 4096 : i32
    %dma_start3A_552 = tpu.memref_slice %arg4[%add3A_511, %dma_start3A_551] : memref<256x16384xf32, #tpu.memory_space<hbm>> -> memref<1x4096xf32, #tpu.memory_space<hbm>>
    %dma_start3A_553 = tpu.memref_squeeze %dma_start3A_552 : memref<1x4096xf32, #tpu.memory_space<hbm>> -> memref<4096xf32, #tpu.memory_space<hbm>>
    tpu.enqueue_dma source(%arg8 : memref<4096xf32, #tpu.memory_space<vmem>>) target(%dma_start3A_553 : memref<4096xf32, #tpu.memory_space<hbm>>) target_semaphore(%dma_start3A_550 : memref<!tpu.dma_semaphore, #tpu.memory_space<semaphore_mem>>)
    %dma_wait3A_554 = arith.constant 0 : i32
    %dma_wait3A_555 = arith.constant 0 : i32
    %dma_wait3A_556 = tpu.memref_slice %arg4[%add3A_511, %dma_wait3A_555] : memref<256x16384xf32, #tpu.memory_space<hbm>> -> memref<1x4096xf32, #tpu.memory_space<hbm>>
    %dma_wait3A_557 = tpu.memref_squeeze %dma_wait3A_556 : memref<1x4096xf32, #tpu.memory_space<hbm>> -> memref<4096xf32, #tpu.memory_space<hbm>>
    %dma_wait3A_558 = tpu.memref_slice %arg9[%dma_wait3A_554] : memref<2x!tpu.dma_semaphore, #tpu.memory_space<semaphore_mem>> -> memref<1x!tpu.dma_semaphore, #tpu.memory_space<semaphore_mem>>
    %dma_wait3A_559 = tpu.memref_squeeze %dma_wait3A_558 : memref<1x!tpu.dma_semaphore, #tpu.memory_space<semaphore_mem>> -> memref<!tpu.dma_semaphore, #tpu.memory_space<semaphore_mem>>
    %dma_wait3A_560 = arith.constant 0 : i32
    %dma_wait3A_561 = tpu.memref_slice %arg4[%add3A_511, %dma_wait3A_560] : memref<256x16384xf32, #tpu.memory_space<hbm>> -> memref<1x4096xf32, #tpu.memory_space<hbm>>
    %dma_wait3A_562 = tpu.memref_squeeze %dma_wait3A_561 : memref<1x4096xf32, #tpu.memory_space<hbm>> -> memref<4096xf32, #tpu.memory_space<hbm>>
    tpu.wait_dma2 semaphore(%dma_wait3A_559 : memref<!tpu.dma_semaphore, #tpu.memory_space<semaphore_mem>>) src(%arg7 : memref<4096xf32, #tpu.memory_space<vmem>>) dst(%dma_wait3A_562 : memref<4096xf32, #tpu.memory_space<hbm>>)
    %parallel_loop3A_563 = arith.constant 0 : i32
    %parallel_loop3A_564 = arith.constant 256 : i32
    %parallel_loop3A_565 = arith.constant 1 : i32
    scf.for %parallel_loop3A_702 = %parallel_loop3A_563 to %parallel_loop3A_564 step %parallel_loop3A_565  : i32 {
      %parallel_loop3A_703 = arith.constant 16 : i32
      %parallel_loop3A_704 = arith.muli %parallel_loop3A_702, %parallel_loop3A_703 : i32
      %parallel_loop3A_705 = arith.constant 8192 : i32
      %parallel_loop3A_706 = arith.addi %parallel_loop3A_705, %parallel_loop3A_704 : i32
      %parallel_loop3A_707 = arith.index_cast %parallel_loop3A_706 : i32 to index
      %parallel_loop3A_708 = tpu.vector_load %arg5[%parallel_loop3A_707] {strides = array<i32>} : memref<16384xi32, #tpu.memory_space<vmem>>, vector<16xi32>,
      %parallel_loop3A_709 = tpu.vector_load_idx %arg6[%parallel_loop3A_708] : memref<100000xf32, #tpu.memory_space<vmem>>[vector<16xi32>], vector<16xf32>,
      %parallel_loop3A_710 = arith.constant 16 : i32
      %parallel_loop3A_711 = arith.muli %parallel_loop3A_702, %parallel_loop3A_710 : i32
      %parallel_loop3A_712 = arith.index_cast %parallel_loop3A_711 : i32 to index
      %parallel_loop3A_713 = tpu.vector_load %arg7[%parallel_loop3A_712] {strides = array<i32>} : memref<4096xf32, #tpu.memory_space<vmem>>, vector<16xf32>,
      tpu.vector_store %arg7[%parallel_loop3A_712], %parallel_loop3A_709 {strides = array<i32>} : memref<4096xf32, #tpu.memory_space<vmem>>, vector<16xf32>,
    } {sc.loop_unroll_factor = 8 : i64, sc.parallel_access}
    %dma_start3A_566 = arith.constant 0 : i32
    %dma_start3A_567 = arith.constant 8192 : i32
    %dma_start3A_568 = tpu.memref_slice %arg4[%add3A_511, %dma_start3A_567] : memref<256x16384xf32, #tpu.memory_space<hbm>> -> memref<1x4096xf32, #tpu.memory_space<hbm>>
    %dma_start3A_569 = tpu.memref_squeeze %dma_start3A_568 : memref<1x4096xf32, #tpu.memory_space<hbm>> -> memref<4096xf32, #tpu.memory_space<hbm>>
    %dma_start3A_570 = tpu.memref_slice %arg9[%dma_start3A_566] : memref<2x!tpu.dma_semaphore, #tpu.memory_space<semaphore_mem>> -> memref<1x!tpu.dma_semaphore, #tpu.memory_space<semaphore_mem>>
    %dma_start3A_571 = tpu.memref_squeeze %dma_start3A_570 : memref<1x!tpu.dma_semaphore, #tpu.memory_space<semaphore_mem>> -> memref<!tpu.dma_semaphore, #tpu.memory_space<semaphore_mem>>
    %dma_start3A_572 = arith.constant 8192 : i32
    %dma_start3A_573 = tpu.memref_slice %arg4[%add3A_511, %dma_start3A_572] : memref<256x16384xf32, #tpu.memory_space<hbm>> -> memref<1x4096xf32, #tpu.memory_space<hbm>>
    %dma_start3A_574 = tpu.memref_squeeze %dma_start3A_573 : memref<1x4096xf32, #tpu.memory_space<hbm>> -> memref<4096xf32, #tpu.memory_space<hbm>>
    tpu.enqueue_dma source(%arg7 : memref<4096xf32, #tpu.memory_space<vmem>>) target(%dma_start3A_574 : memref<4096xf32, #tpu.memory_space<hbm>>) target_semaphore(%dma_start3A_571 : memref<!tpu.dma_semaphore, #tpu.memory_space<semaphore_mem>>)
    %dma_wait3A_575 = arith.constant 1 : i32
    %dma_wait3A_576 = arith.constant 4096 : i32
    %dma_wait3A_577 = tpu.memref_slice %arg4[%add3A_511, %dma_wait3A_576] : memref<256x16384xf32, #tpu.memory_space<hbm>> -> memref<1x4096xf32, #tpu.memory_space<hbm>>
    %dma_wait3A_578 = tpu.memref_squeeze %dma_wait3A_577 : memref<1x4096xf32, #tpu.memory_space<hbm>> -> memref<4096xf32, #tpu.memory_space<hbm>>
    %dma_wait3A_579 = tpu.memref_slice %arg9[%dma_wait3A_575] : memref<2x!tpu.dma_semaphore, #tpu.memory_space<semaphore_mem>> -> memref<1x!tpu.dma_semaphore, #tpu.memory_space<semaphore_mem>>
    %dma_wait3A_580 = tpu.memref_squeeze %dma_wait3A_579 : memref<1x!tpu.dma_semaphore, #tpu.memory_space<semaphore_mem>> -> memref<!tpu.dma_semaphore, #tpu.memory_space<semaphore_mem>>
    %dma_wait3A_581 = arith.constant 4096 : i32
    %dma_wait3A_582 = tpu.memref_slice %arg4[%add3A_511, %dma_wait3A_581] : memref<256x16384xf32, #tpu.memory_space<hbm>> -> memref<1x4096xf32, #tpu.memory_space<hbm>>
    %dma_wait3A_583 = tpu.memref_squeeze %dma_wait3A_582 : memref<1x4096xf32, #tpu.memory_space<hbm>> -> memref<4096xf32, #tpu.memory_space<hbm>>
    tpu.wait_dma2 semaphore(%dma_wait3A_580 : memref<!tpu.dma_semaphore, #tpu.memory_space<semaphore_mem>>) src(%arg8 : memref<4096xf32, #tpu.memory_space<vmem>>) dst(%dma_wait3A_583 : memref<4096xf32, #tpu.memory_space<hbm>>)
    %parallel_loop3A_584 = arith.constant 0 : i32
    %parallel_loop3A_585 = arith.constant 256 : i32
    %parallel_loop3A_586 = arith.constant 1 : i32
    scf.for %parallel_loop3A_702 = %parallel_loop3A_584 to %parallel_loop3A_585 step %parallel_loop3A_586  : i32 {
      %parallel_loop3A_703 = arith.constant 16 : i32
      %parallel_loop3A_704 = arith.muli %parallel_loop3A_702, %parallel_loop3A_703 : i32
      %parallel_loop3A_705 = arith.constant 12288 : i32
      %parallel_loop3A_706 = arith.addi %parallel_loop3A_705, %parallel_loop3A_704 : i32
      %parallel_loop3A_707 = arith.index_cast %parallel_loop3A_706 : i32 to index
      %parallel_loop3A_708 = tpu.vector_load %arg5[%parallel_loop3A_707] {strides = array<i32>} : memref<16384xi32, #tpu.memory_space<vmem>>, vector<16xi32>,
      %parallel_loop3A_709 = tpu.vector_load_idx %arg6[%parallel_loop3A_708] : memref<100000xf32, #tpu.memory_space<vmem>>[vector<16xi32>], vector<16xf32>,
      %parallel_loop3A_710 = arith.constant 16 : i32
      %parallel_loop3A_711 = arith.muli %parallel_loop3A_702, %parallel_loop3A_710 : i32
      %parallel_loop3A_712 = arith.index_cast %parallel_loop3A_711 : i32 to index
      %parallel_loop3A_713 = tpu.vector_load %arg8[%parallel_loop3A_712] {strides = array<i32>} : memref<4096xf32, #tpu.memory_space<vmem>>, vector<16xf32>,
      tpu.vector_store %arg8[%parallel_loop3A_712], %parallel_loop3A_709 {strides = array<i32>} : memref<4096xf32, #tpu.memory_space<vmem>>, vector<16xf32>,
    } {sc.loop_unroll_factor = 8 : i64, sc.parallel_access}
    %dma_start3A_587 = arith.constant 1 : i32
    %dma_start3A_588 = arith.constant 12288 : i32
    %dma_start3A_589 = tpu.memref_slice %arg4[%add3A_511, %dma_start3A_588] : memref<256x16384xf32, #tpu.memory_space<hbm>> -> memref<1x4096xf32, #tpu.memory_space<hbm>>
    %dma_start3A_590 = tpu.memref_squeeze %dma_start3A_589 : memref<1x4096xf32, #tpu.memory_space<hbm>> -> memref<4096xf32, #tpu.memory_space<hbm>>
    %dma_start3A_591 = tpu.memref_slice %arg9[%dma_start3A_587] : memref<2x!tpu.dma_semaphore, #tpu.memory_space<semaphore_mem>> -> memref<1x!tpu.dma_semaphore, #tpu.memory_space<semaphore_mem>>
    %dma_start3A_592 = tpu.memref_squeeze %dma_start3A_591 : memref<1x!tpu.dma_semaphore, #tpu.memory_space<semaphore_mem>> -> memref<!tpu.dma_semaphore, #tpu.memory_space<semaphore_mem>>
    %dma_start3A_593 = arith.constant 12288 : i32
    %dma_start3A_594 = tpu.memref_slice %arg4[%add3A_511, %dma_start3A_593] : memref<256x16384xf32, #tpu.memory_space<hbm>> -> memref<1x4096xf32, #tpu.memory_space<hbm>>
    %dma_start3A_595 = tpu.memref_squeeze %dma_start3A_594 : memref<1x4096xf32, #tpu.memory_space<hbm>> -> memref<4096xf32, #tpu.memory_space<hbm>>
    tpu.enqueue_dma source(%arg8 : memref<4096xf32, #tpu.memory_space<vmem>>) target(%dma_start3A_595 : memref<4096xf32, #tpu.memory_space<hbm>>) target_semaphore(%dma_start3A_592 : memref<!tpu.dma_semaphore, #tpu.memory_space<semaphore_mem>>)
    %mul3A_596 = arith.constant 8 : i32
    %mul3A_597 = arith.muli %add3A, %mul3A_596 : i32
    %add3A_598 = arith.constant 7 : i32
    %add3A_599 = arith.addi %mul3A_597, %add3A_598 : i32
    "tpu.region"() ({
      %run_scoped3A = tpu.sem_alloc : memref<!tpu.dma_semaphore, #tpu.memory_space<semaphore_mem>>
      %dma_start3A_702 = arith.constant 0 : i32
      %dma_start3A_703 = tpu.memref_slice %arg2[%add3A_599, %dma_start3A_702] : memref<256x100000xf32, #tpu.memory_space<hbm>> -> memref<1x100000xf32, #tpu.memory_space<hbm>>
      %dma_start3A_704 = tpu.memref_squeeze %dma_start3A_703 : memref<1x100000xf32, #tpu.memory_space<hbm>> -> memref<100000xf32, #tpu.memory_space<hbm>>
      %dma_start3A_705 = arith.constant 0 : i32
      %dma_start3A_706 = tpu.memref_slice %arg2[%add3A_599, %dma_start3A_705] : memref<256x100000xf32, #tpu.memory_space<hbm>> -> memref<1x100000xf32, #tpu.memory_space<hbm>>
      %dma_start3A_707 = tpu.memref_squeeze %dma_start3A_706 : memref<1x100000xf32, #tpu.memory_space<hbm>> -> memref<100000xf32, #tpu.memory_space<hbm>>
      tpu.enqueue_dma source(%dma_start3A_707 : memref<100000xf32, #tpu.memory_space<hbm>>) target(%arg6 : memref<100000xf32, #tpu.memory_space<vmem>>) target_semaphore(%run_scoped3A : memref<!tpu.dma_semaphore, #tpu.memory_space<semaphore_mem>>)
      %dma_wait3A_708 = arith.constant 0 : i32
      %dma_wait3A_709 = tpu.memref_slice %arg2[%add3A_599, %dma_wait3A_708] : memref<256x100000xf32, #tpu.memory_space<hbm>> -> memref<1x100000xf32, #tpu.memory_space<hbm>>
      %dma_wait3A_710 = tpu.memref_squeeze %dma_wait3A_709 : memref<1x100000xf32, #tpu.memory_space<hbm>> -> memref<100000xf32, #tpu.memory_space<hbm>>
      %dma_wait3A_711 = arith.constant 0 : i32
      %dma_wait3A_712 = tpu.memref_slice %arg2[%add3A_599, %dma_wait3A_711] : memref<256x100000xf32, #tpu.memory_space<hbm>> -> memref<1x100000xf32, #tpu.memory_space<hbm>>
      %dma_wait3A_713 = tpu.memref_squeeze %dma_wait3A_712 : memref<1x100000xf32, #tpu.memory_space<hbm>> -> memref<100000xf32, #tpu.memory_space<hbm>>
      tpu.wait_dma2 semaphore(%run_scoped3A : memref<!tpu.dma_semaphore, #tpu.memory_space<semaphore_mem>>) src(%dma_wait3A_713 : memref<100000xf32, #tpu.memory_space<hbm>>) dst(%arg6 : memref<100000xf32, #tpu.memory_space<vmem>>)
      tpu.yield
    }) : () -> ()
    %dma_wait3A_600 = arith.constant 0 : i32
    %dma_wait3A_601 = arith.constant 8192 : i32
    %dma_wait3A_602 = tpu.memref_slice %arg4[%add3A_511, %dma_wait3A_601] : memref<256x16384xf32, #tpu.memory_space<hbm>> -> memref<1x4096xf32, #tpu.memory_space<hbm>>
    %dma_wait3A_603 = tpu.memref_squeeze %dma_wait3A_602 : memref<1x4096xf32, #tpu.memory_space<hbm>> -> memref<4096xf32, #tpu.memory_space<hbm>>
    %dma_wait3A_604 = tpu.memref_slice %arg9[%dma_wait3A_600] : memref<2x!tpu.dma_semaphore, #tpu.memory_space<semaphore_mem>> -> memref<1x!tpu.dma_semaphore, #tpu.memory_space<semaphore_mem>>
    %dma_wait3A_605 = tpu.memref_squeeze %dma_wait3A_604 : memref<1x!tpu.dma_semaphore, #tpu.memory_space<semaphore_mem>> -> memref<!tpu.dma_semaphore, #tpu.memory_space<semaphore_mem>>
    %dma_wait3A_606 = arith.constant 8192 : i32
    %dma_wait3A_607 = tpu.memref_slice %arg4[%add3A_511, %dma_wait3A_606] : memref<256x16384xf32, #tpu.memory_space<hbm>> -> memref<1x4096xf32, #tpu.memory_space<hbm>>
    %dma_wait3A_608 = tpu.memref_squeeze %dma_wait3A_607 : memref<1x4096xf32, #tpu.memory_space<hbm>> -> memref<4096xf32, #tpu.memory_space<hbm>>
    tpu.wait_dma2 semaphore(%dma_wait3A_605 : memref<!tpu.dma_semaphore, #tpu.memory_space<semaphore_mem>>) src(%arg7 : memref<4096xf32, #tpu.memory_space<vmem>>) dst(%dma_wait3A_608 : memref<4096xf32, #tpu.memory_space<hbm>>)
    %parallel_loop3A_609 = arith.constant 0 : i32
    %parallel_loop3A_610 = arith.constant 256 : i32
    %parallel_loop3A_611 = arith.constant 1 : i32
    scf.for %parallel_loop3A_702 = %parallel_loop3A_609 to %parallel_loop3A_610 step %parallel_loop3A_611  : i32 {
      %parallel_loop3A_703 = arith.constant 16 : i32
      %parallel_loop3A_704 = arith.muli %parallel_loop3A_702, %parallel_loop3A_703 : i32
      %parallel_loop3A_705 = arith.constant 0 : i32
      %parallel_loop3A_706 = arith.addi %parallel_loop3A_705, %parallel_loop3A_704 : i32
      %parallel_loop3A_707 = arith.index_cast %parallel_loop3A_706 : i32 to index
      %parallel_loop3A_708 = tpu.vector_load %arg5[%parallel_loop3A_707] {strides = array<i32>} : memref<16384xi32, #tpu.memory_space<vmem>>, vector<16xi32>,
      %parallel_loop3A_709 = tpu.vector_load_idx %arg6[%parallel_loop3A_708] : memref<100000xf32, #tpu.memory_space<vmem>>[vector<16xi32>], vector<16xf32>,
      %parallel_loop3A_710 = arith.constant 16 : i32
      %parallel_loop3A_711 = arith.muli %parallel_loop3A_702, %parallel_loop3A_710 : i32
      %parallel_loop3A_712 = arith.index_cast %parallel_loop3A_711 : i32 to index
      %parallel_loop3A_713 = tpu.vector_load %arg7[%parallel_loop3A_712] {strides = array<i32>} : memref<4096xf32, #tpu.memory_space<vmem>>, vector<16xf32>,
      tpu.vector_store %arg7[%parallel_loop3A_712], %parallel_loop3A_709 {strides = array<i32>} : memref<4096xf32, #tpu.memory_space<vmem>>, vector<16xf32>,
    } {sc.loop_unroll_factor = 8 : i64, sc.parallel_access}
    %dma_start3A_612 = arith.constant 0 : i32
    %dma_start3A_613 = arith.constant 0 : i32
    %dma_start3A_614 = tpu.memref_slice %arg4[%add3A_599, %dma_start3A_613] : memref<256x16384xf32, #tpu.memory_space<hbm>> -> memref<1x4096xf32, #tpu.memory_space<hbm>>
    %dma_start3A_615 = tpu.memref_squeeze %dma_start3A_614 : memref<1x4096xf32, #tpu.memory_space<hbm>> -> memref<4096xf32, #tpu.memory_space<hbm>>
    %dma_start3A_616 = tpu.memref_slice %arg9[%dma_start3A_612] : memref<2x!tpu.dma_semaphore, #tpu.memory_space<semaphore_mem>> -> memref<1x!tpu.dma_semaphore, #tpu.memory_space<semaphore_mem>>
    %dma_start3A_617 = tpu.memref_squeeze %dma_start3A_616 : memref<1x!tpu.dma_semaphore, #tpu.memory_space<semaphore_mem>> -> memref<!tpu.dma_semaphore, #tpu.memory_space<semaphore_mem>>
    %dma_start3A_618 = arith.constant 0 : i32
    %dma_start3A_619 = tpu.memref_slice %arg4[%add3A_599, %dma_start3A_618] : memref<256x16384xf32, #tpu.memory_space<hbm>> -> memref<1x4096xf32, #tpu.memory_space<hbm>>
    %dma_start3A_620 = tpu.memref_squeeze %dma_start3A_619 : memref<1x4096xf32, #tpu.memory_space<hbm>> -> memref<4096xf32, #tpu.memory_space<hbm>>
    tpu.enqueue_dma source(%arg7 : memref<4096xf32, #tpu.memory_space<vmem>>) target(%dma_start3A_620 : memref<4096xf32, #tpu.memory_space<hbm>>) target_semaphore(%dma_start3A_617 : memref<!tpu.dma_semaphore, #tpu.memory_space<semaphore_mem>>)
    %dma_wait3A_621 = arith.constant 1 : i32
    %dma_wait3A_622 = arith.constant 12288 : i32
    %dma_wait3A_623 = tpu.memref_slice %arg4[%add3A_511, %dma_wait3A_622] : memref<256x16384xf32, #tpu.memory_space<hbm>> -> memref<1x4096xf32, #tpu.memory_space<hbm>>
    %dma_wait3A_624 = tpu.memref_squeeze %dma_wait3A_623 : memref<1x4096xf32, #tpu.memory_space<hbm>> -> memref<4096xf32, #tpu.memory_space<hbm>>
    %dma_wait3A_625 = tpu.memref_slice %arg9[%dma_wait3A_621] : memref<2x!tpu.dma_semaphore, #tpu.memory_space<semaphore_mem>> -> memref<1x!tpu.dma_semaphore, #tpu.memory_space<semaphore_mem>>
    %dma_wait3A_626 = tpu.memref_squeeze %dma_wait3A_625 : memref<1x!tpu.dma_semaphore, #tpu.memory_space<semaphore_mem>> -> memref<!tpu.dma_semaphore, #tpu.memory_space<semaphore_mem>>
    %dma_wait3A_627 = arith.constant 12288 : i32
    %dma_wait3A_628 = tpu.memref_slice %arg4[%add3A_511, %dma_wait3A_627] : memref<256x16384xf32, #tpu.memory_space<hbm>> -> memref<1x4096xf32, #tpu.memory_space<hbm>>
    %dma_wait3A_629 = tpu.memref_squeeze %dma_wait3A_628 : memref<1x4096xf32, #tpu.memory_space<hbm>> -> memref<4096xf32, #tpu.memory_space<hbm>>
    tpu.wait_dma2 semaphore(%dma_wait3A_626 : memref<!tpu.dma_semaphore, #tpu.memory_space<semaphore_mem>>) src(%arg8 : memref<4096xf32, #tpu.memory_space<vmem>>) dst(%dma_wait3A_629 : memref<4096xf32, #tpu.memory_space<hbm>>)
    %parallel_loop3A_630 = arith.constant 0 : i32
    %parallel_loop3A_631 = arith.constant 256 : i32
    %parallel_loop3A_632 = arith.constant 1 : i32
    scf.for %parallel_loop3A_702 = %parallel_loop3A_630 to %parallel_loop3A_631 step %parallel_loop3A_632  : i32 {
      %parallel_loop3A_703 = arith.constant 16 : i32
      %parallel_loop3A_704 = arith.muli %parallel_loop3A_702, %parallel_loop3A_703 : i32
      %parallel_loop3A_705 = arith.constant 4096 : i32
      %parallel_loop3A_706 = arith.addi %parallel_loop3A_705, %parallel_loop3A_704 : i32
      %parallel_loop3A_707 = arith.index_cast %parallel_loop3A_706 : i32 to index
      %parallel_loop3A_708 = tpu.vector_load %arg5[%parallel_loop3A_707] {strides = array<i32>} : memref<16384xi32, #tpu.memory_space<vmem>>, vector<16xi32>,
      %parallel_loop3A_709 = tpu.vector_load_idx %arg6[%parallel_loop3A_708] : memref<100000xf32, #tpu.memory_space<vmem>>[vector<16xi32>], vector<16xf32>,
      %parallel_loop3A_710 = arith.constant 16 : i32
      %parallel_loop3A_711 = arith.muli %parallel_loop3A_702, %parallel_loop3A_710 : i32
      %parallel_loop3A_712 = arith.index_cast %parallel_loop3A_711 : i32 to index
      %parallel_loop3A_713 = tpu.vector_load %arg8[%parallel_loop3A_712] {strides = array<i32>} : memref<4096xf32, #tpu.memory_space<vmem>>, vector<16xf32>,
      tpu.vector_store %arg8[%parallel_loop3A_712], %parallel_loop3A_709 {strides = array<i32>} : memref<4096xf32, #tpu.memory_space<vmem>>, vector<16xf32>,
    } {sc.loop_unroll_factor = 8 : i64, sc.parallel_access}
    %dma_start3A_633 = arith.constant 1 : i32
    %dma_start3A_634 = arith.constant 4096 : i32
    %dma_start3A_635 = tpu.memref_slice %arg4[%add3A_599, %dma_start3A_634] : memref<256x16384xf32, #tpu.memory_space<hbm>> -> memref<1x4096xf32, #tpu.memory_space<hbm>>
    %dma_start3A_636 = tpu.memref_squeeze %dma_start3A_635 : memref<1x4096xf32, #tpu.memory_space<hbm>> -> memref<4096xf32, #tpu.memory_space<hbm>>
    %dma_start3A_637 = tpu.memref_slice %arg9[%dma_start3A_633] : memref<2x!tpu.dma_semaphore, #tpu.memory_space<semaphore_mem>> -> memref<1x!tpu.dma_semaphore, #tpu.memory_space<semaphore_mem>>
    %dma_start3A_638 = tpu.memref_squeeze %dma_start3A_637 : memref<1x!tpu.dma_semaphore, #tpu.memory_space<semaphore_mem>> -> memref<!tpu.dma_semaphore, #tpu.memory_space<semaphore_mem>>
    %dma_start3A_639 = arith.constant 4096 : i32
    %dma_start3A_640 = tpu.memref_slice %arg4[%add3A_599, %dma_start3A_639] : memref<256x16384xf32, #tpu.memory_space<hbm>> -> memref<1x4096xf32, #tpu.memory_space<hbm>>
    %dma_start3A_641 = tpu.memref_squeeze %dma_start3A_640 : memref<1x4096xf32, #tpu.memory_space<hbm>> -> memref<4096xf32, #tpu.memory_space<hbm>>
    tpu.enqueue_dma source(%arg8 : memref<4096xf32, #tpu.memory_space<vmem>>) target(%dma_start3A_641 : memref<4096xf32, #tpu.memory_space<hbm>>) target_semaphore(%dma_start3A_638 : memref<!tpu.dma_semaphore, #tpu.memory_space<semaphore_mem>>)
    %dma_wait3A_642 = arith.constant 0 : i32
    %dma_wait3A_643 = arith.constant 0 : i32
    %dma_wait3A_644 = tpu.memref_slice %arg4[%add3A_599, %dma_wait3A_643] : memref<256x16384xf32, #tpu.memory_space<hbm>> -> memref<1x4096xf32, #tpu.memory_space<hbm>>
    %dma_wait3A_645 = tpu.memref_squeeze %dma_wait3A_644 : memref<1x4096xf32, #tpu.memory_space<hbm>> -> memref<4096xf32, #tpu.memory_space<hbm>>
    %dma_wait3A_646 = tpu.memref_slice %arg9[%dma_wait3A_642] : memref<2x!tpu.dma_semaphore, #tpu.memory_space<semaphore_mem>> -> memref<1x!tpu.dma_semaphore, #tpu.memory_space<semaphore_mem>>
    %dma_wait3A_647 = tpu.memref_squeeze %dma_wait3A_646 : memref<1x!tpu.dma_semaphore, #tpu.memory_space<semaphore_mem>> -> memref<!tpu.dma_semaphore, #tpu.memory_space<semaphore_mem>>
    %dma_wait3A_648 = arith.constant 0 : i32
    %dma_wait3A_649 = tpu.memref_slice %arg4[%add3A_599, %dma_wait3A_648] : memref<256x16384xf32, #tpu.memory_space<hbm>> -> memref<1x4096xf32, #tpu.memory_space<hbm>>
    %dma_wait3A_650 = tpu.memref_squeeze %dma_wait3A_649 : memref<1x4096xf32, #tpu.memory_space<hbm>> -> memref<4096xf32, #tpu.memory_space<hbm>>
    tpu.wait_dma2 semaphore(%dma_wait3A_647 : memref<!tpu.dma_semaphore, #tpu.memory_space<semaphore_mem>>) src(%arg7 : memref<4096xf32, #tpu.memory_space<vmem>>) dst(%dma_wait3A_650 : memref<4096xf32, #tpu.memory_space<hbm>>)
    %parallel_loop3A_651 = arith.constant 0 : i32
    %parallel_loop3A_652 = arith.constant 256 : i32
    %parallel_loop3A_653 = arith.constant 1 : i32
    scf.for %parallel_loop3A_702 = %parallel_loop3A_651 to %parallel_loop3A_652 step %parallel_loop3A_653  : i32 {
      %parallel_loop3A_703 = arith.constant 16 : i32
      %parallel_loop3A_704 = arith.muli %parallel_loop3A_702, %parallel_loop3A_703 : i32
      %parallel_loop3A_705 = arith.constant 8192 : i32
      %parallel_loop3A_706 = arith.addi %parallel_loop3A_705, %parallel_loop3A_704 : i32
      %parallel_loop3A_707 = arith.index_cast %parallel_loop3A_706 : i32 to index
      %parallel_loop3A_708 = tpu.vector_load %arg5[%parallel_loop3A_707] {strides = array<i32>} : memref<16384xi32, #tpu.memory_space<vmem>>, vector<16xi32>,
      %parallel_loop3A_709 = tpu.vector_load_idx %arg6[%parallel_loop3A_708] : memref<100000xf32, #tpu.memory_space<vmem>>[vector<16xi32>], vector<16xf32>,
      %parallel_loop3A_710 = arith.constant 16 : i32
      %parallel_loop3A_711 = arith.muli %parallel_loop3A_702, %parallel_loop3A_710 : i32
      %parallel_loop3A_712 = arith.index_cast %parallel_loop3A_711 : i32 to index
      %parallel_loop3A_713 = tpu.vector_load %arg7[%parallel_loop3A_712] {strides = array<i32>} : memref<4096xf32, #tpu.memory_space<vmem>>, vector<16xf32>,
      tpu.vector_store %arg7[%parallel_loop3A_712], %parallel_loop3A_709 {strides = array<i32>} : memref<4096xf32, #tpu.memory_space<vmem>>, vector<16xf32>,
    } {sc.loop_unroll_factor = 8 : i64, sc.parallel_access}
    %dma_start3A_654 = arith.constant 0 : i32
    %dma_start3A_655 = arith.constant 8192 : i32
    %dma_start3A_656 = tpu.memref_slice %arg4[%add3A_599, %dma_start3A_655] : memref<256x16384xf32, #tpu.memory_space<hbm>> -> memref<1x4096xf32, #tpu.memory_space<hbm>>
    %dma_start3A_657 = tpu.memref_squeeze %dma_start3A_656 : memref<1x4096xf32, #tpu.memory_space<hbm>> -> memref<4096xf32, #tpu.memory_space<hbm>>
    %dma_start3A_658 = tpu.memref_slice %arg9[%dma_start3A_654] : memref<2x!tpu.dma_semaphore, #tpu.memory_space<semaphore_mem>> -> memref<1x!tpu.dma_semaphore, #tpu.memory_space<semaphore_mem>>
    %dma_start3A_659 = tpu.memref_squeeze %dma_start3A_658 : memref<1x!tpu.dma_semaphore, #tpu.memory_space<semaphore_mem>> -> memref<!tpu.dma_semaphore, #tpu.memory_space<semaphore_mem>>
    %dma_start3A_660 = arith.constant 8192 : i32
    %dma_start3A_661 = tpu.memref_slice %arg4[%add3A_599, %dma_start3A_660] : memref<256x16384xf32, #tpu.memory_space<hbm>> -> memref<1x4096xf32, #tpu.memory_space<hbm>>
    %dma_start3A_662 = tpu.memref_squeeze %dma_start3A_661 : memref<1x4096xf32, #tpu.memory_space<hbm>> -> memref<4096xf32, #tpu.memory_space<hbm>>
    tpu.enqueue_dma source(%arg7 : memref<4096xf32, #tpu.memory_space<vmem>>) target(%dma_start3A_662 : memref<4096xf32, #tpu.memory_space<hbm>>) target_semaphore(%dma_start3A_659 : memref<!tpu.dma_semaphore, #tpu.memory_space<semaphore_mem>>)
    %dma_wait3A_663 = arith.constant 1 : i32
    %dma_wait3A_664 = arith.constant 4096 : i32
    %dma_wait3A_665 = tpu.memref_slice %arg4[%add3A_599, %dma_wait3A_664] : memref<256x16384xf32, #tpu.memory_space<hbm>> -> memref<1x4096xf32, #tpu.memory_space<hbm>>
    %dma_wait3A_666 = tpu.memref_squeeze %dma_wait3A_665 : memref<1x4096xf32, #tpu.memory_space<hbm>> -> memref<4096xf32, #tpu.memory_space<hbm>>
    %dma_wait3A_667 = tpu.memref_slice %arg9[%dma_wait3A_663] : memref<2x!tpu.dma_semaphore, #tpu.memory_space<semaphore_mem>> -> memref<1x!tpu.dma_semaphore, #tpu.memory_space<semaphore_mem>>
    %dma_wait3A_668 = tpu.memref_squeeze %dma_wait3A_667 : memref<1x!tpu.dma_semaphore, #tpu.memory_space<semaphore_mem>> -> memref<!tpu.dma_semaphore, #tpu.memory_space<semaphore_mem>>
    %dma_wait3A_669 = arith.constant 4096 : i32
    %dma_wait3A_670 = tpu.memref_slice %arg4[%add3A_599, %dma_wait3A_669] : memref<256x16384xf32, #tpu.memory_space<hbm>> -> memref<1x4096xf32, #tpu.memory_space<hbm>>
    %dma_wait3A_671 = tpu.memref_squeeze %dma_wait3A_670 : memref<1x4096xf32, #tpu.memory_space<hbm>> -> memref<4096xf32, #tpu.memory_space<hbm>>
    tpu.wait_dma2 semaphore(%dma_wait3A_668 : memref<!tpu.dma_semaphore, #tpu.memory_space<semaphore_mem>>) src(%arg8 : memref<4096xf32, #tpu.memory_space<vmem>>) dst(%dma_wait3A_671 : memref<4096xf32, #tpu.memory_space<hbm>>)
    %parallel_loop3A_672 = arith.constant 0 : i32
    %parallel_loop3A_673 = arith.constant 256 : i32
    %parallel_loop3A_674 = arith.constant 1 : i32
    scf.for %parallel_loop3A_702 = %parallel_loop3A_672 to %parallel_loop3A_673 step %parallel_loop3A_674  : i32 {
      %parallel_loop3A_703 = arith.constant 16 : i32
      %parallel_loop3A_704 = arith.muli %parallel_loop3A_702, %parallel_loop3A_703 : i32
      %parallel_loop3A_705 = arith.constant 12288 : i32
      %parallel_loop3A_706 = arith.addi %parallel_loop3A_705, %parallel_loop3A_704 : i32
      %parallel_loop3A_707 = arith.index_cast %parallel_loop3A_706 : i32 to index
      %parallel_loop3A_708 = tpu.vector_load %arg5[%parallel_loop3A_707] {strides = array<i32>} : memref<16384xi32, #tpu.memory_space<vmem>>, vector<16xi32>,
      %parallel_loop3A_709 = tpu.vector_load_idx %arg6[%parallel_loop3A_708] : memref<100000xf32, #tpu.memory_space<vmem>>[vector<16xi32>], vector<16xf32>,
      %parallel_loop3A_710 = arith.constant 16 : i32
      %parallel_loop3A_711 = arith.muli %parallel_loop3A_702, %parallel_loop3A_710 : i32
      %parallel_loop3A_712 = arith.index_cast %parallel_loop3A_711 : i32 to index
      %parallel_loop3A_713 = tpu.vector_load %arg8[%parallel_loop3A_712] {strides = array<i32>} : memref<4096xf32, #tpu.memory_space<vmem>>, vector<16xf32>,
      tpu.vector_store %arg8[%parallel_loop3A_712], %parallel_loop3A_709 {strides = array<i32>} : memref<4096xf32, #tpu.memory_space<vmem>>, vector<16xf32>,
    } {sc.loop_unroll_factor = 8 : i64, sc.parallel_access}
    %dma_start3A_675 = arith.constant 1 : i32
    %dma_start3A_676 = arith.constant 12288 : i32
    %dma_start3A_677 = tpu.memref_slice %arg4[%add3A_599, %dma_start3A_676] : memref<256x16384xf32, #tpu.memory_space<hbm>> -> memref<1x4096xf32, #tpu.memory_space<hbm>>
    %dma_start3A_678 = tpu.memref_squeeze %dma_start3A_677 : memref<1x4096xf32, #tpu.memory_space<hbm>> -> memref<4096xf32, #tpu.memory_space<hbm>>
    %dma_start3A_679 = tpu.memref_slice %arg9[%dma_start3A_675] : memref<2x!tpu.dma_semaphore, #tpu.memory_space<semaphore_mem>> -> memref<1x!tpu.dma_semaphore, #tpu.memory_space<semaphore_mem>>
    %dma_start3A_680 = tpu.memref_squeeze %dma_start3A_679 : memref<1x!tpu.dma_semaphore, #tpu.memory_space<semaphore_mem>> -> memref<!tpu.dma_semaphore, #tpu.memory_space<semaphore_mem>>
    %dma_start3A_681 = arith.constant 12288 : i32
    %dma_start3A_682 = tpu.memref_slice %arg4[%add3A_599, %dma_start3A_681] : memref<256x16384xf32, #tpu.memory_space<hbm>> -> memref<1x4096xf32, #tpu.memory_space<hbm>>
    %dma_start3A_683 = tpu.memref_squeeze %dma_start3A_682 : memref<1x4096xf32, #tpu.memory_space<hbm>> -> memref<4096xf32, #tpu.memory_space<hbm>>
    tpu.enqueue_dma source(%arg8 : memref<4096xf32, #tpu.memory_space<vmem>>) target(%dma_start3A_683 : memref<4096xf32, #tpu.memory_space<hbm>>) target_semaphore(%dma_start3A_680 : memref<!tpu.dma_semaphore, #tpu.memory_space<semaphore_mem>>)
    %dma_wait3A_684 = arith.constant 0 : i32
    %dma_wait3A_685 = arith.constant 8192 : i32
    %dma_wait3A_686 = tpu.memref_slice %arg4[%add3A_599, %dma_wait3A_685] : memref<256x16384xf32, #tpu.memory_space<hbm>> -> memref<1x4096xf32, #tpu.memory_space<hbm>>
    %dma_wait3A_687 = tpu.memref_squeeze %dma_wait3A_686 : memref<1x4096xf32, #tpu.memory_space<hbm>> -> memref<4096xf32, #tpu.memory_space<hbm>>
    %dma_wait3A_688 = tpu.memref_slice %arg9[%dma_wait3A_684] : memref<2x!tpu.dma_semaphore, #tpu.memory_space<semaphore_mem>> -> memref<1x!tpu.dma_semaphore, #tpu.memory_space<semaphore_mem>>
    %dma_wait3A_689 = tpu.memref_squeeze %dma_wait3A_688 : memref<1x!tpu.dma_semaphore, #tpu.memory_space<semaphore_mem>> -> memref<!tpu.dma_semaphore, #tpu.memory_space<semaphore_mem>>
    %dma_wait3A_690 = arith.constant 8192 : i32
    %dma_wait3A_691 = tpu.memref_slice %arg4[%add3A_599, %dma_wait3A_690] : memref<256x16384xf32, #tpu.memory_space<hbm>> -> memref<1x4096xf32, #tpu.memory_space<hbm>>
    %dma_wait3A_692 = tpu.memref_squeeze %dma_wait3A_691 : memref<1x4096xf32, #tpu.memory_space<hbm>> -> memref<4096xf32, #tpu.memory_space<hbm>>
    tpu.wait_dma2 semaphore(%dma_wait3A_689 : memref<!tpu.dma_semaphore, #tpu.memory_space<semaphore_mem>>) src(%arg7 : memref<4096xf32, #tpu.memory_space<vmem>>) dst(%dma_wait3A_692 : memref<4096xf32, #tpu.memory_space<hbm>>)
    %dma_wait3A_693 = arith.constant 1 : i32
    %dma_wait3A_694 = arith.constant 12288 : i32
    %dma_wait3A_695 = tpu.memref_slice %arg4[%add3A_599, %dma_wait3A_694] : memref<256x16384xf32, #tpu.memory_space<hbm>> -> memref<1x4096xf32, #tpu.memory_space<hbm>>
    %dma_wait3A_696 = tpu.memref_squeeze %dma_wait3A_695 : memref<1x4096xf32, #tpu.memory_space<hbm>> -> memref<4096xf32, #tpu.memory_space<hbm>>
    %dma_wait3A_697 = tpu.memref_slice %arg9[%dma_wait3A_693] : memref<2x!tpu.dma_semaphore, #tpu.memory_space<semaphore_mem>> -> memref<1x!tpu.dma_semaphore, #tpu.memory_space<semaphore_mem>>
    %dma_wait3A_698 = tpu.memref_squeeze %dma_wait3A_697 : memref<1x!tpu.dma_semaphore, #tpu.memory_space<semaphore_mem>> -> memref<!tpu.dma_semaphore, #tpu.memory_space<semaphore_mem>>
    %dma_wait3A_699 = arith.constant 12288 : i32
    %dma_wait3A_700 = tpu.memref_slice %arg4[%add3A_599, %dma_wait3A_699] : memref<256x16384xf32, #tpu.memory_space<hbm>> -> memref<1x4096xf32, #tpu.memory_space<hbm>>
    %dma_wait3A_701 = tpu.memref_squeeze %dma_wait3A_700 : memref<1x4096xf32, #tpu.memory_space<hbm>> -> memref<4096xf32, #tpu.memory_space<hbm>>
    tpu.wait_dma2 semaphore(%dma_wait3A_698 : memref<!tpu.dma_semaphore, #tpu.memory_space<semaphore_mem>>) src(%arg8 : memref<4096xf32, #tpu.memory_space<vmem>>) dst(%dma_wait3A_701 : memref<4096xf32, #tpu.memory_space<hbm>>)
    return
  }
}

</mosaic_0001>

<sc_bundles>
// kernel: kernel.3.cloned.1.call-start
scs
__scs_entry_jumppad:
0x0: {  	(pc) =	sbr.rel $0x88, $3  }
0x1: {  	(tag) =	ssettag $0x0;
	lr =	simm.s32 $0x1  }
0x2: {  	[smem:$0x3F9F] =	sst lr;
	_ =	strace $0xD0000000  }
0x3: {  	_ = 	snop  }
0x4: {  	_ = 	snop  }
0x5: {  	_ = 	snop  }
0x6: {  	_ = 	snop  }
0x7: {  	_ = 	snop  }
__scs_overlays_trampoline_lowered:
0x8: {  	[smem:$0x3FAE] =	sst s0  }
0x9: {  	[smem:$0x3FAF] =	sst s1  }
0xa: {  	[smem:$0x3FB0] =	sst s2  }
0xb: {  	[smem:$0x3FB1] =	sst s3  }
0xc: {  	[smem:$0x3FB2] =	sst s4  }
0xd: {  	[smem:$0x3FB3] =	sst s5  }
0xe: {  	[smem:$0x3FB4] =	sst s6  }
0xf: {  	[smem:$0x3FB5] =	sst s7  }
0x10: {  	[smem:$0x3FB6] =	sst s8  }
0x11: {  	[smem:$0x3FB7] =	sst s9;
	s0 =	simm.s32 @!p0 $0x0  }
0x12: {  	s1 =	sld [smem:$0x3F9D];
	s0 =	simm.s32 @p0 $0x1  }
0x13: {  	[smem:$0x3FB8] =	sst s0;
	s0 =	simm.s32 @!p1 $0x0  }
0x14: {  	s2 =	sld [smem:$0x3F9C];
	s0 =	simm.s32 @p1 $0x1  }
0x15: {  	[smem:$0x3FB9] =	sst s0;
	s0 =	simm.s32 @!p2 $0x0  }
0x16: {  	s3 =	sld [smem:$0x3FDB];
	s0 =	simm.s32 @p2 $0x1  }
0x17: {  	s4 =	simm.s32 $0x1BF5;
	[smem:$0x3FBB] =	sst s0  }
0x18: {  	s0 =	sld [smem:$0x3F9E];
	_ =	swait.ge [sflag:s4], $0x0  }
0x19: {  	s7 =	sld [smem:$0x3F9F]  }
0x1a: {  	s8 =	sadd.s32 $0xFFFFE003, lr  }
0x1b: {  	s9 =	sadd.s32 $0xFFFFFEF7, lr;
	s5 =	simm.s32 $0xFFFFFFFF;
	p2 =	slt.u32 s8, $0xFFFFF086  }
0x1c: {  	p1 =	slt.u32 s9, $0xF7A;
	s5 =	simm.s32 @!p2 $0x0  }
0x1d: {  	s5 =	simm.s32 @p1 $0x1;
	p0 =	seq.s32 s7, s2  }
0x1e: {  	s7 =	smul.u32 @!p0 $0xF7A, s2;
	p2 =	seq.s32 @!p0 s5, $0x0  }
0x1f: {  	s9 =	smul.u32 $0xF7A, s1;
	s8 =	simm.s32 @!p0 $0x1BF5;
	p2 =	por !p2, p0  }
0x20: {  	[sflag:s8] =	ssyncset.s32 @!p0 $0xFFFFF086;
	s6 =	sadd.s32 @!p0 s3, s7;
	s7 =	simm.s32 @!p0 $0x108  }
0x21: {  	s3 =	sadd.s32 s3, s9;
	s6 =	sadd.s32 @!p0 $0x88, s6;
	s7 =	simm.s32 @p2 $0x1082  }
0x22: {  	[simem:s7], [sflag:s8] =	dma.local @!p0 [hbm:s6], $0xF7A  }
0x23: {  	s9 =	sor.u32 $0xD0000000, s2;
	s6 =	simm.s32 $0x108;
	_ =	swait.ge @!p0 [sflag:s8], $0x0  }
0x24: {  	s3 =	sadd.s32 $0x88, s3;
	s6 =	simm.s32 @!p1 $0x1082;
	[sflag:s4] =	ssyncset.s32 $0xFFFFF086  }
0x25: {  	[simem:s6], [sflag:s4] =	dma.local [hbm:s3], $0xF7A  }
0x26: {  	[smem:$0x3F9F] =	sst s1;
	(tag) =	ssettag s2;
	_ =	strace s9  }
0x27: {  	s1 =	sld [smem:$0x3FAF]  }
0x28: {  	s2 =	sld [smem:$0x3FB0]  }
0x29: {  	s4 =	sld [smem:$0x3FB2]  }
0x2a: {  	p0 =	seq.s32 s5, $0x0;
	s5 =	sld [smem:$0x3FB3]  }
0x2b: {  	s6 =	sld [smem:$0x3FB4]  }
0x2c: {  	s7 =	sld [smem:$0x3FB5]  }
0x2d: {  	s3 =	simm.s32 $0x108;
	s8 =	sld [smem:$0x3FB6]  }
0x2e: {  	s3 =	simm.s32 @!p0 $0x1082;
	s9 =	sld [smem:$0x3FB7]  }
0x2f: {  	lr =	sadd.s32 s0, s3;
	s0 =	sld [smem:$0x3FAE]  }
0x30: {  	s3 =	sld [smem:$0x3FB1]  }
0x31: {  	[smem:$0x3FBA] =	sst s10  }
0x32: {  	s10 =	sld [smem:$0x3FB8];
	_ =	sdelay $0x3  }
0x33: {  	p0 =	seq.s32 s10, $0x1;
	s10 =	sld [smem:$0x3FBA];
	_ =	sdelay $0x3  }
0x34: {  	[smem:$0x3FBA] =	sst s10  }
0x35: {  	s10 =	sld [smem:$0x3FB9];
	_ =	sdelay $0x3  }
0x36: {  	p1 =	seq.s32 s10, $0x1;
	s10 =	sld [smem:$0x3FBA];
	_ =	sdelay $0x3  }
0x37: {  	[smem:$0x3FBA] =	sst s10  }
0x38: {  	s10 =	sld [smem:$0x3FBB]  }
0x39: {  	_ = 	snop;
	(pc) =	sbr.ind lr, $3  }
0x3a: {  	_ = 	snop  }
0x3b: {  	_ = 	snop  }
0x3c: {  	p2 =	seq.s32 s10, $0x1;
	s10 =	sld [smem:$0x3FBA]  }
0x3d: {  	_ =	shalt  }
0x3e: {  	_ =	shalt  }
0x3f: {  	_ =	shalt  }
0x40: {  	_ =	shalt  }
0x41: {  	_ =	shalt  }
0x42: {  	_ =	shalt  }
0x43: {  	_ =	shalt  }
0x44: {  	_ =	shalt  }
0x45: {  	_ =	shalt  }
0x46: {  	_ =	shalt  }
0x47: {  	_ =	shalt  }
0x48: {  	_ =	shalt  }
0x49: {  	_ =	shalt  }
0x4a: {  	_ =	shalt  }
0x4b: {  	_ =	shalt  }
0x4c: {  	_ =	shalt  }
0x4d: {  	_ =	shalt  }
0x4e: {  	_ =	shalt  }
0x4f: {  	_ =	shalt  }
0x50: {  	_ =	shalt  }
0x51: {  	_ =	shalt  }
0x52: {  	_ =	shalt  }
0x53: {  	_ =	shalt  }
0x54: {  	_ =	shalt  }
0x55: {  	_ =	shalt  }
0x56: {  	_ =	shalt  }
0x57: {  	_ =	shalt  }
0x58: {  	_ =	shalt  }
0x59: {  	_ =	shalt  }
0x5a: {  	_ =	shalt  }
0x5b: {  	_ =	shalt  }
0x5c: {  	_ =	shalt  }
0x5d: {  	_ =	shalt  }
0x5e: {  	_ =	shalt  }
0x5f: {  	_ =	shalt  }
0x60: {  	_ =	shalt  }
0x61: {  	_ =	shalt  }
0x62: {  	_ =	shalt  }
0x63: {  	_ =	shalt  }
0x64: {  	_ =	shalt  }
0x65: {  	_ =	shalt  }
0x66: {  	_ =	shalt  }
0x67: {  	_ =	shalt  }
0x68: {  	_ =	shalt  }
0x69: {  	_ =	shalt  }
0x6a: {  	_ =	shalt  }
0x6b: {  	_ =	shalt  }
0x6c: {  	_ =	shalt  }
0x6d: {  	_ =	shalt  }
0x6e: {  	_ =	shalt  }
0x6f: {  	_ =	shalt  }
0x70: {  	_ =	shalt  }
0x71: {  	_ =	shalt  }
0x72: {  	_ =	shalt  }
0x73: {  	_ =	shalt  }
0x74: {  	_ =	shalt  }
0x75: {  	_ =	shalt  }
0x76: {  	_ =	shalt  }
0x77: {  	_ =	shalt  }
0x78: {  	_ =	shalt  }
0x79: {  	_ =	shalt  }
0x7a: {  	_ =	shalt  }
0x7b: {  	_ =	shalt  }
0x7c: {  	_ =	shalt  }
0x7d: {  	_ =	shalt  }
0x7e: {  	_ =	shalt  }
0x7f: {  	_ =	shalt  }
0x80: {  	_ =	shalt  }
0x81: {  	_ =	shalt  }
0x82: {  	_ =	shalt  }
0x83: {  	_ =	shalt  }
0x84: {  	_ =	shalt  }
0x85: {  	_ =	shalt  }
0x86: {  	_ =	shalt  }
0x87: {  	_ =	shalt  }
.Lfunc_end0:
.L_simem_size_0:
called_computation_lowered:
.L_overlay_start_0:
0x88: {  	s2 =	sld [smem:$0x3FD9]  }
0x89: {  	s3 =	sld [smem:$0x3FFE];
	_ =	sdelay $0x1  }
0x8a: {  	s1 =	srdreg.scid  }
0x8b: {  	s0 =	sand.u32 $0x1, s1  }
0x8c: {  	s18 =	sshll.u32 s0, $0xA;
	s2 =	sadd.s32 s3, s2  }
0x8d: {  	s2 =	sadd.s32 s2, s18  }
0x8e: {  	[smem:$0x3FC6] =	sst s2  }
0x8f: {  	_ = 	snop  }
0x90: {  	s2 =	sld [smem:$0x3FC9]  }
0x91: {  	s19 =	sld [smem:$0x3FC8]  }
0x92: {  	s4 =	sld [smem:$0x3FD0];
	(tm) =	ssettm $0x1  }
0x93: {  	s5 =	sld [smem:$0x3FFB];
	_ =	sdelay $0x3  }
0x94: {  	_ =	strace s5  }
0x95: {  	s5 =	sld [smem:$0x3FFC];
	_ =	sdelay $0x3  }
0x96: {  	_ =	strace s5  }
0x97: {  	s5 =	sld [smem:$0x3FFD];
	_ =	sdelay $0x3  }
0x98: {  	_ =	strace s5  }
0x99: {  	_ =	strace $0x8FFFFFFF  }
0x9a: {  	s20 =	sld [smem:$0x3FDB];
	_ =	sdelay $0x1  }
0x9b: {  	s6 =	simm.s32 $_scs_section_size  }
0x9c: {  	s7 =	simm.s32 $_size__tile_overlayer_lowered;
	s8 =	simm.s32 $_tile_overlayer_lowered  }
0x9d: {  	s23 =	simm.s32 $0x1BFF;
	s22 =	sshll.u32 s8, $0x1;
	s5 =	sadd.s32 s6, s20  }
0x9e: {  	s9 =	simm.s32 $0x0;
	s21 =	sshll.u32 s7, $0x1;
	s7 =	sadd.s32 s22, s5  }
0x9f: {  	[timem:s9], [sflag:s23] =	dma.local [hbm:s7], s21  }
0xa0: {  	_ =	swait.ge [sflag:s23], s21  }
0xa1: {  	s6 =	ssub.s32 $0x0, s21;
	[sflag:s23] =	ssyncset.done $0x0  }
0xa2: {  	[sflag:s23] =	ssyncadd.s32 s6;
	_ =	sdelay $0x1  }
0xa3: {  	s24 =	simm.s32 $0x1B8B  }
0xa4: {  	_ =	swait.ge [sflag:s24], $0x1  }
0xa5: {  	[sflag:s24] =	ssyncset.done $0x0  }
0xa6: {  	s25 =	simm.s32 $0x1B8E;
	[sflag:s24] =	ssyncadd.s32 $0xFFFFFFFF  }
0xa7: {  	s26 =	simm.s32 $execute0_lowered;
	[smem:$0x3FD2] =	sst s25  }
0xa8: {  	s6 =	sshll.u32 s26, $0x1;
	_ =	strace $0x80000046;
	[dreg:$0x1] =	wrdreg $0xFFFFFFFF  }
0xa9: {  	s28 =	simm.s32 $_size_execute0_lowered;
	s5 =	sadd.s32 s5, s6;
	[dreg:$0x0] =	wrdreg $0x0  }
0xaa: {  	s6 =	sshll.u32 s28, $0x1;
	[dreg:$0x2] =	wrdreg s5  }
0xab: {  	[dreg:$0x3] =	wrdreg s6  }
0xac: {  	[dreg:$0x4] =	wrdreg $0xC0  }
0xad: {  	_ =	task [dreg:s9], $0x5FFFF  }
0xae: {  	[dreg:$0x1] =	wrdreg $0xFFFFFFFF  }
0xaf: {  	[dreg:$0x0] =	wrdreg $0x60  }
0xb0: {  	[dreg:$0x2] =	wrdreg s2  }
0xb1: {  	[dreg:$0x3] =	wrdreg s19  }
0xb2: {  	[dreg:$0x4] =	wrdreg s4  }
0xb3: {  	[dreg:$0x5] =	wrdreg $0x9  }
0xb4: {  	_ =	task.clear_ibuf [dreg:s9], $0x6FFFF;
	_ =	strace $0x90000046  }
0xb5: {  	s29 =	simm.s32 $0x9;
	_ =	strace $0x80000048  }
0xb6: {  	_ =	swait.ge [sflag:s29], $0x1  }
0xb7: {  	[sflag:s29] =	ssyncadd.s32 $0xFFFFFFFF  }
0xb8: {  	_ =	strace $0x90000048  }
0xb9: {  	_ =	sfence  }
0xba: {  	s30 =	sld [smem:$0x0];
	_ =	sdelay $0x2  }
0xbb: {  	s31 =	sshll.u32 s1, $0xD;
	s1 =	sshrl.u32 s1, $0x2  }
0xbc: {  	s3 =	sand.u32 $0x4000, s31;
	s1 =	sadd.s32 s1, s30  }
0xbd: {  	s0 =	sor.u32 s3, s0;
	s1 =	sshll.u32 s1, $0x11  }
0xbe: {  	s0 =	sor.u32 s1, s0  }
0xbf: {  	s0 =	sadd.s32 $0x8F2B, s0  }
0xc0: {  	[sflag:s0] =	ssyncadd.remote.s32 $0x1  }
0xc1: {  	_ =	sfence.sel $0xFFFF  }
0xc2: {  	[dreg:$0x0] =	wrdreg $0xFFFFFFFF;
	(pc) =	sbr.abs _section_cstart, $3  }
0xc3: {  	[dreg:$0x1] =	wrdreg $0xFFFFFFFF  }
0xc4: {  	_ =	task.clear_ibuf [dreg:s9], $0x2FFFF;
	_ =	strace $0x9FFFFFFF  }
0xc5: {  	(tm) =	ssettm $0x7FFFFFFF  }
tec
execute0_lowered:
.L_overlay_start_1:
0x0: {  	(tag) =	ssettag $0x1  }
0x1: {  	s0 =	srdreg.scid;
	s1 =	rddreg [dreg:$0x0]  }
0x2: {  	s2 =	stileid.u32;
	s5 =	rddreg [dreg:$0x2];
	s0 =	sand.u32 $0x1, s0  }
0x3: {  	s2 =	sshll.u32 s2, $0x4;
	s3 =	sshll.u32 s0, $0x3;
	s0 =	ssub.s32 $0x2, s0  }
0x4: {  	s4 =	simm.s32 $0x0;
	s2 =	sor.u32 s3, s2;
	s6 =	sshrl.u32 s0, $0x1  }
0x5: {  	s3 =	sshrl.u32 s2, $0x3;
	s2 =	sshll.u32 s2, $0xB;
	s0 =	ssub.s32 s0, s6  }
0x6: {  	[smem:$0x7FF] =	sst s4;
	s5 =	sadd.s32 s5, s2;
	s0 =	smax.u32 s0, $0x1  }
0x7: {  	_ =	strace $0x80000047;
	s7 =	sadd.s32 $0x1000, s5;
	[dreg:$0x17] =	wrdreg s0  }
0x8: {  	s8 =	sadd.s32 $0x2000, s5;
	[dreg:$0x4] =	wrdreg s7  }
0x9: {  	s9 =	sadd.s32 $0x3000, s5;
	[dreg:$0x5] =	wrdreg s8  }
0xa: {  	s11 =	sadd.s32 $0x10, s5;
	[dreg:$0x6] =	wrdreg s9  }
0xb: {  	s12 =	sadd.s32 $0x1010, s5;
	[dreg:$0x8] =	wrdreg s11  }
0xc: {  	s13 =	sadd.s32 $0x2010, s5;
	[dreg:$0x9] =	wrdreg s12  }
0xd: {  	s14 =	sadd.s32 $0x3010, s5;
	[dreg:$0xa] =	wrdreg s13  }
0xe: {  	s16 =	sadd.s32 $0x20, s5;
	[dreg:$0xb] =	wrdreg s14  }
0xf: {  	s17 =	sadd.s32 $0x1020, s5;
	[dreg:$0xd] =	wrdreg s16  }
0x10: {  	s18 =	sadd.s32 $0x2020, s5;
	[dreg:$0xe] =	wrdreg s17  }
0x11: {  	s19 =	sadd.s32 $0x3020, s5;
	[dreg:$0xf] =	wrdreg s18  }
0x12: {  	s21 =	sadd.s32 $0x30, s5;
	[dreg:$0x10] =	wrdreg s19  }
0x13: {  	s22 =	sadd.s32 $0x1030, s5;
	[dreg:$0x12] =	wrdreg s21  }
0x14: {  	s3 =	smul.u32 $0x18700, s3;
	s23 =	sadd.s32 $0x2030, s5;
	[dreg:$0x13] =	wrdreg s22  }
0x15: {  	s24 =	sadd.s32 $0x3030, s5;
	s26 =	sadd.s32 $0x40, s5;
	[dreg:$0x14] =	wrdreg s23  }
0x16: {  	s28 =	sadd.s32 $0x1040, s5;
	s29 =	sadd.s32 $0x2040, s5;
	[dreg:$0x15] =	wrdreg s24  }
0x17: {  	s30 =	sadd.s32 $0x3040, s5;
	s0 =	sadd.s32 $0x1050, s5;
	[dreg:$0x18] =	wrdreg s26  }
0x18: {  	s2 =	sadd.s32 $0x2050, s5;
	s4 =	sadd.s32 s1, s3;
	[dreg:$0x19] =	wrdreg s28  }
0x19: {  	s1 =	sadd.s32 $0x50, s5;
	s3 =	sadd.s32 $0x3050, s5;
	s7 =	sadd.s32 $0x60, s5  }
0x1a: {  	s8 =	sadd.s32 $0x1060, s5;
	s9 =	sadd.s32 $0x2060, s5;
	s12 =	sadd.s32 $0x70, s5  }
0x1b: {  	s13 =	sadd.s32 $0x1070, s5;
	s14 =	sadd.s32 $0x2070, s5;
	s16 =	simm.s32 $0x3  }
0x1c: {  	s17 =	simm.s32 $0x80;
	s18 =	simm.s32 $0x400;
	s19 =	simm.s32 $0x4000  }
0x1d: {  	s21 =	simm.s32 $0x1D700;
	s22 =	simm.s32 $0x1;
	s10 =	sadd.s32 $0x10, s4  }
0x1e: {  	s23 =	simm.s32 $0x2;
	s15 =	sadd.s32 $0x20, s4;
	[dreg:$0x7] =	wrdreg s10  }
0x1f: {  	s24 =	simm.s32 $0x0;
	s20 =	sadd.s32 $0x30, s4;
	[dreg:$0xc] =	wrdreg s15  }
0x20: {  	s25 =	sadd.s32 $0x40, s4;
	s31 =	sadd.s32 $0x50, s4;
	[dreg:$0x11] =	wrdreg s20  }
0x21: {  	s6 =	sadd.s32 $0x60, s4;
	s11 =	sadd.s32 $0x70, s4;
	[dreg:$0x16] =	wrdreg s25  }
0x22: {  	s10 =	sadd.s32 $0x3060, s5;
	s15 =	sadd.s32 $0x3070, s5;
	s20 =	simm.s32 $0x1C700  }
.LBB2_1:
0x23: {  	s25 =	rddreg [dreg:$0x1];
	s26 =	simm.s32 $0x0  }
0x24: {  	[tilespmem:s26], [sflag:$0x3] =	stream.linear.gather [hbm4b:s25+s26], $0x4000, $0x38;
	[tilespmem:$0x1E700] =	vst v63  }
0x25: {  	_ =	swait.ge [sflag:s16], $0x4000  }
0x26: {  	[sflag:s16] =	ssyncset.done $0x0  }
0x27: {  	[sflag:s16] =	ssyncadd.s32 $0xFFFFC000  }
0x28: {  	[tilespmem:s19], [sflag:$0x3] =	stream.strided.gather [hbm4b:s4+s17], $0x18700, s18, s17, $0x38;
	[tilespmem:$0x1E700] =	vst v63  }
0x29: {  	_ =	swait.ge [sflag:s16], $0x18700  }
0x2a: {  	[sflag:s16] =	ssyncset.done $0x0  }
0x2b: {  	s26 =	simm.s32 $0x40;
	[sflag:s16] =	ssyncadd.s32 $0xFFFE7900  }
0x2c: {  	v0 =	vld [tilespmem:s26+$0x30]  }
0x2d: {  	v1 =	vld [tilespmem:s26+$0xFFFFFFD0]  }
0x2e: {  	v2 =	vld [tilespmem:s26+$0xFFFFFFE0]  }
0x2f: {  	v3 =	vld [tilespmem:s26+$0xFFFFFFF0]  }
0x30: {  	v4 =	vld [tilespmem:s26+$0x0]  }
0x31: {  	v6 =	vld [tilespmem:s26+$0x10]  }
0x32: {  	v7 =	vld [tilespmem:s26+$0x20]  }
0x33: {  	v8 =	vld [tilespmem:s26+$0xFFFFFFC0]  }
0x34: {  	v9 =	vld.idx.msk [tilespmem:v0+s19+$0x0], $0xffff  }
0x35: {  	v10 =	vld.idx.msk [tilespmem:v1+s19+$0x0], $0xffff  }
0x36: {  	v5 =	vld.idx.msk [tilespmem:v2+s19+$0x0], $0xffff  }
0x37: {  	v3 =	vld.idx.msk [tilespmem:v3+s19+$0x0], $0xffff  }
0x38: {  	v0 =	vld.idx.msk [tilespmem:v4+s19+$0x0], $0xffff  }
0x39: {  	s25 =	simm.s32 $0x1C740;
	v1 =	vld.idx.msk [tilespmem:v6+s19+$0x0], $0xffff  }
0x3a: {  	v2 =	vld.idx.msk [tilespmem:v7+s19+$0x0], $0xffff;
	[tilespmem:s25+$0x30] =	vst v9  }
0x3b: {  	s28 =	simm.s32 $0xC0;
	s26 =	simm.s32 $0x0;
	v4 =	vld.idx.msk [tilespmem:v8+s19+$0x0], $0xffff;
	[tilespmem:s25+$0xFFFFFFD0] =	vst v10  }
.LBB2_2:
0x3c: {  	v6 =	vld [tilespmem:s28+$0x30];
	s26 =	sadd.s32 $0x8, s26;
	[tilespmem:s25+$0xFFFFFFE0] =	vst v5  }
0x3d: {  	v5 =	vld [tilespmem:s28+$0xFFFFFFD0];
	p0 =	slt.u32 s26, $0xF8;
	[tilespmem:s25+$0xFFFFFFF0] =	vst v3  }
0x3e: {  	v3 =	vld [tilespmem:s28+$0xFFFFFFE0];
	[tilespmem:s25+$0x0] =	vst v0  }
0x3f: {  	v0 =	vld [tilespmem:s28+$0xFFFFFFF0];
	[tilespmem:s25+$0x10] =	vst v1  }
0x40: {  	v1 =	vld [tilespmem:s28+$0x0];
	[tilespmem:s25+$0x20] =	vst v2  }
0x41: {  	v2 =	vld [tilespmem:s28+$0x10];
	[tilespmem:s25+$0xFFFFFFC0] =	vst v4  }
0x42: {  	v4 =	vld [tilespmem:s28+$0x20]  }
0x43: {  	v7 =	vld [tilespmem:s28+$0xFFFFFFC0]  }
0x44: {  	v6 =	vld.idx.msk [tilespmem:v6+s19+$0x0], $0xffff  }
0x45: {  	v8 =	vld.idx.msk [tilespmem:v5+s19+$0x0], $0xffff  }
0x46: {  	v5 =	vld.idx.msk [tilespmem:v3+s19+$0x0], $0xffff  }
.Ltmp0:
0x47: {  	v3 =	vld.idx.msk [tilespmem:v0+s19+$0x0], $0xffff;
	(pc) =	sbr.rel @p0 .LBB2_2-.Ltmp0, $4  }
0x48: {  	v0 =	vld.idx.msk [tilespmem:v1+s19+$0x0], $0xffff  }
0x49: {  	s25 =	sadd.s32 $0x80, s25;
	v1 =	vld.idx.msk [tilespmem:v2+s19+$0x0], $0xffff  }
0x4a: {  	v2 =	vld.idx.msk [tilespmem:v4+s19+$0x0], $0xffff;
	[tilespmem:s25+$0x30] =	vst v6  }
0x4b: {  	s28 =	sadd.s32 $0x80, s28;
	v4 =	vld.idx.msk [tilespmem:v7+s19+$0x0], $0xffff;
	[tilespmem:s25+$0xFFFFFFD0] =	vst v8  }
0x4c: {  	[tilespmem:s25+$0xFFFFFFE0] =	vst v5  }
0x4d: {  	[tilespmem:s25+$0xFFFFFFF0] =	vst v3  }
0x4e: {  	[tilespmem:s25+$0x0] =	vst v0  }
0x4f: {  	[tilespmem:s25+$0x10] =	vst v1  }
0x50: {  	[tilespmem:s25+$0x20] =	vst v2  }
0x51: {  	s26 =	simm.s32 $0x1070;
	[tilespmem:s25+$0xFFFFFFC0] =	vst v4  }
0x52: {  	[hbm4b:s5+s17] =	stream.strided.scatter [tilespmem:s20], [sflag:$0x1], $0x1000, s18, s17, $0x38;
	[tilespmem:$0x1E700] =	vst v63  }
0x53: {  	v0 =	vld [tilespmem:s26+$0x0]  }
0x54: {  	v1 =	vld [tilespmem:s26+$0xFFFFFFA0]  }
0x55: {  	v2 =	vld [tilespmem:s26+$0xFFFFFFB0]  }
0x56: {  	v3 =	vld [tilespmem:s26+$0xFFFFFFC0]  }
0x57: {  	v4 =	vld [tilespmem:s26+$0xFFFFFFD0]  }
0x58: {  	v6 =	vld [tilespmem:s26+$0xFFFFFFE0]  }
0x59: {  	v7 =	vld [tilespmem:s26+$0xFFFFFFF0]  }
0x5a: {  	v8 =	vld [tilespmem:s26+$0xFFFFFF90]  }
0x5b: {  	v9 =	vld.idx.msk [tilespmem:v0+s19+$0x0], $0xffff  }
0x5c: {  	v10 =	vld.idx.msk [tilespmem:v1+s19+$0x0], $0xffff  }
0x5d: {  	v5 =	vld.idx.msk [tilespmem:v2+s19+$0x0], $0xffff  }
0x5e: {  	v3 =	vld.idx.msk [tilespmem:v3+s19+$0x0], $0xffff  }
0x5f: {  	v0 =	vld.idx.msk [tilespmem:v4+s19+$0x0], $0xffff  }
0x60: {  	s25 =	simm.s32 $0x1D740;
	v1 =	vld.idx.msk [tilespmem:v6+s19+$0x0], $0xffff  }
0x61: {  	v2 =	vld.idx.msk [tilespmem:v7+s19+$0x0], $0xffff;
	[tilespmem:s25+$0x30] =	vst v9  }
0x62: {  	s28 =	simm.s32 $0x10F0;
	s26 =	simm.s32 $0x0;
	v4 =	vld.idx.msk [tilespmem:v8+s19+$0x0], $0xffff;
	[tilespmem:s25+$0xFFFFFFD0] =	vst v10  }
.LBB2_4:
0x63: {  	v6 =	vld [tilespmem:s28+$0x0];
	s26 =	sadd.s32 $0x8, s26;
	[tilespmem:s25+$0xFFFFFFE0] =	vst v5  }
0x64: {  	v5 =	vld [tilespmem:s28+$0xFFFFFFA0];
	p0 =	slt.u32 s26, $0xF8;
	[tilespmem:s25+$0xFFFFFFF0] =	vst v3  }
0x65: {  	v3 =	vld [tilespmem:s28+$0xFFFFFFB0];
	[tilespmem:s25+$0x0] =	vst v0  }
0x66: {  	v0 =	vld [tilespmem:s28+$0xFFFFFFC0];
	[tilespmem:s25+$0x10] =	vst v1  }
0x67: {  	v1 =	vld [tilespmem:s28+$0xFFFFFFD0];
	[tilespmem:s25+$0x20] =	vst v2  }
0x68: {  	v2 =	vld [tilespmem:s28+$0xFFFFFFE0];
	[tilespmem:s25+$0xFFFFFFC0] =	vst v4  }
0x69: {  	v4 =	vld [tilespmem:s28+$0xFFFFFFF0]  }
0x6a: {  	v7 =	vld [tilespmem:s28+$0xFFFFFF90]  }
0x6b: {  	v6 =	vld.idx.msk [tilespmem:v6+s19+$0x0], $0xffff  }
0x6c: {  	v8 =	vld.idx.msk [tilespmem:v5+s19+$0x0], $0xffff  }
0x6d: {  	v5 =	vld.idx.msk [tilespmem:v3+s19+$0x0], $0xffff  }
.Ltmp1:
0x6e: {  	v3 =	vld.idx.msk [tilespmem:v0+s19+$0x0], $0xffff;
	(pc) =	sbr.rel @p0 .LBB2_4-.Ltmp1, $4  }
0x6f: {  	v0 =	vld.idx.msk [tilespmem:v1+s19+$0x0], $0xffff  }
0x70: {  	s25 =	sadd.s32 $0x80, s25;
	v1 =	vld.idx.msk [tilespmem:v2+s19+$0x0], $0xffff  }
0x71: {  	v2 =	vld.idx.msk [tilespmem:v4+s19+$0x0], $0xffff;
	[tilespmem:s25+$0x30] =	vst v6  }
0x72: {  	s28 =	sadd.s32 $0x80, s28;
	v4 =	vld.idx.msk [tilespmem:v7+s19+$0x0], $0xffff;
	[tilespmem:s25+$0xFFFFFFD0] =	vst v8  }
0x73: {  	[tilespmem:s25+$0xFFFFFFE0] =	vst v5  }
0x74: {  	[tilespmem:s25+$0xFFFFFFF0] =	vst v3  }
0x75: {  	[tilespmem:s25+$0x0] =	vst v0  }
0x76: {  	[tilespmem:s25+$0x10] =	vst v1  }
0x77: {  	[tilespmem:s25+$0x20] =	vst v2  }
0x78: {  	[tilespmem:s25+$0xFFFFFFC0] =	vst v4  }
0x79: {  	s25 =	rddreg [dreg:$0x4]  }
0x7a: {  	[hbm4b:s25+s17] =	stream.strided.scatter [tilespmem:s21], [sflag:$0x2], $0x1000, s18, s17, $0x38;
	[tilespmem:$0x1E700] =	vst v63  }
0x7b: {  	_ =	swait.ge [sflag:s22], $0x1000  }
0x7c: {  	[sflag:s22] =	ssyncset.done $0x0  }
0x7d: {  	s26 =	simm.s32 $0x2070;
	[sflag:s22] =	ssyncadd.s32 $0xFFFFF000  }
0x7e: {  	v0 =	vld [tilespmem:s26+$0x0]  }
0x7f: {  	v1 =	vld [tilespmem:s26+$0xFFFFFFA0]  }
0x80: {  	v2 =	vld [tilespmem:s26+$0xFFFFFFB0]  }
0x81: {  	v3 =	vld [tilespmem:s26+$0xFFFFFFC0]  }
0x82: {  	v4 =	vld [tilespmem:s26+$0xFFFFFFD0]  }
0x83: {  	v6 =	vld [tilespmem:s26+$0xFFFFFFE0]  }
0x84: {  	v7 =	vld [tilespmem:s26+$0xFFFFFFF0]  }
0x85: {  	v8 =	vld [tilespmem:s26+$0xFFFFFF90]  }
0x86: {  	v9 =	vld.idx.msk [tilespmem:v0+s19+$0x0], $0xffff  }
0x87: {  	v10 =	vld.idx.msk [tilespmem:v1+s19+$0x0], $0xffff  }
0x88: {  	v5 =	vld.idx.msk [tilespmem:v2+s19+$0x0], $0xffff  }
0x89: {  	v3 =	vld.idx.msk [tilespmem:v3+s19+$0x0], $0xffff  }
0x8a: {  	v0 =	vld.idx.msk [tilespmem:v4+s19+$0x0], $0xffff  }
0x8b: {  	s25 =	simm.s32 $0x1C740;
	v1 =	vld.idx.msk [tilespmem:v6+s19+$0x0], $0xffff  }
0x8c: {  	v2 =	vld.idx.msk [tilespmem:v7+s19+$0x0], $0xffff;
	[tilespmem:s25+$0x30] =	vst v9  }
0x8d: {  	s28 =	simm.s32 $0x20F0;
	s26 =	simm.s32 $0x0;
	v4 =	vld.idx.msk [tilespmem:v8+s19+$0x0], $0xffff;
	[tilespmem:s25+$0xFFFFFFD0] =	vst v10  }
.LBB2_6:
0x8e: {  	v6 =	vld [tilespmem:s28+$0x0];
	s26 =	sadd.s32 $0x8, s26;
	[tilespmem:s25+$0xFFFFFFE0] =	vst v5  }
0x8f: {  	v5 =	vld [tilespmem:s28+$0xFFFFFFA0];
	p0 =	slt.u32 s26, $0xF8;
	[tilespmem:s25+$0xFFFFFFF0] =	vst v3  }
0x90: {  	v3 =	vld [tilespmem:s28+$0xFFFFFFB0];
	[tilespmem:s25+$0x0] =	vst v0  }
0x91: {  	v0 =	vld [tilespmem:s28+$0xFFFFFFC0];
	[tilespmem:s25+$0x10] =	vst v1  }
0x92: {  	v1 =	vld [tilespmem:s28+$0xFFFFFFD0];
	[tilespmem:s25+$0x20] =	vst v2  }
0x93: {  	v2 =	vld [tilespmem:s28+$0xFFFFFFE0];
	[tilespmem:s25+$0xFFFFFFC0] =	vst v4  }
0x94: {  	v4 =	vld [tilespmem:s28+$0xFFFFFFF0]  }
0x95: {  	v7 =	vld [tilespmem:s28+$0xFFFFFF90]  }
0x96: {  	v6 =	vld.idx.msk [tilespmem:v6+s19+$0x0], $0xffff  }
0x97: {  	v8 =	vld.idx.msk [tilespmem:v5+s19+$0x0], $0xffff  }
0x98: {  	v5 =	vld.idx.msk [tilespmem:v3+s19+$0x0], $0xffff  }
.Ltmp2:
0x99: {  	v3 =	vld.idx.msk [tilespmem:v0+s19+$0x0], $0xffff;
	(pc) =	sbr.rel @p0 .LBB2_6-.Ltmp2, $4  }
0x9a: {  	v0 =	vld.idx.msk [tilespmem:v1+s19+$0x0], $0xffff  }
0x9b: {  	s25 =	sadd.s32 $0x80, s25;
	v1 =	vld.idx.msk [tilespmem:v2+s19+$0x0], $0xffff  }
0x9c: {  	v2 =	vld.idx.msk [tilespmem:v4+s19+$0x0], $0xffff;
	[tilespmem:s25+$0x30] =	vst v6  }
0x9d: {  	s28 =	sadd.s32 $0x80, s28;
	v4 =	vld.idx.msk [tilespmem:v7+s19+$0x0], $0xffff;
	[tilespmem:s25+$0xFFFFFFD0] =	vst v8  }
0x9e: {  	[tilespmem:s25+$0xFFFFFFE0] =	vst v5  }
0x9f: {  	[tilespmem:s25+$0xFFFFFFF0] =	vst v3  }
0xa0: {  	[tilespmem:s25+$0x0] =	vst v0  }
0xa1: {  	[tilespmem:s25+$0x10] =	vst v1  }
0xa2: {  	[tilespmem:s25+$0x20] =	vst v2  }
0xa3: {  	[tilespmem:s25+$0xFFFFFFC0] =	vst v4  }
0xa4: {  	s25 =	rddreg [dreg:$0x5]  }
0xa5: {  	[hbm4b:s25+s17] =	stream.strided.scatter [tilespmem:s20], [sflag:$0x1], $0x1000, s18, s17, $0x38;
	[tilespmem:$0x1E700] =	vst v63  }
0xa6: {  	_ =	swait.ge [sflag:s23], $0x1000  }
0xa7: {  	[sflag:s23] =	ssyncset.done $0x0  }
0xa8: {  	s26 =	simm.s32 $0x3070;
	[sflag:s23] =	ssyncadd.s32 $0xFFFFF000  }
0xa9: {  	v0 =	vld [tilespmem:s26+$0x0]  }
0xaa: {  	v1 =	vld [tilespmem:s26+$0xFFFFFFA0]  }
0xab: {  	v2 =	vld [tilespmem:s26+$0xFFFFFFB0]  }
0xac: {  	v3 =	vld [tilespmem:s26+$0xFFFFFFC0]  }
0xad: {  	v4 =	vld [tilespmem:s26+$0xFFFFFFD0]  }
0xae: {  	v6 =	vld [tilespmem:s26+$0xFFFFFFE0]  }
0xaf: {  	v7 =	vld [tilespmem:s26+$0xFFFFFFF0]  }
0xb0: {  	v8 =	vld [tilespmem:s26+$0xFFFFFF90]  }
0xb1: {  	v9 =	vld.idx.msk [tilespmem:v0+s19+$0x0], $0xffff  }
0xb2: {  	v10 =	vld.idx.msk [tilespmem:v1+s19+$0x0], $0xffff  }
0xb3: {  	v5 =	vld.idx.msk [tilespmem:v2+s19+$0x0], $0xffff  }
0xb4: {  	v3 =	vld.idx.msk [tilespmem:v3+s19+$0x0], $0xffff  }
0xb5: {  	v0 =	vld.idx.msk [tilespmem:v4+s19+$0x0], $0xffff  }
0xb6: {  	s25 =	simm.s32 $0x1D740;
	v1 =	vld.idx.msk [tilespmem:v6+s19+$0x0], $0xffff  }
0xb7: {  	v2 =	vld.idx.msk [tilespmem:v7+s19+$0x0], $0xffff;
	[tilespmem:s25+$0x30] =	vst v9  }
0xb8: {  	s28 =	simm.s32 $0x30F0;
	s26 =	simm.s32 $0x0;
	v4 =	vld.idx.msk [tilespmem:v8+s19+$0x0], $0xffff;
	[tilespmem:s25+$0xFFFFFFD0] =	vst v10  }
.LBB2_8:
0xb9: {  	v6 =	vld [tilespmem:s28+$0x0];
	s26 =	sadd.s32 $0x8, s26;
	[tilespmem:s25+$0xFFFFFFE0] =	vst v5  }
0xba: {  	v5 =	vld [tilespmem:s28+$0xFFFFFFA0];
	p0 =	slt.u32 s26, $0xF8;
	[tilespmem:s25+$0xFFFFFFF0] =	vst v3  }
0xbb: {  	v3 =	vld [tilespmem:s28+$0xFFFFFFB0];
	[tilespmem:s25+$0x0] =	vst v0  }
0xbc: {  	v0 =	vld [tilespmem:s28+$0xFFFFFFC0];
	[tilespmem:s25+$0x10] =	vst v1  }
0xbd: {  	v1 =	vld [tilespmem:s28+$0xFFFFFFD0];
	[tilespmem:s25+$0x20] =	vst v2  }
0xbe: {  	v2 =	vld [tilespmem:s28+$0xFFFFFFE0];
	[tilespmem:s25+$0xFFFFFFC0] =	vst v4  }
0xbf: {  	v4 =	vld [tilespmem:s28+$0xFFFFFFF0]  }
0xc0: {  	v7 =	vld [tilespmem:s28+$0xFFFFFF90]  }
0xc1: {  	v6 =	vld.idx.msk [tilespmem:v6+s19+$0x0], $0xffff  }
0xc2: {  	v8 =	vld.idx.msk [tilespmem:v5+s19+$0x0], $0xffff  }
0xc3: {  	v5 =	vld.idx.msk [tilespmem:v3+s19+$0x0], $0xffff  }
.Ltmp3:
0xc4: {  	v3 =	vld.idx.msk [tilespmem:v0+s19+$0x0], $0xffff;
	(pc) =	sbr.rel @p0 .LBB2_8-.Ltmp3, $4  }
0xc5: {  	v0 =	vld.idx.msk [tilespmem:v1+s19+$0x0], $0xffff  }
0xc6: {  	s25 =	sadd.s32 $0x80, s25;
	v1 =	vld.idx.msk [tilespmem:v2+s19+$0x0], $0xffff  }
0xc7: {  	v2 =	vld.idx.msk [tilespmem:v4+s19+$0x0], $0xffff;
	[tilespmem:s25+$0x30] =	vst v6  }
0xc8: {  	s28 =	sadd.s32 $0x80, s28;
	v4 =	vld.idx.msk [tilespmem:v7+s19+$0x0], $0xffff;
	[tilespmem:s25+$0xFFFFFFD0] =	vst v8  }
0xc9: {  	[tilespmem:s25+$0xFFFFFFE0] =	vst v5  }
0xca: {  	[tilespmem:s25+$0xFFFFFFF0] =	vst v3  }
0xcb: {  	[tilespmem:s25+$0x0] =	vst v0  }
0xcc: {  	[tilespmem:s25+$0x10] =	vst v1  }
0xcd: {  	[tilespmem:s25+$0x20] =	vst v2  }
0xce: {  	[tilespmem:s25+$0xFFFFFFC0] =	vst v4  }
0xcf: {  	s25 =	rddreg [dreg:$0x6]  }
0xd0: {  	[hbm4b:s25+s17] =	stream.strided.scatter [tilespmem:s21], [sflag:$0x2], $0x1000, s18, s17, $0x38;
	[tilespmem:$0x1E700] =	vst v63  }
0xd1: {  	s26 =	rddreg [dreg:$0x7]  }
0xd2: {  	[tilespmem:s19], [sflag:$0x3] =	stream.strided.gather [hbm4b:s26+s17], $0x18700, s18, s17, $0x38;
	[tilespmem:$0x1E700] =	vst v63  }
0xd3: {  	_ =	swait.ge [sflag:s16], $0x18700  }
0xd4: {  	[sflag:s16] =	ssyncset.done $0x0  }
0xd5: {  	[sflag:s16] =	ssyncadd.s32 $0xFFFE7900  }
0xd6: {  	_ =	swait.ge [sflag:s22], $0x1000  }
0xd7: {  	[sflag:s22] =	ssyncset.done $0x0  }
0xd8: {  	s26 =	simm.s32 $0x40;
	[sflag:s22] =	ssyncadd.s32 $0xFFFFF000  }
0xd9: {  	v0 =	vld [tilespmem:s26+$0x30]  }
0xda: {  	v1 =	vld [tilespmem:s26+$0xFFFFFFD0]  }
0xdb: {  	v2 =	vld [tilespmem:s26+$0xFFFFFFE0]  }
0xdc: {  	v3 =	vld [tilespmem:s26+$0xFFFFFFF0]  }
0xdd: {  	v4 =	vld [tilespmem:s26+$0x0]  }
0xde: {  	v6 =	vld [tilespmem:s26+$0x10]  }
0xdf: {  	v7 =	vld [tilespmem:s26+$0x20]  }
0xe0: {  	v8 =	vld [tilespmem:s26+$0xFFFFFFC0]  }
0xe1: {  	v9 =	vld.idx.msk [tilespmem:v0+s19+$0x0], $0xffff  }
0xe2: {  	v10 =	vld.idx.msk [tilespmem:v1+s19+$0x0], $0xffff  }
0xe3: {  	v5 =	vld.idx.msk [tilespmem:v2+s19+$0x0], $0xffff  }
0xe4: {  	v3 =	vld.idx.msk [tilespmem:v3+s19+$0x0], $0xffff  }
0xe5: {  	v0 =	vld.idx.msk [tilespmem:v4+s19+$0x0], $0xffff  }
0xe6: {  	s25 =	simm.s32 $0x1C740;
	v1 =	vld.idx.msk [tilespmem:v6+s19+$0x0], $0xffff  }
0xe7: {  	v2 =	vld.idx.msk [tilespmem:v7+s19+$0x0], $0xffff;
	[tilespmem:s25+$0x30] =	vst v9  }
0xe8: {  	s28 =	simm.s32 $0xC0;
	s26 =	simm.s32 $0x0;
	v4 =	vld.idx.msk [tilespmem:v8+s19+$0x0], $0xffff;
	[tilespmem:s25+$0xFFFFFFD0] =	vst v10  }
.LBB2_10:
0xe9: {  	v6 =	vld [tilespmem:s28+$0x30];
	s26 =	sadd.s32 $0x8, s26;
	[tilespmem:s25+$0xFFFFFFE0] =	vst v5  }
0xea: {  	v5 =	vld [tilespmem:s28+$0xFFFFFFD0];
	p0 =	slt.u32 s26, $0xF8;
	[tilespmem:s25+$0xFFFFFFF0] =	vst v3  }
0xeb: {  	v3 =	vld [tilespmem:s28+$0xFFFFFFE0];
	[tilespmem:s25+$0x0] =	vst v0  }
0xec: {  	v0 =	vld [tilespmem:s28+$0xFFFFFFF0];
	[tilespmem:s25+$0x10] =	vst v1  }
0xed: {  	v1 =	vld [tilespmem:s28+$0x0];
	[tilespmem:s25+$0x20] =	vst v2  }
0xee: {  	v2 =	vld [tilespmem:s28+$0x10];
	[tilespmem:s25+$0xFFFFFFC0] =	vst v4  }
0xef: {  	v4 =	vld [tilespmem:s28+$0x20]  }
0xf0: {  	v7 =	vld [tilespmem:s28+$0xFFFFFFC0]  }
0xf1: {  	v6 =	vld.idx.msk [tilespmem:v6+s19+$0x0], $0xffff  }
0xf2: {  	v8 =	vld.idx.msk [tilespmem:v5+s19+$0x0], $0xffff  }
0xf3: {  	v5 =	vld.idx.msk [tilespmem:v3+s19+$0x0], $0xffff  }
.Ltmp4:
0xf4: {  	v3 =	vld.idx.msk [tilespmem:v0+s19+$0x0], $0xffff;
	(pc) =	sbr.rel @p0 .LBB2_10-.Ltmp4, $4  }
0xf5: {  	v0 =	vld.idx.msk [tilespmem:v1+s19+$0x0], $0xffff  }
0xf6: {  	s25 =	sadd.s32 $0x80, s25;
	v1 =	vld.idx.msk [tilespmem:v2+s19+$0x0], $0xffff  }
0xf7: {  	v2 =	vld.idx.msk [tilespmem:v4+s19+$0x0], $0xffff;
	[tilespmem:s25+$0x30] =	vst v6  }
0xf8: {  	s28 =	sadd.s32 $0x80, s28;
	v4 =	vld.idx.msk [tilespmem:v7+s19+$0x0], $0xffff;
	[tilespmem:s25+$0xFFFFFFD0] =	vst v8  }
0xf9: {  	[tilespmem:s25+$0xFFFFFFE0] =	vst v5  }
0xfa: {  	[tilespmem:s25+$0xFFFFFFF0] =	vst v3  }
0xfb: {  	[tilespmem:s25+$0x0] =	vst v0  }
0xfc: {  	[tilespmem:s25+$0x10] =	vst v1  }
0xfd: {  	[tilespmem:s25+$0x20] =	vst v2  }
0xfe: {  	[tilespmem:s25+$0xFFFFFFC0] =	vst v4  }
0xff: {  	s25 =	rddreg [dreg:$0x8]  }
0x100: {  	[hbm4b:s25+s17] =	stream.strided.scatter [tilespmem:s20], [sflag:$0x1], $0x1000, s18, s17, $0x38;
	[tilespmem:$0x1E700] =	vst v63  }
0x101: {  	_ =	swait.ge [sflag:s23], $0x1000  }
0x102: {  	[sflag:s23] =	ssyncset.done $0x0  }
0x103: {  	s26 =	simm.s32 $0x1070;
	[sflag:s23] =	ssyncadd.s32 $0xFFFFF000  }
0x104: {  	v0 =	vld [tilespmem:s26+$0x0]  }
0x105: {  	v1 =	vld [tilespmem:s26+$0xFFFFFFA0]  }
0x106: {  	v2 =	vld [tilespmem:s26+$0xFFFFFFB0]  }
0x107: {  	v3 =	vld [tilespmem:s26+$0xFFFFFFC0]  }
0x108: {  	v4 =	vld [tilespmem:s26+$0xFFFFFFD0]  }
0x109: {  	v6 =	vld [tilespmem:s26+$0xFFFFFFE0]  }
0x10a: {  	v7 =	vld [tilespmem:s26+$0xFFFFFFF0]  }
0x10b: {  	v8 =	vld [tilespmem:s26+$0xFFFFFF90]  }
0x10c: {  	v9 =	vld.idx.msk [tilespmem:v0+s19+$0x0], $0xffff  }
0x10d: {  	v10 =	vld.idx.msk [tilespmem:v1+s19+$0x0], $0xffff  }
0x10e: {  	v5 =	vld.idx.msk [tilespmem:v2+s19+$0x0], $0xffff  }
0x10f: {  	v3 =	vld.idx.msk [tilespmem:v3+s19+$0x0], $0xffff  }
0x110: {  	v0 =	vld.idx.msk [tilespmem:v4+s19+$0x0], $0xffff  }
0x111: {  	s25 =	simm.s32 $0x1D740;
	v1 =	vld.idx.msk [tilespmem:v6+s19+$0x0], $0xffff  }
0x112: {  	v2 =	vld.idx.msk [tilespmem:v7+s19+$0x0], $0xffff;
	[tilespmem:s25+$0x30] =	vst v9  }
0x113: {  	s28 =	simm.s32 $0x10F0;
	s26 =	simm.s32 $0x0;
	v4 =	vld.idx.msk [tilespmem:v8+s19+$0x0], $0xffff;
	[tilespmem:s25+$0xFFFFFFD0] =	vst v10  }
.LBB2_12:
0x114: {  	v6 =	vld [tilespmem:s28+$0x0];
	s26 =	sadd.s32 $0x8, s26;
	[tilespmem:s25+$0xFFFFFFE0] =	vst v5  }
0x115: {  	v5 =	vld [tilespmem:s28+$0xFFFFFFA0];
	p0 =	slt.u32 s26, $0xF8;
	[tilespmem:s25+$0xFFFFFFF0] =	vst v3  }
0x116: {  	v3 =	vld [tilespmem:s28+$0xFFFFFFB0];
	[tilespmem:s25+$0x0] =	vst v0  }
0x117: {  	v0 =	vld [tilespmem:s28+$0xFFFFFFC0];
	[tilespmem:s25+$0x10] =	vst v1  }
0x118: {  	v1 =	vld [tilespmem:s28+$0xFFFFFFD0];
	[tilespmem:s25+$0x20] =	vst v2  }
0x119: {  	v2 =	vld [tilespmem:s28+$0xFFFFFFE0];
	[tilespmem:s25+$0xFFFFFFC0] =	vst v4  }
0x11a: {  	v4 =	vld [tilespmem:s28+$0xFFFFFFF0]  }
0x11b: {  	v7 =	vld [tilespmem:s28+$0xFFFFFF90]  }
0x11c: {  	v6 =	vld.idx.msk [tilespmem:v6+s19+$0x0], $0xffff  }
0x11d: {  	v8 =	vld.idx.msk [tilespmem:v5+s19+$0x0], $0xffff  }
0x11e: {  	v5 =	vld.idx.msk [tilespmem:v3+s19+$0x0], $0xffff  }
.Ltmp5:
0x11f: {  	v3 =	vld.idx.msk [tilespmem:v0+s19+$0x0], $0xffff;
	(pc) =	sbr.rel @p0 .LBB2_12-.Ltmp5, $4  }
0x120: {  	v0 =	vld.idx.msk [tilespmem:v1+s19+$0x0], $0xffff  }
0x121: {  	s25 =	sadd.s32 $0x80, s25;
	v1 =	vld.idx.msk [tilespmem:v2+s19+$0x0], $0xffff  }
0x122: {  	v2 =	vld.idx.msk [tilespmem:v4+s19+$0x0], $0xffff;
	[tilespmem:s25+$0x30] =	vst v6  }
0x123: {  	s28 =	sadd.s32 $0x80, s28;
	v4 =	vld.idx.msk [tilespmem:v7+s19+$0x0], $0xffff;
	[tilespmem:s25+$0xFFFFFFD0] =	vst v8  }
0x124: {  	[tilespmem:s25+$0xFFFFFFE0] =	vst v5  }
0x125: {  	[tilespmem:s25+$0xFFFFFFF0] =	vst v3  }
0x126: {  	[tilespmem:s25+$0x0] =	vst v0  }
0x127: {  	[tilespmem:s25+$0x10] =	vst v1  }
0x128: {  	[tilespmem:s25+$0x20] =	vst v2  }
0x129: {  	[tilespmem:s25+$0xFFFFFFC0] =	vst v4  }
0x12a: {  	s25 =	rddreg [dreg:$0x9]  }
0x12b: {  	[hbm4b:s25+s17] =	stream.strided.scatter [tilespmem:s21], [sflag:$0x2], $0x1000, s18, s17, $0x38;
	[tilespmem:$0x1E700] =	vst v63  }
0x12c: {  	_ =	swait.ge [sflag:s22], $0x1000  }
0x12d: {  	[sflag:s22] =	ssyncset.done $0x0  }
0x12e: {  	s26 =	simm.s32 $0x2070;
	[sflag:s22] =	ssyncadd.s32 $0xFFFFF000  }
0x12f: {  	v0 =	vld [tilespmem:s26+$0x0]  }
0x130: {  	v1 =	vld [tilespmem:s26+$0xFFFFFFA0]  }
0x131: {  	v2 =	vld [tilespmem:s26+$0xFFFFFFB0]  }
0x132: {  	v3 =	vld [tilespmem:s26+$0xFFFFFFC0]  }
0x133: {  	v4 =	vld [tilespmem:s26+$0xFFFFFFD0]  }
0x134: {  	v6 =	vld [tilespmem:s26+$0xFFFFFFE0]  }
0x135: {  	v7 =	vld [tilespmem:s26+$0xFFFFFFF0]  }
0x136: {  	v8 =	vld [tilespmem:s26+$0xFFFFFF90]  }
0x137: {  	v9 =	vld.idx.msk [tilespmem:v0+s19+$0x0], $0xffff  }
0x138: {  	v10 =	vld.idx.msk [tilespmem:v1+s19+$0x0], $0xffff  }
0x139: {  	v5 =	vld.idx.msk [tilespmem:v2+s19+$0x0], $0xffff  }
0x13a: {  	v3 =	vld.idx.msk [tilespmem:v3+s19+$0x0], $0xffff  }
0x13b: {  	v0 =	vld.idx.msk [tilespmem:v4+s19+$0x0], $0xffff  }
0x13c: {  	s25 =	simm.s32 $0x1C740;
	v1 =	vld.idx.msk [tilespmem:v6+s19+$0x0], $0xffff  }
0x13d: {  	v2 =	vld.idx.msk [tilespmem:v7+s19+$0x0], $0xffff;
	[tilespmem:s25+$0x30] =	vst v9  }
0x13e: {  	s28 =	simm.s32 $0x20F0;
	s26 =	simm.s32 $0x0;
	v4 =	vld.idx.msk [tilespmem:v8+s19+$0x0], $0xffff;
	[tilespmem:s25+$0xFFFFFFD0] =	vst v10  }
.LBB2_14:
0x13f: {  	v6 =	vld [tilespmem:s28+$0x0];
	s26 =	sadd.s32 $0x8, s26;
	[tilespmem:s25+$0xFFFFFFE0] =	vst v5  }
0x140: {  	v5 =	vld [tilespmem:s28+$0xFFFFFFA0];
	p0 =	slt.u32 s26, $0xF8;
	[tilespmem:s25+$0xFFFFFFF0] =	vst v3  }
0x141: {  	v3 =	vld [tilespmem:s28+$0xFFFFFFB0];
	[tilespmem:s25+$0x0] =	vst v0  }
0x142: {  	v0 =	vld [tilespmem:s28+$0xFFFFFFC0];
	[tilespmem:s25+$0x10] =	vst v1  }
0x143: {  	v1 =	vld [tilespmem:s28+$0xFFFFFFD0];
	[tilespmem:s25+$0x20] =	vst v2  }
0x144: {  	v2 =	vld [tilespmem:s28+$0xFFFFFFE0];
	[tilespmem:s25+$0xFFFFFFC0] =	vst v4  }
0x145: {  	v4 =	vld [tilespmem:s28+$0xFFFFFFF0]  }
0x146: {  	v7 =	vld [tilespmem:s28+$0xFFFFFF90]  }
0x147: {  	v6 =	vld.idx.msk [tilespmem:v6+s19+$0x0], $0xffff  }
0x148: {  	v8 =	vld.idx.msk [tilespmem:v5+s19+$0x0], $0xffff  }
0x149: {  	v5 =	vld.idx.msk [tilespmem:v3+s19+$0x0], $0xffff  }
.Ltmp6:
0x14a: {  	v3 =	vld.idx.msk [tilespmem:v0+s19+$0x0], $0xffff;
	(pc) =	sbr.rel @p0 .LBB2_14-.Ltmp6, $4  }
0x14b: {  	v0 =	vld.idx.msk [tilespmem:v1+s19+$0x0], $0xffff  }
0x14c: {  	s25 =	sadd.s32 $0x80, s25;
	v1 =	vld.idx.msk [tilespmem:v2+s19+$0x0], $0xffff  }
0x14d: {  	v2 =	vld.idx.msk [tilespmem:v4+s19+$0x0], $0xffff;
	[tilespmem:s25+$0x30] =	vst v6  }
0x14e: {  	s28 =	sadd.s32 $0x80, s28;
	v4 =	vld.idx.msk [tilespmem:v7+s19+$0x0], $0xffff;
	[tilespmem:s25+$0xFFFFFFD0] =	vst v8  }
0x14f: {  	[tilespmem:s25+$0xFFFFFFE0] =	vst v5  }
0x150: {  	[tilespmem:s25+$0xFFFFFFF0] =	vst v3  }
0x151: {  	[tilespmem:s25+$0x0] =	vst v0  }
0x152: {  	[tilespmem:s25+$0x10] =	vst v1  }
0x153: {  	[tilespmem:s25+$0x20] =	vst v2  }
0x154: {  	[tilespmem:s25+$0xFFFFFFC0] =	vst v4  }
0x155: {  	s25 =	rddreg [dreg:$0xa]  }
0x156: {  	[hbm4b:s25+s17] =	stream.strided.scatter [tilespmem:s20], [sflag:$0x1], $0x1000, s18, s17, $0x38;
	[tilespmem:$0x1E700] =	vst v63  }
0x157: {  	_ =	swait.ge [sflag:s23], $0x1000  }
0x158: {  	[sflag:s23] =	ssyncset.done $0x0  }
0x159: {  	s26 =	simm.s32 $0x3070;
	[sflag:s23] =	ssyncadd.s32 $0xFFFFF000  }
0x15a: {  	v0 =	vld [tilespmem:s26+$0x0]  }
0x15b: {  	v1 =	vld [tilespmem:s26+$0xFFFFFFA0]  }
0x15c: {  	v2 =	vld [tilespmem:s26+$0xFFFFFFB0]  }
0x15d: {  	v3 =	vld [tilespmem:s26+$0xFFFFFFC0]  }
0x15e: {  	v4 =	vld [tilespmem:s26+$0xFFFFFFD0]  }
0x15f: {  	v6 =	vld [tilespmem:s26+$0xFFFFFFE0]  }
0x160: {  	v7 =	vld [tilespmem:s26+$0xFFFFFFF0]  }
0x161: {  	v8 =	vld [tilespmem:s26+$0xFFFFFF90]  }
0x162: {  	v9 =	vld.idx.msk [tilespmem:v0+s19+$0x0], $0xffff  }
0x163: {  	v10 =	vld.idx.msk [tilespmem:v1+s19+$0x0], $0xffff  }
0x164: {  	v5 =	vld.idx.msk [tilespmem:v2+s19+$0x0], $0xffff  }
0x165: {  	v3 =	vld.idx.msk [tilespmem:v3+s19+$0x0], $0xffff  }
0x166: {  	v0 =	vld.idx.msk [tilespmem:v4+s19+$0x0], $0xffff  }
0x167: {  	s25 =	simm.s32 $0x1D740;
	v1 =	vld.idx.msk [tilespmem:v6+s19+$0x0], $0xffff  }
0x168: {  	v2 =	vld.idx.msk [tilespmem:v7+s19+$0x0], $0xffff;
	[tilespmem:s25+$0x30] =	vst v9  }
0x169: {  	s28 =	simm.s32 $0x30F0;
	s26 =	simm.s32 $0x0;
	v4 =	vld.idx.msk [tilespmem:v8+s19+$0x0], $0xffff;
	[tilespmem:s25+$0xFFFFFFD0] =	vst v10  }
.LBB2_16:
0x16a: {  	v6 =	vld [tilespmem:s28+$0x0];
	s26 =	sadd.s32 $0x8, s26;
	[tilespmem:s25+$0xFFFFFFE0] =	vst v5  }
0x16b: {  	v5 =	vld [tilespmem:s28+$0xFFFFFFA0];
	p0 =	slt.u32 s26, $0xF8;
	[tilespmem:s25+$0xFFFFFFF0] =	vst v3  }
0x16c: {  	v3 =	vld [tilespmem:s28+$0xFFFFFFB0];
	[tilespmem:s25+$0x0] =	vst v0  }
0x16d: {  	v0 =	vld [tilespmem:s28+$0xFFFFFFC0];
	[tilespmem:s25+$0x10] =	vst v1  }
0x16e: {  	v1 =	vld [tilespmem:s28+$0xFFFFFFD0];
	[tilespmem:s25+$0x20] =	vst v2  }
0x16f: {  	v2 =	vld [tilespmem:s28+$0xFFFFFFE0];
	[tilespmem:s25+$0xFFFFFFC0] =	vst v4  }
0x170: {  	v4 =	vld [tilespmem:s28+$0xFFFFFFF0]  }
0x171: {  	v7 =	vld [tilespmem:s28+$0xFFFFFF90]  }
0x172: {  	v6 =	vld.idx.msk [tilespmem:v6+s19+$0x0], $0xffff  }
0x173: {  	v8 =	vld.idx.msk [tilespmem:v5+s19+$0x0], $0xffff  }
0x174: {  	v5 =	vld.idx.msk [tilespmem:v3+s19+$0x0], $0xffff  }
.Ltmp7:
0x175: {  	v3 =	vld.idx.msk [tilespmem:v0+s19+$0x0], $0xffff;
	(pc) =	sbr.rel @p0 .LBB2_16-.Ltmp7, $4  }
0x176: {  	v0 =	vld.idx.msk [tilespmem:v1+s19+$0x0], $0xffff  }
0x177: {  	s25 =	sadd.s32 $0x80, s25;
	v1 =	vld.idx.msk [tilespmem:v2+s19+$0x0], $0xffff  }
0x178: {  	v2 =	vld.idx.msk [tilespmem:v4+s19+$0x0], $0xffff;
	[tilespmem:s25+$0x30] =	vst v6  }
0x179: {  	s28 =	sadd.s32 $0x80, s28;
	v4 =	vld.idx.msk [tilespmem:v7+s19+$0x0], $0xffff;
	[tilespmem:s25+$0xFFFFFFD0] =	vst v8  }
0x17a: {  	[tilespmem:s25+$0xFFFFFFE0] =	vst v5  }
0x17b: {  	[tilespmem:s25+$0xFFFFFFF0] =	vst v3  }
0x17c: {  	[tilespmem:s25+$0x0] =	vst v0  }
0x17d: {  	[tilespmem:s25+$0x10] =	vst v1  }
0x17e: {  	[tilespmem:s25+$0x20] =	vst v2  }
0x17f: {  	[tilespmem:s25+$0xFFFFFFC0] =	vst v4  }
0x180: {  	s25 =	rddreg [dreg:$0xb]  }
0x181: {  	[hbm4b:s25+s17] =	stream.strided.scatter [tilespmem:s21], [sflag:$0x2], $0x1000, s18, s17, $0x38;
	[tilespmem:$0x1E700] =	vst v63  }
0x182: {  	s26 =	rddreg [dreg:$0xc]  }
0x183: {  	[tilespmem:s19], [sflag:$0x3] =	stream.strided.gather [hbm4b:s26+s17], $0x18700, s18, s17, $0x38;
	[tilespmem:$0x1E700] =	vst v63  }
0x184: {  	_ =	swait.ge [sflag:s16], $0x18700  }
0x185: {  	[sflag:s16] =	ssyncset.done $0x0  }
0x186: {  	[sflag:s16] =	ssyncadd.s32 $0xFFFE7900  }
0x187: {  	_ =	swait.ge [sflag:s22], $0x1000  }
0x188: {  	[sflag:s22] =	ssyncset.done $0x0  }
0x189: {  	s26 =	simm.s32 $0x40;
	[sflag:s22] =	ssyncadd.s32 $0xFFFFF000  }
0x18a: {  	v0 =	vld [tilespmem:s26+$0x30]  }
0x18b: {  	v1 =	vld [tilespmem:s26+$0xFFFFFFD0]  }
0x18c: {  	v2 =	vld [tilespmem:s26+$0xFFFFFFE0]  }
0x18d: {  	v3 =	vld [tilespmem:s26+$0xFFFFFFF0]  }
0x18e: {  	v4 =	vld [tilespmem:s26+$0x0]  }
0x18f: {  	v6 =	vld [tilespmem:s26+$0x10]  }
0x190: {  	v7 =	vld [tilespmem:s26+$0x20]  }
0x191: {  	v8 =	vld [tilespmem:s26+$0xFFFFFFC0]  }
0x192: {  	v9 =	vld.idx.msk [tilespmem:v0+s19+$0x0], $0xffff  }
0x193: {  	v10 =	vld.idx.msk [tilespmem:v1+s19+$0x0], $0xffff  }
0x194: {  	v5 =	vld.idx.msk [tilespmem:v2+s19+$0x0], $0xffff  }
0x195: {  	v3 =	vld.idx.msk [tilespmem:v3+s19+$0x0], $0xffff  }
0x196: {  	v0 =	vld.idx.msk [tilespmem:v4+s19+$0x0], $0xffff  }
0x197: {  	s25 =	simm.s32 $0x1C740;
	v1 =	vld.idx.msk [tilespmem:v6+s19+$0x0], $0xffff  }
0x198: {  	v2 =	vld.idx.msk [tilespmem:v7+s19+$0x0], $0xffff;
	[tilespmem:s25+$0x30] =	vst v9  }
0x199: {  	s28 =	simm.s32 $0xC0;
	s26 =	simm.s32 $0x0;
	v4 =	vld.idx.msk [tilespmem:v8+s19+$0x0], $0xffff;
	[tilespmem:s25+$0xFFFFFFD0] =	vst v10  }
.LBB2_18:
0x19a: {  	v6 =	vld [tilespmem:s28+$0x30];
	s26 =	sadd.s32 $0x8, s26;
	[tilespmem:s25+$0xFFFFFFE0] =	vst v5  }
0x19b: {  	v5 =	vld [tilespmem:s28+$0xFFFFFFD0];
	p0 =	slt.u32 s26, $0xF8;
	[tilespmem:s25+$0xFFFFFFF0] =	vst v3  }
0x19c: {  	v3 =	vld [tilespmem:s28+$0xFFFFFFE0];
	[tilespmem:s25+$0x0] =	vst v0  }
0x19d: {  	v0 =	vld [tilespmem:s28+$0xFFFFFFF0];
	[tilespmem:s25+$0x10] =	vst v1  }
0x19e: {  	v1 =	vld [tilespmem:s28+$0x0];
	[tilespmem:s25+$0x20] =	vst v2  }
0x19f: {  	v2 =	vld [tilespmem:s28+$0x10];
	[tilespmem:s25+$0xFFFFFFC0] =	vst v4  }
0x1a0: {  	v4 =	vld [tilespmem:s28+$0x20]  }
0x1a1: {  	v7 =	vld [tilespmem:s28+$0xFFFFFFC0]  }
0x1a2: {  	v6 =	vld.idx.msk [tilespmem:v6+s19+$0x0], $0xffff  }
0x1a3: {  	v8 =	vld.idx.msk [tilespmem:v5+s19+$0x0], $0xffff  }
0x1a4: {  	v5 =	vld.idx.msk [tilespmem:v3+s19+$0x0], $0xffff  }
.Ltmp8:
0x1a5: {  	v3 =	vld.idx.msk [tilespmem:v0+s19+$0x0], $0xffff;
	(pc) =	sbr.rel @p0 .LBB2_18-.Ltmp8, $4  }
0x1a6: {  	v0 =	vld.idx.msk [tilespmem:v1+s19+$0x0], $0xffff  }
0x1a7: {  	s25 =	sadd.s32 $0x80, s25;
	v1 =	vld.idx.msk [tilespmem:v2+s19+$0x0], $0xffff  }
0x1a8: {  	v2 =	vld.idx.msk [tilespmem:v4+s19+$0x0], $0xffff;
	[tilespmem:s25+$0x30] =	vst v6  }
0x1a9: {  	s28 =	sadd.s32 $0x80, s28;
	v4 =	vld.idx.msk [tilespmem:v7+s19+$0x0], $0xffff;
	[tilespmem:s25+$0xFFFFFFD0] =	vst v8  }
0x1aa: {  	[tilespmem:s25+$0xFFFFFFE0] =	vst v5  }
0x1ab: {  	[tilespmem:s25+$0xFFFFFFF0] =	vst v3  }
0x1ac: {  	[tilespmem:s25+$0x0] =	vst v0  }
0x1ad: {  	[tilespmem:s25+$0x10] =	vst v1  }
0x1ae: {  	[tilespmem:s25+$0x20] =	vst v2  }
0x1af: {  	[tilespmem:s25+$0xFFFFFFC0] =	vst v4  }
0x1b0: {  	s25 =	rddreg [dreg:$0xd]  }
0x1b1: {  	[hbm4b:s25+s17] =	stream.strided.scatter [tilespmem:s20], [sflag:$0x1], $0x1000, s18, s17, $0x38;
	[tilespmem:$0x1E700] =	vst v63  }
0x1b2: {  	_ =	swait.ge [sflag:s23], $0x1000  }
0x1b3: {  	[sflag:s23] =	ssyncset.done $0x0  }
0x1b4: {  	s26 =	simm.s32 $0x1070;
	[sflag:s23] =	ssyncadd.s32 $0xFFFFF000  }
0x1b5: {  	v0 =	vld [tilespmem:s26+$0x0]  }
0x1b6: {  	v1 =	vld [tilespmem:s26+$0xFFFFFFA0]  }
0x1b7: {  	v2 =	vld [tilespmem:s26+$0xFFFFFFB0]  }
0x1b8: {  	v3 =	vld [tilespmem:s26+$0xFFFFFFC0]  }
0x1b9: {  	v4 =	vld [tilespmem:s26+$0xFFFFFFD0]  }
0x1ba: {  	v6 =	vld [tilespmem:s26+$0xFFFFFFE0]  }
0x1bb: {  	v7 =	vld [tilespmem:s26+$0xFFFFFFF0]  }
0x1bc: {  	v8 =	vld [tilespmem:s26+$0xFFFFFF90]  }
0x1bd: {  	v9 =	vld.idx.msk [tilespmem:v0+s19+$0x0], $0xffff  }
0x1be: {  	v10 =	vld.idx.msk [tilespmem:v1+s19+$0x0], $0xffff  }
0x1bf: {  	v5 =	vld.idx.msk [tilespmem:v2+s19+$0x0], $0xffff  }
0x1c0: {  	v3 =	vld.idx.msk [tilespmem:v3+s19+$0x0], $0xffff  }
0x1c1: {  	v0 =	vld.idx.msk [tilespmem:v4+s19+$0x0], $0xffff  }
0x1c2: {  	s25 =	simm.s32 $0x1D740;
	v1 =	vld.idx.msk [tilespmem:v6+s19+$0x0], $0xffff  }
0x1c3: {  	v2 =	vld.idx.msk [tilespmem:v7+s19+$0x0], $0xffff;
	[tilespmem:s25+$0x30] =	vst v9  }
0x1c4: {  	s28 =	simm.s32 $0x10F0;
	s26 =	simm.s32 $0x0;
	v4 =	vld.idx.msk [tilespmem:v8+s19+$0x0], $0xffff;
	[tilespmem:s25+$0xFFFFFFD0] =	vst v10  }
.LBB2_20:
0x1c5: {  	v6 =	vld [tilespmem:s28+$0x0];
	s26 =	sadd.s32 $0x8, s26;
	[tilespmem:s25+$0xFFFFFFE0] =	vst v5  }
0x1c6: {  	v5 =	vld [tilespmem:s28+$0xFFFFFFA0];
	p0 =	slt.u32 s26, $0xF8;
	[tilespmem:s25+$0xFFFFFFF0] =	vst v3  }
0x1c7: {  	v3 =	vld [tilespmem:s28+$0xFFFFFFB0];
	[tilespmem:s25+$0x0] =	vst v0  }
0x1c8: {  	v0 =	vld [tilespmem:s28+$0xFFFFFFC0];
	[tilespmem:s25+$0x10] =	vst v1  }
0x1c9: {  	v1 =	vld [tilespmem:s28+$0xFFFFFFD0];
	[tilespmem:s25+$0x20] =	vst v2  }
0x1ca: {  	v2 =	vld [tilespmem:s28+$0xFFFFFFE0];
	[tilespmem:s25+$0xFFFFFFC0] =	vst v4  }
0x1cb: {  	v4 =	vld [tilespmem:s28+$0xFFFFFFF0]  }
0x1cc: {  	v7 =	vld [tilespmem:s28+$0xFFFFFF90]  }
0x1cd: {  	v6 =	vld.idx.msk [tilespmem:v6+s19+$0x0], $0xffff  }
0x1ce: {  	v8 =	vld.idx.msk [tilespmem:v5+s19+$0x0], $0xffff  }
0x1cf: {  	v5 =	vld.idx.msk [tilespmem:v3+s19+$0x0], $0xffff  }
.Ltmp9:
0x1d0: {  	v3 =	vld.idx.msk [tilespmem:v0+s19+$0x0], $0xffff;
	(pc) =	sbr.rel @p0 .LBB2_20-.Ltmp9, $4  }
0x1d1: {  	v0 =	vld.idx.msk [tilespmem:v1+s19+$0x0], $0xffff  }
0x1d2: {  	s25 =	sadd.s32 $0x80, s25;
	v1 =	vld.idx.msk [tilespmem:v2+s19+$0x0], $0xffff  }
0x1d3: {  	v2 =	vld.idx.msk [tilespmem:v4+s19+$0x0], $0xffff;
	[tilespmem:s25+$0x30] =	vst v6  }
0x1d4: {  	s28 =	sadd.s32 $0x80, s28;
	v4 =	vld.idx.msk [tilespmem:v7+s19+$0x0], $0xffff;
	[tilespmem:s25+$0xFFFFFFD0] =	vst v8  }
0x1d5: {  	[tilespmem:s25+$0xFFFFFFE0] =	vst v5  }
0x1d6: {  	[tilespmem:s25+$0xFFFFFFF0] =	vst v3  }
0x1d7: {  	[tilespmem:s25+$0x0] =	vst v0  }
0x1d8: {  	[tilespmem:s25+$0x10] =	vst v1  }
0x1d9: {  	[tilespmem:s25+$0x20] =	vst v2  }
0x1da: {  	[tilespmem:s25+$0xFFFFFFC0] =	vst v4  }
0x1db: {  	s25 =	rddreg [dreg:$0xe]  }
0x1dc: {  	[hbm4b:s25+s17] =	stream.strided.scatter [tilespmem:s21], [sflag:$0x2], $0x1000, s18, s17, $0x38;
	[tilespmem:$0x1E700] =	vst v63  }
0x1dd: {  	_ =	swait.ge [sflag:s22], $0x1000  }
0x1de: {  	[sflag:s22] =	ssyncset.done $0x0  }
0x1df: {  	s26 =	simm.s32 $0x2070;
	[sflag:s22] =	ssyncadd.s32 $0xFFFFF000  }
0x1e0: {  	v0 =	vld [tilespmem:s26+$0x0]  }
0x1e1: {  	v1 =	vld [tilespmem:s26+$0xFFFFFFA0]  }
0x1e2: {  	v2 =	vld [tilespmem:s26+$0xFFFFFFB0]  }
0x1e3: {  	v3 =	vld [tilespmem:s26+$0xFFFFFFC0]  }
0x1e4: {  	v4 =	vld [tilespmem:s26+$0xFFFFFFD0]  }
0x1e5: {  	v6 =	vld [tilespmem:s26+$0xFFFFFFE0]  }
0x1e6: {  	v7 =	vld [tilespmem:s26+$0xFFFFFFF0]  }
0x1e7: {  	v8 =	vld [tilespmem:s26+$0xFFFFFF90]  }
0x1e8: {  	v9 =	vld.idx.msk [tilespmem:v0+s19+$0x0], $0xffff  }
0x1e9: {  	v10 =	vld.idx.msk [tilespmem:v1+s19+$0x0], $0xffff  }
0x1ea: {  	v5 =	vld.idx.msk [tilespmem:v2+s19+$0x0], $0xffff  }
0x1eb: {  	v3 =	vld.idx.msk [tilespmem:v3+s19+$0x0], $0xffff  }
0x1ec: {  	v0 =	vld.idx.msk [tilespmem:v4+s19+$0x0], $0xffff  }
0x1ed: {  	s25 =	simm.s32 $0x1C740;
	v1 =	vld.idx.msk [tilespmem:v6+s19+$0x0], $0xffff  }
0x1ee: {  	v2 =	vld.idx.msk [tilespmem:v7+s19+$0x0], $0xffff;
	[tilespmem:s25+$0x30] =	vst v9  }
0x1ef: {  	s28 =	simm.s32 $0x20F0;
	s26 =	simm.s32 $0x0;
	v4 =	vld.idx.msk [tilespmem:v8+s19+$0x0], $0xffff;
	[tilespmem:s25+$0xFFFFFFD0] =	vst v10  }
.LBB2_22:
0x1f0: {  	v6 =	vld [tilespmem:s28+$0x0];
	s26 =	sadd.s32 $0x8, s26;
	[tilespmem:s25+$0xFFFFFFE0] =	vst v5  }
0x1f1: {  	v5 =	vld [tilespmem:s28+$0xFFFFFFA0];
	p0 =	slt.u32 s26, $0xF8;
	[tilespmem:s25+$0xFFFFFFF0] =	vst v3  }
0x1f2: {  	v3 =	vld [tilespmem:s28+$0xFFFFFFB0];
	[tilespmem:s25+$0x0] =	vst v0  }
0x1f3: {  	v0 =	vld [tilespmem:s28+$0xFFFFFFC0];
	[tilespmem:s25+$0x10] =	vst v1  }
0x1f4: {  	v1 =	vld [tilespmem:s28+$0xFFFFFFD0];
	[tilespmem:s25+$0x20] =	vst v2  }
0x1f5: {  	v2 =	vld [tilespmem:s28+$0xFFFFFFE0];
	[tilespmem:s25+$0xFFFFFFC0] =	vst v4  }
0x1f6: {  	v4 =	vld [tilespmem:s28+$0xFFFFFFF0]  }
0x1f7: {  	v7 =	vld [tilespmem:s28+$0xFFFFFF90]  }
0x1f8: {  	v6 =	vld.idx.msk [tilespmem:v6+s19+$0x0], $0xffff  }
0x1f9: {  	v8 =	vld.idx.msk [tilespmem:v5+s19+$0x0], $0xffff  }
0x1fa: {  	v5 =	vld.idx.msk [tilespmem:v3+s19+$0x0], $0xffff  }
.Ltmp10:
0x1fb: {  	v3 =	vld.idx.msk [tilespmem:v0+s19+$0x0], $0xffff;
	(pc) =	sbr.rel @p0 .LBB2_22-.Ltmp10, $4  }
0x1fc: {  	v0 =	vld.idx.msk [tilespmem:v1+s19+$0x0], $0xffff  }
0x1fd: {  	s25 =	sadd.s32 $0x80, s25;
	v1 =	vld.idx.msk [tilespmem:v2+s19+$0x0], $0xffff  }
0x1fe: {  	v2 =	vld.idx.msk [tilespmem:v4+s19+$0x0], $0xffff;
	[tilespmem:s25+$0x30] =	vst v6  }
0x1ff: {  	s28 =	sadd.s32 $0x80, s28;
	v4 =	vld.idx.msk [tilespmem:v7+s19+$0x0], $0xffff;
	[tilespmem:s25+$0xFFFFFFD0] =	vst v8  }
0x200: {  	[tilespmem:s25+$0xFFFFFFE0] =	vst v5  }
0x201: {  	[tilespmem:s25+$0xFFFFFFF0] =	vst v3  }
0x202: {  	[tilespmem:s25+$0x0] =	vst v0  }
0x203: {  	[tilespmem:s25+$0x10] =	vst v1  }
0x204: {  	[tilespmem:s25+$0x20] =	vst v2  }
0x205: {  	[tilespmem:s25+$0xFFFFFFC0] =	vst v4  }
0x206: {  	s25 =	rddreg [dreg:$0xf]  }
0x207: {  	[hbm4b:s25+s17] =	stream.strided.scatter [tilespmem:s20], [sflag:$0x1], $0x1000, s18, s17, $0x38;
	[tilespmem:$0x1E700] =	vst v63  }
0x208: {  	_ =	swait.ge [sflag:s23], $0x1000  }
0x209: {  	[sflag:s23] =	ssyncset.done $0x0  }
0x20a: {  	s26 =	simm.s32 $0x3070;
	[sflag:s23] =	ssyncadd.s32 $0xFFFFF000  }
0x20b: {  	v0 =	vld [tilespmem:s26+$0x0]  }
0x20c: {  	v1 =	vld [tilespmem:s26+$0xFFFFFFA0]  }
0x20d: {  	v2 =	vld [tilespmem:s26+$0xFFFFFFB0]  }
0x20e: {  	v3 =	vld [tilespmem:s26+$0xFFFFFFC0]  }
0x20f: {  	v4 =	vld [tilespmem:s26+$0xFFFFFFD0]  }
0x210: {  	v6 =	vld [tilespmem:s26+$0xFFFFFFE0]  }
0x211: {  	v7 =	vld [tilespmem:s26+$0xFFFFFFF0]  }
0x212: {  	v8 =	vld [tilespmem:s26+$0xFFFFFF90]  }
0x213: {  	v9 =	vld.idx.msk [tilespmem:v0+s19+$0x0], $0xffff  }
0x214: {  	v10 =	vld.idx.msk [tilespmem:v1+s19+$0x0], $0xffff  }
0x215: {  	v5 =	vld.idx.msk [tilespmem:v2+s19+$0x0], $0xffff  }
0x216: {  	v3 =	vld.idx.msk [tilespmem:v3+s19+$0x0], $0xffff  }
0x217: {  	v0 =	vld.idx.msk [tilespmem:v4+s19+$0x0], $0xffff  }
0x218: {  	s25 =	simm.s32 $0x1D740;
	v1 =	vld.idx.msk [tilespmem:v6+s19+$0x0], $0xffff  }
0x219: {  	v2 =	vld.idx.msk [tilespmem:v7+s19+$0x0], $0xffff;
	[tilespmem:s25+$0x30] =	vst v9  }
0x21a: {  	s28 =	simm.s32 $0x30F0;
	s26 =	simm.s32 $0x0;
	v4 =	vld.idx.msk [tilespmem:v8+s19+$0x0], $0xffff;
	[tilespmem:s25+$0xFFFFFFD0] =	vst v10  }
.LBB2_24:
0x21b: {  	v6 =	vld [tilespmem:s28+$0x0];
	s26 =	sadd.s32 $0x8, s26;
	[tilespmem:s25+$0xFFFFFFE0] =	vst v5  }
0x21c: {  	v5 =	vld [tilespmem:s28+$0xFFFFFFA0];
	p0 =	slt.u32 s26, $0xF8;
	[tilespmem:s25+$0xFFFFFFF0] =	vst v3  }
0x21d: {  	v3 =	vld [tilespmem:s28+$0xFFFFFFB0];
	[tilespmem:s25+$0x0] =	vst v0  }
0x21e: {  	v0 =	vld [tilespmem:s28+$0xFFFFFFC0];
	[tilespmem:s25+$0x10] =	vst v1  }
0x21f: {  	v1 =	vld [tilespmem:s28+$0xFFFFFFD0];
	[tilespmem:s25+$0x20] =	vst v2  }
0x220: {  	v2 =	vld [tilespmem:s28+$0xFFFFFFE0];
	[tilespmem:s25+$0xFFFFFFC0] =	vst v4  }
0x221: {  	v4 =	vld [tilespmem:s28+$0xFFFFFFF0]  }
0x222: {  	v7 =	vld [tilespmem:s28+$0xFFFFFF90]  }
0x223: {  	v6 =	vld.idx.msk [tilespmem:v6+s19+$0x0], $0xffff  }
0x224: {  	v8 =	vld.idx.msk [tilespmem:v5+s19+$0x0], $0xffff  }
0x225: {  	v5 =	vld.idx.msk [tilespmem:v3+s19+$0x0], $0xffff  }
.Ltmp11:
0x226: {  	v3 =	vld.idx.msk [tilespmem:v0+s19+$0x0], $0xffff;
	(pc) =	sbr.rel @p0 .LBB2_24-.Ltmp11, $4  }
0x227: {  	v0 =	vld.idx.msk [tilespmem:v1+s19+$0x0], $0xffff  }
0x228: {  	s25 =	sadd.s32 $0x80, s25;
	v1 =	vld.idx.msk [tilespmem:v2+s19+$0x0], $0xffff  }
0x229: {  	v2 =	vld.idx.msk [tilespmem:v4+s19+$0x0], $0xffff;
	[tilespmem:s25+$0x30] =	vst v6  }
0x22a: {  	s28 =	sadd.s32 $0x80, s28;
	v4 =	vld.idx.msk [tilespmem:v7+s19+$0x0], $0xffff;
	[tilespmem:s25+$0xFFFFFFD0] =	vst v8  }
0x22b: {  	[tilespmem:s25+$0xFFFFFFE0] =	vst v5  }
0x22c: {  	[tilespmem:s25+$0xFFFFFFF0] =	vst v3  }
0x22d: {  	[tilespmem:s25+$0x0] =	vst v0  }
0x22e: {  	[tilespmem:s25+$0x10] =	vst v1  }
0x22f: {  	[tilespmem:s25+$0x20] =	vst v2  }
0x230: {  	[tilespmem:s25+$0xFFFFFFC0] =	vst v4  }
0x231: {  	s25 =	rddreg [dreg:$0x10]  }
0x232: {  	[hbm4b:s25+s17] =	stream.strided.scatter [tilespmem:s21], [sflag:$0x2], $0x1000, s18, s17, $0x38;
	[tilespmem:$0x1E700] =	vst v63  }
0x233: {  	s26 =	rddreg [dreg:$0x11]  }
0x234: {  	[tilespmem:s19], [sflag:$0x3] =	stream.strided.gather [hbm4b:s26+s17], $0x18700, s18, s17, $0x38;
	[tilespmem:$0x1E700] =	vst v63  }
0x235: {  	_ =	swait.ge [sflag:s16], $0x18700  }
0x236: {  	[sflag:s16] =	ssyncset.done $0x0  }
0x237: {  	[sflag:s16] =	ssyncadd.s32 $0xFFFE7900  }
0x238: {  	_ =	swait.ge [sflag:s22], $0x1000  }
0x239: {  	[sflag:s22] =	ssyncset.done $0x0  }
0x23a: {  	s26 =	simm.s32 $0x40;
	[sflag:s22] =	ssyncadd.s32 $0xFFFFF000  }
0x23b: {  	v0 =	vld [tilespmem:s26+$0x30]  }
0x23c: {  	v1 =	vld [tilespmem:s26+$0xFFFFFFD0]  }
0x23d: {  	v2 =	vld [tilespmem:s26+$0xFFFFFFE0]  }
0x23e: {  	v3 =	vld [tilespmem:s26+$0xFFFFFFF0]  }
0x23f: {  	v4 =	vld [tilespmem:s26+$0x0]  }
0x240: {  	v6 =	vld [tilespmem:s26+$0x10]  }
0x241: {  	v7 =	vld [tilespmem:s26+$0x20]  }
0x242: {  	v8 =	vld [tilespmem:s26+$0xFFFFFFC0]  }
0x243: {  	v9 =	vld.idx.msk [tilespmem:v0+s19+$0x0], $0xffff  }
0x244: {  	v10 =	vld.idx.msk [tilespmem:v1+s19+$0x0], $0xffff  }
0x245: {  	v5 =	vld.idx.msk [tilespmem:v2+s19+$0x0], $0xffff  }
0x246: {  	v3 =	vld.idx.msk [tilespmem:v3+s19+$0x0], $0xffff  }
0x247: {  	v0 =	vld.idx.msk [tilespmem:v4+s19+$0x0], $0xffff  }
0x248: {  	s25 =	simm.s32 $0x1C740;
	v1 =	vld.idx.msk [tilespmem:v6+s19+$0x0], $0xffff  }
0x249: {  	v2 =	vld.idx.msk [tilespmem:v7+s19+$0x0], $0xffff;
	[tilespmem:s25+$0x30] =	vst v9  }
0x24a: {  	s28 =	simm.s32 $0xC0;
	s26 =	simm.s32 $0x0;
	v4 =	vld.idx.msk [tilespmem:v8+s19+$0x0], $0xffff;
	[tilespmem:s25+$0xFFFFFFD0] =	vst v10  }
.LBB2_26:
0x24b: {  	v6 =	vld [tilespmem:s28+$0x30];
	s26 =	sadd.s32 $0x8, s26;
	[tilespmem:s25+$0xFFFFFFE0] =	vst v5  }
0x24c: {  	v5 =	vld [tilespmem:s28+$0xFFFFFFD0];
	p0 =	slt.u32 s26, $0xF8;
	[tilespmem:s25+$0xFFFFFFF0] =	vst v3  }
0x24d: {  	v3 =	vld [tilespmem:s28+$0xFFFFFFE0];
	[tilespmem:s25+$0x0] =	vst v0  }
0x24e: {  	v0 =	vld [tilespmem:s28+$0xFFFFFFF0];
	[tilespmem:s25+$0x10] =	vst v1  }
0x24f: {  	v1 =	vld [tilespmem:s28+$0x0];
	[tilespmem:s25+$0x20] =	vst v2  }
0x250: {  	v2 =	vld [tilespmem:s28+$0x10];
	[tilespmem:s25+$0xFFFFFFC0] =	vst v4  }
0x251: {  	v4 =	vld [tilespmem:s28+$0x20]  }
0x252: {  	v7 =	vld [tilespmem:s28+$0xFFFFFFC0]  }
0x253: {  	v6 =	vld.idx.msk [tilespmem:v6+s19+$0x0], $0xffff  }
0x254: {  	v8 =	vld.idx.msk [tilespmem:v5+s19+$0x0], $0xffff  }
0x255: {  	v5 =	vld.idx.msk [tilespmem:v3+s19+$0x0], $0xffff  }
.Ltmp12:
0x256: {  	v3 =	vld.idx.msk [tilespmem:v0+s19+$0x0], $0xffff;
	(pc) =	sbr.rel @p0 .LBB2_26-.Ltmp12, $4  }
0x257: {  	v0 =	vld.idx.msk [tilespmem:v1+s19+$0x0], $0xffff  }
0x258: {  	s25 =	sadd.s32 $0x80, s25;
	v1 =	vld.idx.msk [tilespmem:v2+s19+$0x0], $0xffff  }
0x259: {  	v2 =	vld.idx.msk [tilespmem:v4+s19+$0x0], $0xffff;
	[tilespmem:s25+$0x30] =	vst v6  }
0x25a: {  	s28 =	sadd.s32 $0x80, s28;
	v4 =	vld.idx.msk [tilespmem:v7+s19+$0x0], $0xffff;
	[tilespmem:s25+$0xFFFFFFD0] =	vst v8  }
0x25b: {  	[tilespmem:s25+$0xFFFFFFE0] =	vst v5  }
0x25c: {  	[tilespmem:s25+$0xFFFFFFF0] =	vst v3  }
0x25d: {  	[tilespmem:s25+$0x0] =	vst v0  }
0x25e: {  	[tilespmem:s25+$0x10] =	vst v1  }
0x25f: {  	[tilespmem:s25+$0x20] =	vst v2  }
0x260: {  	[tilespmem:s25+$0xFFFFFFC0] =	vst v4  }
0x261: {  	s25 =	rddreg [dreg:$0x12]  }
0x262: {  	[hbm4b:s25+s17] =	stream.strided.scatter [tilespmem:s20], [sflag:$0x1], $0x1000, s18, s17, $0x38;
	[tilespmem:$0x1E700] =	vst v63  }
0x263: {  	_ =	swait.ge [sflag:s23], $0x1000  }
0x264: {  	[sflag:s23] =	ssyncset.done $0x0  }
0x265: {  	s26 =	simm.s32 $0x1070;
	[sflag:s23] =	ssyncadd.s32 $0xFFFFF000  }
0x266: {  	v0 =	vld [tilespmem:s26+$0x0]  }
0x267: {  	v1 =	vld [tilespmem:s26+$0xFFFFFFA0]  }
0x268: {  	v2 =	vld [tilespmem:s26+$0xFFFFFFB0]  }
0x269: {  	v3 =	vld [tilespmem:s26+$0xFFFFFFC0]  }
0x26a: {  	v4 =	vld [tilespmem:s26+$0xFFFFFFD0]  }
0x26b: {  	v6 =	vld [tilespmem:s26+$0xFFFFFFE0]  }
0x26c: {  	v7 =	vld [tilespmem:s26+$0xFFFFFFF0]  }
0x26d: {  	v8 =	vld [tilespmem:s26+$0xFFFFFF90]  }
0x26e: {  	v9 =	vld.idx.msk [tilespmem:v0+s19+$0x0], $0xffff  }
0x26f: {  	v10 =	vld.idx.msk [tilespmem:v1+s19+$0x0], $0xffff  }
0x270: {  	v5 =	vld.idx.msk [tilespmem:v2+s19+$0x0], $0xffff  }
0x271: {  	v3 =	vld.idx.msk [tilespmem:v3+s19+$0x0], $0xffff  }
0x272: {  	v0 =	vld.idx.msk [tilespmem:v4+s19+$0x0], $0xffff  }
0x273: {  	s25 =	simm.s32 $0x1D740;
	v1 =	vld.idx.msk [tilespmem:v6+s19+$0x0], $0xffff  }
0x274: {  	v2 =	vld.idx.msk [tilespmem:v7+s19+$0x0], $0xffff;
	[tilespmem:s25+$0x30] =	vst v9  }
0x275: {  	s28 =	simm.s32 $0x10F0;
	s26 =	simm.s32 $0x0;
	v4 =	vld.idx.msk [tilespmem:v8+s19+$0x0], $0xffff;
	[tilespmem:s25+$0xFFFFFFD0] =	vst v10  }
.LBB2_28:
0x276: {  	v6 =	vld [tilespmem:s28+$0x0];
	s26 =	sadd.s32 $0x8, s26;
	[tilespmem:s25+$0xFFFFFFE0] =	vst v5  }
0x277: {  	v5 =	vld [tilespmem:s28+$0xFFFFFFA0];
	p0 =	slt.u32 s26, $0xF8;
	[tilespmem:s25+$0xFFFFFFF0] =	vst v3  }
0x278: {  	v3 =	vld [tilespmem:s28+$0xFFFFFFB0];
	[tilespmem:s25+$0x0] =	vst v0  }
0x279: {  	v0 =	vld [tilespmem:s28+$0xFFFFFFC0];
	[tilespmem:s25+$0x10] =	vst v1  }
0x27a: {  	v1 =	vld [tilespmem:s28+$0xFFFFFFD0];
	[tilespmem:s25+$0x20] =	vst v2  }
0x27b: {  	v2 =	vld [tilespmem:s28+$0xFFFFFFE0];
	[tilespmem:s25+$0xFFFFFFC0] =	vst v4  }
0x27c: {  	v4 =	vld [tilespmem:s28+$0xFFFFFFF0]  }
0x27d: {  	v7 =	vld [tilespmem:s28+$0xFFFFFF90]  }
0x27e: {  	v6 =	vld.idx.msk [tilespmem:v6+s19+$0x0], $0xffff  }
0x27f: {  	v8 =	vld.idx.msk [tilespmem:v5+s19+$0x0], $0xffff  }
0x280: {  	v5 =	vld.idx.msk [tilespmem:v3+s19+$0x0], $0xffff  }
.Ltmp13:
0x281: {  	v3 =	vld.idx.msk [tilespmem:v0+s19+$0x0], $0xffff;
	(pc) =	sbr.rel @p0 .LBB2_28-.Ltmp13, $4  }
0x282: {  	v0 =	vld.idx.msk [tilespmem:v1+s19+$0x0], $0xffff  }
0x283: {  	s25 =	sadd.s32 $0x80, s25;
	v1 =	vld.idx.msk [tilespmem:v2+s19+$0x0], $0xffff  }
0x284: {  	v2 =	vld.idx.msk [tilespmem:v4+s19+$0x0], $0xffff;
	[tilespmem:s25+$0x30] =	vst v6  }
0x285: {  	s28 =	sadd.s32 $0x80, s28;
	v4 =	vld.idx.msk [tilespmem:v7+s19+$0x0], $0xffff;
	[tilespmem:s25+$0xFFFFFFD0] =	vst v8  }
0x286: {  	[tilespmem:s25+$0xFFFFFFE0] =	vst v5  }
0x287: {  	[tilespmem:s25+$0xFFFFFFF0] =	vst v3  }
0x288: {  	[tilespmem:s25+$0x0] =	vst v0  }
0x289: {  	[tilespmem:s25+$0x10] =	vst v1  }
0x28a: {  	[tilespmem:s25+$0x20] =	vst v2  }
0x28b: {  	[tilespmem:s25+$0xFFFFFFC0] =	vst v4  }
0x28c: {  	s25 =	rddreg [dreg:$0x13]  }
0x28d: {  	[hbm4b:s25+s17] =	stream.strided.scatter [tilespmem:s21], [sflag:$0x2], $0x1000, s18, s17, $0x38;
	[tilespmem:$0x1E700] =	vst v63  }
0x28e: {  	_ =	swait.ge [sflag:s22], $0x1000  }
0x28f: {  	[sflag:s22] =	ssyncset.done $0x0  }
0x290: {  	s26 =	simm.s32 $0x2070;
	[sflag:s22] =	ssyncadd.s32 $0xFFFFF000  }
0x291: {  	v0 =	vld [tilespmem:s26+$0x0]  }
0x292: {  	v1 =	vld [tilespmem:s26+$0xFFFFFFA0]  }
0x293: {  	v2 =	vld [tilespmem:s26+$0xFFFFFFB0]  }
0x294: {  	v3 =	vld [tilespmem:s26+$0xFFFFFFC0]  }
0x295: {  	v4 =	vld [tilespmem:s26+$0xFFFFFFD0]  }
0x296: {  	v6 =	vld [tilespmem:s26+$0xFFFFFFE0]  }
0x297: {  	v7 =	vld [tilespmem:s26+$0xFFFFFFF0]  }
0x298: {  	v8 =	vld [tilespmem:s26+$0xFFFFFF90]  }
0x299: {  	v9 =	vld.idx.msk [tilespmem:v0+s19+$0x0], $0xffff  }
0x29a: {  	v10 =	vld.idx.msk [tilespmem:v1+s19+$0x0], $0xffff  }
0x29b: {  	v5 =	vld.idx.msk [tilespmem:v2+s19+$0x0], $0xffff  }
0x29c: {  	v3 =	vld.idx.msk [tilespmem:v3+s19+$0x0], $0xffff  }
0x29d: {  	v0 =	vld.idx.msk [tilespmem:v4+s19+$0x0], $0xffff  }
0x29e: {  	s25 =	simm.s32 $0x1C740;
	v1 =	vld.idx.msk [tilespmem:v6+s19+$0x0], $0xffff  }
0x29f: {  	v2 =	vld.idx.msk [tilespmem:v7+s19+$0x0], $0xffff;
	[tilespmem:s25+$0x30] =	vst v9  }
0x2a0: {  	s28 =	simm.s32 $0x20F0;
	s26 =	simm.s32 $0x0;
	v4 =	vld.idx.msk [tilespmem:v8+s19+$0x0], $0xffff;
	[tilespmem:s25+$0xFFFFFFD0] =	vst v10  }
.LBB2_30:
0x2a1: {  	v6 =	vld [tilespmem:s28+$0x0];
	s26 =	sadd.s32 $0x8, s26;
	[tilespmem:s25+$0xFFFFFFE0] =	vst v5  }
0x2a2: {  	v5 =	vld [tilespmem:s28+$0xFFFFFFA0];
	p0 =	slt.u32 s26, $0xF8;
	[tilespmem:s25+$0xFFFFFFF0] =	vst v3  }
0x2a3: {  	v3 =	vld [tilespmem:s28+$0xFFFFFFB0];
	[tilespmem:s25+$0x0] =	vst v0  }
0x2a4: {  	v0 =	vld [tilespmem:s28+$0xFFFFFFC0];
	[tilespmem:s25+$0x10] =	vst v1  }
0x2a5: {  	v1 =	vld [tilespmem:s28+$0xFFFFFFD0];
	[tilespmem:s25+$0x20] =	vst v2  }
0x2a6: {  	v2 =	vld [tilespmem:s28+$0xFFFFFFE0];
	[tilespmem:s25+$0xFFFFFFC0] =	vst v4  }
0x2a7: {  	v4 =	vld [tilespmem:s28+$0xFFFFFFF0]  }
0x2a8: {  	v7 =	vld [tilespmem:s28+$0xFFFFFF90]  }
0x2a9: {  	v6 =	vld.idx.msk [tilespmem:v6+s19+$0x0], $0xffff  }
0x2aa: {  	v8 =	vld.idx.msk [tilespmem:v5+s19+$0x0], $0xffff  }
0x2ab: {  	v5 =	vld.idx.msk [tilespmem:v3+s19+$0x0], $0xffff  }
.Ltmp14:
0x2ac: {  	v3 =	vld.idx.msk [tilespmem:v0+s19+$0x0], $0xffff;
	(pc) =	sbr.rel @p0 .LBB2_30-.Ltmp14, $4  }
0x2ad: {  	v0 =	vld.idx.msk [tilespmem:v1+s19+$0x0], $0xffff  }
0x2ae: {  	s25 =	sadd.s32 $0x80, s25;
	v1 =	vld.idx.msk [tilespmem:v2+s19+$0x0], $0xffff  }
0x2af: {  	v2 =	vld.idx.msk [tilespmem:v4+s19+$0x0], $0xffff;
	[tilespmem:s25+$0x30] =	vst v6  }
0x2b0: {  	s28 =	sadd.s32 $0x80, s28;
	v4 =	vld.idx.msk [tilespmem:v7+s19+$0x0], $0xffff;
	[tilespmem:s25+$0xFFFFFFD0] =	vst v8  }
0x2b1: {  	[tilespmem:s25+$0xFFFFFFE0] =	vst v5  }
0x2b2: {  	[tilespmem:s25+$0xFFFFFFF0] =	vst v3  }
0x2b3: {  	[tilespmem:s25+$0x0] =	vst v0  }
0x2b4: {  	[tilespmem:s25+$0x10] =	vst v1  }
0x2b5: {  	[tilespmem:s25+$0x20] =	vst v2  }
0x2b6: {  	[tilespmem:s25+$0xFFFFFFC0] =	vst v4  }
0x2b7: {  	s25 =	rddreg [dreg:$0x14]  }
0x2b8: {  	[hbm4b:s25+s17] =	stream.strided.scatter [tilespmem:s20], [sflag:$0x1], $0x1000, s18, s17, $0x38;
	[tilespmem:$0x1E700] =	vst v63  }
0x2b9: {  	_ =	swait.ge [sflag:s23], $0x1000  }
0x2ba: {  	[sflag:s23] =	ssyncset.done $0x0  }
0x2bb: {  	s26 =	simm.s32 $0x3070;
	[sflag:s23] =	ssyncadd.s32 $0xFFFFF000  }
0x2bc: {  	v0 =	vld [tilespmem:s26+$0x0]  }
0x2bd: {  	v1 =	vld [tilespmem:s26+$0xFFFFFFA0]  }
0x2be: {  	v2 =	vld [tilespmem:s26+$0xFFFFFFB0]  }
0x2bf: {  	v3 =	vld [tilespmem:s26+$0xFFFFFFC0]  }
0x2c0: {  	v4 =	vld [tilespmem:s26+$0xFFFFFFD0]  }
0x2c1: {  	v6 =	vld [tilespmem:s26+$0xFFFFFFE0]  }
0x2c2: {  	v7 =	vld [tilespmem:s26+$0xFFFFFFF0]  }
0x2c3: {  	v8 =	vld [tilespmem:s26+$0xFFFFFF90]  }
0x2c4: {  	v9 =	vld.idx.msk [tilespmem:v0+s19+$0x0], $0xffff  }
0x2c5: {  	v10 =	vld.idx.msk [tilespmem:v1+s19+$0x0], $0xffff  }
0x2c6: {  	v5 =	vld.idx.msk [tilespmem:v2+s19+$0x0], $0xffff  }
0x2c7: {  	v3 =	vld.idx.msk [tilespmem:v3+s19+$0x0], $0xffff  }
0x2c8: {  	v0 =	vld.idx.msk [tilespmem:v4+s19+$0x0], $0xffff  }
0x2c9: {  	s25 =	simm.s32 $0x1D740;
	v1 =	vld.idx.msk [tilespmem:v6+s19+$0x0], $0xffff  }
0x2ca: {  	v2 =	vld.idx.msk [tilespmem:v7+s19+$0x0], $0xffff;
	[tilespmem:s25+$0x30] =	vst v9  }
0x2cb: {  	s28 =	simm.s32 $0x30F0;
	s26 =	simm.s32 $0x0;
	v4 =	vld.idx.msk [tilespmem:v8+s19+$0x0], $0xffff;
	[tilespmem:s25+$0xFFFFFFD0] =	vst v10  }
.LBB2_32:
0x2cc: {  	v6 =	vld [tilespmem:s28+$0x0];
	s26 =	sadd.s32 $0x8, s26;
	[tilespmem:s25+$0xFFFFFFE0] =	vst v5  }
0x2cd: {  	v5 =	vld [tilespmem:s28+$0xFFFFFFA0];
	p0 =	slt.u32 s26, $0xF8;
	[tilespmem:s25+$0xFFFFFFF0] =	vst v3  }
0x2ce: {  	v3 =	vld [tilespmem:s28+$0xFFFFFFB0];
	[tilespmem:s25+$0x0] =	vst v0  }
0x2cf: {  	v0 =	vld [tilespmem:s28+$0xFFFFFFC0];
	[tilespmem:s25+$0x10] =	vst v1  }
0x2d0: {  	v1 =	vld [tilespmem:s28+$0xFFFFFFD0];
	[tilespmem:s25+$0x20] =	vst v2  }
0x2d1: {  	v2 =	vld [tilespmem:s28+$0xFFFFFFE0];
	[tilespmem:s25+$0xFFFFFFC0] =	vst v4  }
0x2d2: {  	v4 =	vld [tilespmem:s28+$0xFFFFFFF0]  }
0x2d3: {  	v7 =	vld [tilespmem:s28+$0xFFFFFF90]  }
0x2d4: {  	v6 =	vld.idx.msk [tilespmem:v6+s19+$0x0], $0xffff  }
0x2d5: {  	v8 =	vld.idx.msk [tilespmem:v5+s19+$0x0], $0xffff  }
0x2d6: {  	v5 =	vld.idx.msk [tilespmem:v3+s19+$0x0], $0xffff  }
.Ltmp15:
0x2d7: {  	v3 =	vld.idx.msk [tilespmem:v0+s19+$0x0], $0xffff;
	(pc) =	sbr.rel @p0 .LBB2_32-.Ltmp15, $4  }
0x2d8: {  	v0 =	vld.idx.msk [tilespmem:v1+s19+$0x0], $0xffff  }
0x2d9: {  	s25 =	sadd.s32 $0x80, s25;
	v1 =	vld.idx.msk [tilespmem:v2+s19+$0x0], $0xffff  }
0x2da: {  	v2 =	vld.idx.msk [tilespmem:v4+s19+$0x0], $0xffff;
	[tilespmem:s25+$0x30] =	vst v6  }
0x2db: {  	s28 =	sadd.s32 $0x80, s28;
	v4 =	vld.idx.msk [tilespmem:v7+s19+$0x0], $0xffff;
	[tilespmem:s25+$0xFFFFFFD0] =	vst v8  }
0x2dc: {  	[tilespmem:s25+$0xFFFFFFE0] =	vst v5  }
0x2dd: {  	[tilespmem:s25+$0xFFFFFFF0] =	vst v3  }
0x2de: {  	[tilespmem:s25+$0x0] =	vst v0  }
0x2df: {  	[tilespmem:s25+$0x10] =	vst v1  }
0x2e0: {  	[tilespmem:s25+$0x20] =	vst v2  }
0x2e1: {  	[tilespmem:s25+$0xFFFFFFC0] =	vst v4  }
0x2e2: {  	s25 =	rddreg [dreg:$0x15]  }
0x2e3: {  	[hbm4b:s25+s17] =	stream.strided.scatter [tilespmem:s21], [sflag:$0x2], $0x1000, s18, s17, $0x38;
	[tilespmem:$0x1E700] =	vst v63  }
0x2e4: {  	s26 =	rddreg [dreg:$0x16]  }
0x2e5: {  	[tilespmem:s19], [sflag:$0x3] =	stream.strided.gather [hbm4b:s26+s17], $0x18700, s18, s17, $0x38;
	[tilespmem:$0x1E700] =	vst v63  }
0x2e6: {  	_ =	swait.ge [sflag:s16], $0x18700  }
0x2e7: {  	[sflag:s16] =	ssyncset.done $0x0  }
0x2e8: {  	[sflag:s16] =	ssyncadd.s32 $0xFFFE7900  }
0x2e9: {  	_ =	swait.ge [sflag:s22], $0x1000  }
0x2ea: {  	[sflag:s22] =	ssyncset.done $0x0  }
0x2eb: {  	s26 =	simm.s32 $0x40;
	[sflag:s22] =	ssyncadd.s32 $0xFFFFF000  }
0x2ec: {  	v0 =	vld [tilespmem:s26+$0x30]  }
0x2ed: {  	v1 =	vld [tilespmem:s26+$0xFFFFFFD0]  }
0x2ee: {  	v2 =	vld [tilespmem:s26+$0xFFFFFFE0]  }
0x2ef: {  	v3 =	vld [tilespmem:s26+$0xFFFFFFF0]  }
0x2f0: {  	v4 =	vld [tilespmem:s26+$0x0]  }
0x2f1: {  	v6 =	vld [tilespmem:s26+$0x10]  }
0x2f2: {  	v7 =	vld [tilespmem:s26+$0x20]  }
0x2f3: {  	v8 =	vld [tilespmem:s26+$0xFFFFFFC0]  }
0x2f4: {  	v9 =	vld.idx.msk [tilespmem:v0+s19+$0x0], $0xffff  }
0x2f5: {  	v10 =	vld.idx.msk [tilespmem:v1+s19+$0x0], $0xffff  }
0x2f6: {  	v5 =	vld.idx.msk [tilespmem:v2+s19+$0x0], $0xffff  }
0x2f7: {  	v3 =	vld.idx.msk [tilespmem:v3+s19+$0x0], $0xffff  }
0x2f8: {  	v0 =	vld.idx.msk [tilespmem:v4+s19+$0x0], $0xffff  }
0x2f9: {  	s25 =	simm.s32 $0x1C740;
	v1 =	vld.idx.msk [tilespmem:v6+s19+$0x0], $0xffff  }
0x2fa: {  	v2 =	vld.idx.msk [tilespmem:v7+s19+$0x0], $0xffff;
	[tilespmem:s25+$0x30] =	vst v9  }
0x2fb: {  	s28 =	simm.s32 $0xC0;
	s26 =	simm.s32 $0x0;
	v4 =	vld.idx.msk [tilespmem:v8+s19+$0x0], $0xffff;
	[tilespmem:s25+$0xFFFFFFD0] =	vst v10  }
.LBB2_34:
0x2fc: {  	v6 =	vld [tilespmem:s28+$0x30];
	s26 =	sadd.s32 $0x8, s26;
	[tilespmem:s25+$0xFFFFFFE0] =	vst v5  }
0x2fd: {  	v5 =	vld [tilespmem:s28+$0xFFFFFFD0];
	p0 =	slt.u32 s26, $0xF8;
	[tilespmem:s25+$0xFFFFFFF0] =	vst v3  }
0x2fe: {  	v3 =	vld [tilespmem:s28+$0xFFFFFFE0];
	[tilespmem:s25+$0x0] =	vst v0  }
0x2ff: {  	v0 =	vld [tilespmem:s28+$0xFFFFFFF0];
	[tilespmem:s25+$0x10] =	vst v1  }
0x300: {  	v1 =	vld [tilespmem:s28+$0x0];
	[tilespmem:s25+$0x20] =	vst v2  }
0x301: {  	v2 =	vld [tilespmem:s28+$0x10];
	[tilespmem:s25+$0xFFFFFFC0] =	vst v4  }
0x302: {  	v4 =	vld [tilespmem:s28+$0x20]  }
0x303: {  	v7 =	vld [tilespmem:s28+$0xFFFFFFC0]  }
0x304: {  	v6 =	vld.idx.msk [tilespmem:v6+s19+$0x0], $0xffff  }
0x305: {  	v8 =	vld.idx.msk [tilespmem:v5+s19+$0x0], $0xffff  }
0x306: {  	v5 =	vld.idx.msk [tilespmem:v3+s19+$0x0], $0xffff  }
.Ltmp16:
0x307: {  	v3 =	vld.idx.msk [tilespmem:v0+s19+$0x0], $0xffff;
	(pc) =	sbr.rel @p0 .LBB2_34-.Ltmp16, $4  }
0x308: {  	v0 =	vld.idx.msk [tilespmem:v1+s19+$0x0], $0xffff  }
0x309: {  	s25 =	sadd.s32 $0x80, s25;
	v1 =	vld.idx.msk [tilespmem:v2+s19+$0x0], $0xffff  }
0x30a: {  	v2 =	vld.idx.msk [tilespmem:v4+s19+$0x0], $0xffff;
	[tilespmem:s25+$0x30] =	vst v6  }
0x30b: {  	s28 =	sadd.s32 $0x80, s28;
	v4 =	vld.idx.msk [tilespmem:v7+s19+$0x0], $0xffff;
	[tilespmem:s25+$0xFFFFFFD0] =	vst v8  }
0x30c: {  	[tilespmem:s25+$0xFFFFFFE0] =	vst v5  }
0x30d: {  	[tilespmem:s25+$0xFFFFFFF0] =	vst v3  }
0x30e: {  	[tilespmem:s25+$0x0] =	vst v0  }
0x30f: {  	[tilespmem:s25+$0x10] =	vst v1  }
0x310: {  	[tilespmem:s25+$0x20] =	vst v2  }
0x311: {  	[tilespmem:s25+$0xFFFFFFC0] =	vst v4  }
0x312: {  	s25 =	rddreg [dreg:$0x18]  }
0x313: {  	[hbm4b:s25+s17] =	stream.strided.scatter [tilespmem:s20], [sflag:$0x1], $0x1000, s18, s17, $0x38;
	[tilespmem:$0x1E700] =	vst v63  }
0x314: {  	_ =	swait.ge [sflag:s23], $0x1000  }
0x315: {  	[sflag:s23] =	ssyncset.done $0x0  }
0x316: {  	s26 =	simm.s32 $0x1070;
	[sflag:s23] =	ssyncadd.s32 $0xFFFFF000  }
0x317: {  	v0 =	vld [tilespmem:s26+$0x0]  }
0x318: {  	v1 =	vld [tilespmem:s26+$0xFFFFFFA0]  }
0x319: {  	v2 =	vld [tilespmem:s26+$0xFFFFFFB0]  }
0x31a: {  	v3 =	vld [tilespmem:s26+$0xFFFFFFC0]  }
0x31b: {  	v4 =	vld [tilespmem:s26+$0xFFFFFFD0]  }
0x31c: {  	v6 =	vld [tilespmem:s26+$0xFFFFFFE0]  }
0x31d: {  	v7 =	vld [tilespmem:s26+$0xFFFFFFF0]  }
0x31e: {  	v8 =	vld [tilespmem:s26+$0xFFFFFF90]  }
0x31f: {  	v9 =	vld.idx.msk [tilespmem:v0+s19+$0x0], $0xffff  }
0x320: {  	v10 =	vld.idx.msk [tilespmem:v1+s19+$0x0], $0xffff  }
0x321: {  	v5 =	vld.idx.msk [tilespmem:v2+s19+$0x0], $0xffff  }
0x322: {  	v3 =	vld.idx.msk [tilespmem:v3+s19+$0x0], $0xffff  }
0x323: {  	v0 =	vld.idx.msk [tilespmem:v4+s19+$0x0], $0xffff  }
0x324: {  	s25 =	simm.s32 $0x1D740;
	v1 =	vld.idx.msk [tilespmem:v6+s19+$0x0], $0xffff  }
0x325: {  	v2 =	vld.idx.msk [tilespmem:v7+s19+$0x0], $0xffff;
	[tilespmem:s25+$0x30] =	vst v9  }
0x326: {  	s28 =	simm.s32 $0x10F0;
	s26 =	simm.s32 $0x0;
	v4 =	vld.idx.msk [tilespmem:v8+s19+$0x0], $0xffff;
	[tilespmem:s25+$0xFFFFFFD0] =	vst v10  }
.LBB2_36:
0x327: {  	v6 =	vld [tilespmem:s28+$0x0];
	s26 =	sadd.s32 $0x8, s26;
	[tilespmem:s25+$0xFFFFFFE0] =	vst v5  }
0x328: {  	v5 =	vld [tilespmem:s28+$0xFFFFFFA0];
	p0 =	slt.u32 s26, $0xF8;
	[tilespmem:s25+$0xFFFFFFF0] =	vst v3  }
0x329: {  	v3 =	vld [tilespmem:s28+$0xFFFFFFB0];
	[tilespmem:s25+$0x0] =	vst v0  }
0x32a: {  	v0 =	vld [tilespmem:s28+$0xFFFFFFC0];
	[tilespmem:s25+$0x10] =	vst v1  }
0x32b: {  	v1 =	vld [tilespmem:s28+$0xFFFFFFD0];
	[tilespmem:s25+$0x20] =	vst v2  }
0x32c: {  	v2 =	vld [tilespmem:s28+$0xFFFFFFE0];
	[tilespmem:s25+$0xFFFFFFC0] =	vst v4  }
0x32d: {  	v4 =	vld [tilespmem:s28+$0xFFFFFFF0]  }
0x32e: {  	v7 =	vld [tilespmem:s28+$0xFFFFFF90]  }
0x32f: {  	v6 =	vld.idx.msk [tilespmem:v6+s19+$0x0], $0xffff  }
0x330: {  	v8 =	vld.idx.msk [tilespmem:v5+s19+$0x0], $0xffff  }
0x331: {  	v5 =	vld.idx.msk [tilespmem:v3+s19+$0x0], $0xffff  }
.Ltmp17:
0x332: {  	v3 =	vld.idx.msk [tilespmem:v0+s19+$0x0], $0xffff;
	(pc) =	sbr.rel @p0 .LBB2_36-.Ltmp17, $4  }
0x333: {  	v0 =	vld.idx.msk [tilespmem:v1+s19+$0x0], $0xffff  }
0x334: {  	s25 =	sadd.s32 $0x80, s25;
	v1 =	vld.idx.msk [tilespmem:v2+s19+$0x0], $0xffff  }
0x335: {  	v2 =	vld.idx.msk [tilespmem:v4+s19+$0x0], $0xffff;
	[tilespmem:s25+$0x30] =	vst v6  }
0x336: {  	s28 =	sadd.s32 $0x80, s28;
	v4 =	vld.idx.msk [tilespmem:v7+s19+$0x0], $0xffff;
	[tilespmem:s25+$0xFFFFFFD0] =	vst v8  }
0x337: {  	[tilespmem:s25+$0xFFFFFFE0] =	vst v5  }
0x338: {  	[tilespmem:s25+$0xFFFFFFF0] =	vst v3  }
0x339: {  	[tilespmem:s25+$0x0] =	vst v0  }
0x33a: {  	[tilespmem:s25+$0x10] =	vst v1  }
0x33b: {  	[tilespmem:s25+$0x20] =	vst v2  }
0x33c: {  	[tilespmem:s25+$0xFFFFFFC0] =	vst v4  }
0x33d: {  	s25 =	rddreg [dreg:$0x19]  }
0x33e: {  	[hbm4b:s25+s17] =	stream.strided.scatter [tilespmem:s21], [sflag:$0x2], $0x1000, s18, s17, $0x38;
	[tilespmem:$0x1E700] =	vst v63  }
0x33f: {  	_ =	swait.ge [sflag:s22], $0x1000  }
0x340: {  	[sflag:s22] =	ssyncset.done $0x0  }
0x341: {  	s26 =	simm.s32 $0x2070;
	[sflag:s22] =	ssyncadd.s32 $0xFFFFF000  }
0x342: {  	v0 =	vld [tilespmem:s26+$0x0]  }
0x343: {  	v1 =	vld [tilespmem:s26+$0xFFFFFFA0]  }
0x344: {  	v2 =	vld [tilespmem:s26+$0xFFFFFFB0]  }
0x345: {  	v3 =	vld [tilespmem:s26+$0xFFFFFFC0]  }
0x346: {  	v4 =	vld [tilespmem:s26+$0xFFFFFFD0]  }
0x347: {  	v6 =	vld [tilespmem:s26+$0xFFFFFFE0]  }
0x348: {  	v7 =	vld [tilespmem:s26+$0xFFFFFFF0]  }
0x349: {  	v8 =	vld [tilespmem:s26+$0xFFFFFF90]  }
0x34a: {  	v9 =	vld.idx.msk [tilespmem:v0+s19+$0x0], $0xffff  }
0x34b: {  	v10 =	vld.idx.msk [tilespmem:v1+s19+$0x0], $0xffff  }
0x34c: {  	v5 =	vld.idx.msk [tilespmem:v2+s19+$0x0], $0xffff  }
0x34d: {  	v3 =	vld.idx.msk [tilespmem:v3+s19+$0x0], $0xffff  }
0x34e: {  	v0 =	vld.idx.msk [tilespmem:v4+s19+$0x0], $0xffff  }
0x34f: {  	s25 =	simm.s32 $0x1C740;
	v1 =	vld.idx.msk [tilespmem:v6+s19+$0x0], $0xffff  }
0x350: {  	v2 =	vld.idx.msk [tilespmem:v7+s19+$0x0], $0xffff;
	[tilespmem:s25+$0x30] =	vst v9  }
0x351: {  	s28 =	simm.s32 $0x20F0;
	s26 =	simm.s32 $0x0;
	v4 =	vld.idx.msk [tilespmem:v8+s19+$0x0], $0xffff;
	[tilespmem:s25+$0xFFFFFFD0] =	vst v10  }
.LBB2_38:
0x352: {  	v6 =	vld [tilespmem:s28+$0x0];
	s26 =	sadd.s32 $0x8, s26;
	[tilespmem:s25+$0xFFFFFFE0] =	vst v5  }
0x353: {  	v5 =	vld [tilespmem:s28+$0xFFFFFFA0];
	p0 =	slt.u32 s26, $0xF8;
	[tilespmem:s25+$0xFFFFFFF0] =	vst v3  }
0x354: {  	v3 =	vld [tilespmem:s28+$0xFFFFFFB0];
	[tilespmem:s25+$0x0] =	vst v0  }
0x355: {  	v0 =	vld [tilespmem:s28+$0xFFFFFFC0];
	[tilespmem:s25+$0x10] =	vst v1  }
0x356: {  	v1 =	vld [tilespmem:s28+$0xFFFFFFD0];
	[tilespmem:s25+$0x20] =	vst v2  }
0x357: {  	v2 =	vld [tilespmem:s28+$0xFFFFFFE0];
	[tilespmem:s25+$0xFFFFFFC0] =	vst v4  }
0x358: {  	v4 =	vld [tilespmem:s28+$0xFFFFFFF0]  }
0x359: {  	v7 =	vld [tilespmem:s28+$0xFFFFFF90]  }
0x35a: {  	v6 =	vld.idx.msk [tilespmem:v6+s19+$0x0], $0xffff  }
0x35b: {  	v8 =	vld.idx.msk [tilespmem:v5+s19+$0x0], $0xffff  }
0x35c: {  	v5 =	vld.idx.msk [tilespmem:v3+s19+$0x0], $0xffff  }
.Ltmp18:
0x35d: {  	v3 =	vld.idx.msk [tilespmem:v0+s19+$0x0], $0xffff;
	(pc) =	sbr.rel @p0 .LBB2_38-.Ltmp18, $4  }
0x35e: {  	v0 =	vld.idx.msk [tilespmem:v1+s19+$0x0], $0xffff  }
0x35f: {  	s25 =	sadd.s32 $0x80, s25;
	v1 =	vld.idx.msk [tilespmem:v2+s19+$0x0], $0xffff  }
0x360: {  	v2 =	vld.idx.msk [tilespmem:v4+s19+$0x0], $0xffff;
	[tilespmem:s25+$0x30] =	vst v6  }
0x361: {  	s28 =	sadd.s32 $0x80, s28;
	v4 =	vld.idx.msk [tilespmem:v7+s19+$0x0], $0xffff;
	[tilespmem:s25+$0xFFFFFFD0] =	vst v8  }
0x362: {  	[tilespmem:s25+$0xFFFFFFE0] =	vst v5  }
0x363: {  	[tilespmem:s25+$0xFFFFFFF0] =	vst v3  }
0x364: {  	[tilespmem:s25+$0x0] =	vst v0  }
0x365: {  	[tilespmem:s25+$0x10] =	vst v1  }
0x366: {  	[tilespmem:s25+$0x20] =	vst v2  }
0x367: {  	[tilespmem:s25+$0xFFFFFFC0] =	vst v4  }
0x368: {  	[hbm4b:s29+s17] =	stream.strided.scatter [tilespmem:s20], [sflag:$0x1], $0x1000, s18, s17, $0x38;
	[tilespmem:$0x1E700] =	vst v63  }
0x369: {  	_ =	swait.ge [sflag:s23], $0x1000  }
0x36a: {  	[sflag:s23] =	ssyncset.done $0x0  }
0x36b: {  	s26 =	simm.s32 $0x3070;
	[sflag:s23] =	ssyncadd.s32 $0xFFFFF000  }
0x36c: {  	v0 =	vld [tilespmem:s26+$0x0]  }
0x36d: {  	v1 =	vld [tilespmem:s26+$0xFFFFFFA0]  }
0x36e: {  	v2 =	vld [tilespmem:s26+$0xFFFFFFB0]  }
0x36f: {  	v3 =	vld [tilespmem:s26+$0xFFFFFFC0]  }
0x370: {  	v4 =	vld [tilespmem:s26+$0xFFFFFFD0]  }
0x371: {  	v6 =	vld [tilespmem:s26+$0xFFFFFFE0]  }
0x372: {  	v7 =	vld [tilespmem:s26+$0xFFFFFFF0]  }
0x373: {  	v8 =	vld [tilespmem:s26+$0xFFFFFF90]  }
0x374: {  	v9 =	vld.idx.msk [tilespmem:v0+s19+$0x0], $0xffff  }
0x375: {  	v10 =	vld.idx.msk [tilespmem:v1+s19+$0x0], $0xffff  }
0x376: {  	v5 =	vld.idx.msk [tilespmem:v2+s19+$0x0], $0xffff  }
0x377: {  	v3 =	vld.idx.msk [tilespmem:v3+s19+$0x0], $0xffff  }
0x378: {  	v0 =	vld.idx.msk [tilespmem:v4+s19+$0x0], $0xffff  }
0x379: {  	s25 =	simm.s32 $0x1D740;
	v1 =	vld.idx.msk [tilespmem:v6+s19+$0x0], $0xffff  }
0x37a: {  	v2 =	vld.idx.msk [tilespmem:v7+s19+$0x0], $0xffff;
	[tilespmem:s25+$0x30] =	vst v9  }
0x37b: {  	s28 =	simm.s32 $0x30F0;
	s26 =	simm.s32 $0x0;
	v4 =	vld.idx.msk [tilespmem:v8+s19+$0x0], $0xffff;
	[tilespmem:s25+$0xFFFFFFD0] =	vst v10  }
.LBB2_40:
0x37c: {  	v6 =	vld [tilespmem:s28+$0x0];
	s26 =	sadd.s32 $0x8, s26;
	[tilespmem:s25+$0xFFFFFFE0] =	vst v5  }
0x37d: {  	v5 =	vld [tilespmem:s28+$0xFFFFFFA0];
	p0 =	slt.u32 s26, $0xF8;
	[tilespmem:s25+$0xFFFFFFF0] =	vst v3  }
0x37e: {  	v3 =	vld [tilespmem:s28+$0xFFFFFFB0];
	[tilespmem:s25+$0x0] =	vst v0  }
0x37f: {  	v0 =	vld [tilespmem:s28+$0xFFFFFFC0];
	[tilespmem:s25+$0x10] =	vst v1  }
0x380: {  	v1 =	vld [tilespmem:s28+$0xFFFFFFD0];
	[tilespmem:s25+$0x20] =	vst v2  }
0x381: {  	v2 =	vld [tilespmem:s28+$0xFFFFFFE0];
	[tilespmem:s25+$0xFFFFFFC0] =	vst v4  }
0x382: {  	v4 =	vld [tilespmem:s28+$0xFFFFFFF0]  }
0x383: {  	v7 =	vld [tilespmem:s28+$0xFFFFFF90]  }
0x384: {  	v6 =	vld.idx.msk [tilespmem:v6+s19+$0x0], $0xffff  }
0x385: {  	v8 =	vld.idx.msk [tilespmem:v5+s19+$0x0], $0xffff  }
0x386: {  	v5 =	vld.idx.msk [tilespmem:v3+s19+$0x0], $0xffff  }
.Ltmp19:
0x387: {  	v3 =	vld.idx.msk [tilespmem:v0+s19+$0x0], $0xffff;
	(pc) =	sbr.rel @p0 .LBB2_40-.Ltmp19, $4  }
0x388: {  	v0 =	vld.idx.msk [tilespmem:v1+s19+$0x0], $0xffff  }
0x389: {  	s25 =	sadd.s32 $0x80, s25;
	v1 =	vld.idx.msk [tilespmem:v2+s19+$0x0], $0xffff  }
0x38a: {  	v2 =	vld.idx.msk [tilespmem:v4+s19+$0x0], $0xffff;
	[tilespmem:s25+$0x30] =	vst v6  }
0x38b: {  	s28 =	sadd.s32 $0x80, s28;
	v4 =	vld.idx.msk [tilespmem:v7+s19+$0x0], $0xffff;
	[tilespmem:s25+$0xFFFFFFD0] =	vst v8  }
0x38c: {  	[tilespmem:s25+$0xFFFFFFE0] =	vst v5  }
0x38d: {  	[tilespmem:s25+$0xFFFFFFF0] =	vst v3  }
0x38e: {  	[tilespmem:s25+$0x0] =	vst v0  }
0x38f: {  	[tilespmem:s25+$0x10] =	vst v1  }
0x390: {  	[tilespmem:s25+$0x20] =	vst v2  }
0x391: {  	[tilespmem:s25+$0xFFFFFFC0] =	vst v4  }
0x392: {  	[hbm4b:s30+s17] =	stream.strided.scatter [tilespmem:s21], [sflag:$0x2], $0x1000, s18, s17, $0x38;
	[tilespmem:$0x1E700] =	vst v63  }
0x393: {  	_ = 	snop  }
0x394: {  	[tilespmem:s19], [sflag:$0x3] =	stream.strided.gather [hbm4b:s31+s17], $0x18700, s18, s17, $0x38;
	[tilespmem:$0x1E700] =	vst v63  }
0x395: {  	_ =	swait.ge [sflag:s16], $0x18700  }
0x396: {  	[sflag:s16] =	ssyncset.done $0x0  }
0x397: {  	[sflag:s16] =	ssyncadd.s32 $0xFFFE7900  }
0x398: {  	_ =	swait.ge [sflag:s22], $0x1000  }
0x399: {  	[sflag:s22] =	ssyncset.done $0x0  }
0x39a: {  	s26 =	simm.s32 $0x40;
	[sflag:s22] =	ssyncadd.s32 $0xFFFFF000  }
0x39b: {  	v0 =	vld [tilespmem:s26+$0x30]  }
0x39c: {  	v1 =	vld [tilespmem:s26+$0xFFFFFFD0]  }
0x39d: {  	v2 =	vld [tilespmem:s26+$0xFFFFFFE0]  }
0x39e: {  	v3 =	vld [tilespmem:s26+$0xFFFFFFF0]  }
0x39f: {  	v4 =	vld [tilespmem:s26+$0x0]  }
0x3a0: {  	v6 =	vld [tilespmem:s26+$0x10]  }
0x3a1: {  	v7 =	vld [tilespmem:s26+$0x20]  }
0x3a2: {  	v8 =	vld [tilespmem:s26+$0xFFFFFFC0]  }
0x3a3: {  	v9 =	vld.idx.msk [tilespmem:v0+s19+$0x0], $0xffff  }
0x3a4: {  	v10 =	vld.idx.msk [tilespmem:v1+s19+$0x0], $0xffff  }
0x3a5: {  	v5 =	vld.idx.msk [tilespmem:v2+s19+$0x0], $0xffff  }
0x3a6: {  	v3 =	vld.idx.msk [tilespmem:v3+s19+$0x0], $0xffff  }
0x3a7: {  	v0 =	vld.idx.msk [tilespmem:v4+s19+$0x0], $0xffff  }
0x3a8: {  	s25 =	simm.s32 $0x1C740;
	v1 =	vld.idx.msk [tilespmem:v6+s19+$0x0], $0xffff  }
0x3a9: {  	v2 =	vld.idx.msk [tilespmem:v7+s19+$0x0], $0xffff;
	[tilespmem:s25+$0x30] =	vst v9  }
0x3aa: {  	s28 =	simm.s32 $0xC0;
	s26 =	simm.s32 $0x0;
	v4 =	vld.idx.msk [tilespmem:v8+s19+$0x0], $0xffff;
	[tilespmem:s25+$0xFFFFFFD0] =	vst v10  }
.LBB2_42:
0x3ab: {  	v6 =	vld [tilespmem:s28+$0x30];
	s26 =	sadd.s32 $0x8, s26;
	[tilespmem:s25+$0xFFFFFFE0] =	vst v5  }
0x3ac: {  	v5 =	vld [tilespmem:s28+$0xFFFFFFD0];
	p0 =	slt.u32 s26, $0xF8;
	[tilespmem:s25+$0xFFFFFFF0] =	vst v3  }
0x3ad: {  	v3 =	vld [tilespmem:s28+$0xFFFFFFE0];
	[tilespmem:s25+$0x0] =	vst v0  }
0x3ae: {  	v0 =	vld [tilespmem:s28+$0xFFFFFFF0];
	[tilespmem:s25+$0x10] =	vst v1  }
0x3af: {  	v1 =	vld [tilespmem:s28+$0x0];
	[tilespmem:s25+$0x20] =	vst v2  }
0x3b0: {  	v2 =	vld [tilespmem:s28+$0x10];
	[tilespmem:s25+$0xFFFFFFC0] =	vst v4  }
0x3b1: {  	v4 =	vld [tilespmem:s28+$0x20]  }
0x3b2: {  	v7 =	vld [tilespmem:s28+$0xFFFFFFC0]  }
0x3b3: {  	v6 =	vld.idx.msk [tilespmem:v6+s19+$0x0], $0xffff  }
0x3b4: {  	v8 =	vld.idx.msk [tilespmem:v5+s19+$0x0], $0xffff  }
0x3b5: {  	v5 =	vld.idx.msk [tilespmem:v3+s19+$0x0], $0xffff  }
.Ltmp20:
0x3b6: {  	v3 =	vld.idx.msk [tilespmem:v0+s19+$0x0], $0xffff;
	(pc) =	sbr.rel @p0 .LBB2_42-.Ltmp20, $4  }
0x3b7: {  	v0 =	vld.idx.msk [tilespmem:v1+s19+$0x0], $0xffff  }
0x3b8: {  	s25 =	sadd.s32 $0x80, s25;
	v1 =	vld.idx.msk [tilespmem:v2+s19+$0x0], $0xffff  }
0x3b9: {  	v2 =	vld.idx.msk [tilespmem:v4+s19+$0x0], $0xffff;
	[tilespmem:s25+$0x30] =	vst v6  }
0x3ba: {  	s28 =	sadd.s32 $0x80, s28;
	v4 =	vld.idx.msk [tilespmem:v7+s19+$0x0], $0xffff;
	[tilespmem:s25+$0xFFFFFFD0] =	vst v8  }
0x3bb: {  	[tilespmem:s25+$0xFFFFFFE0] =	vst v5  }
0x3bc: {  	[tilespmem:s25+$0xFFFFFFF0] =	vst v3  }
0x3bd: {  	[tilespmem:s25+$0x0] =	vst v0  }
0x3be: {  	[tilespmem:s25+$0x10] =	vst v1  }
0x3bf: {  	[tilespmem:s25+$0x20] =	vst v2  }
0x3c0: {  	[tilespmem:s25+$0xFFFFFFC0] =	vst v4  }
0x3c1: {  	[hbm4b:s1+s17] =	stream.strided.scatter [tilespmem:s20], [sflag:$0x1], $0x1000, s18, s17, $0x38;
	[tilespmem:$0x1E700] =	vst v63  }
0x3c2: {  	_ =	swait.ge [sflag:s23], $0x1000  }
0x3c3: {  	[sflag:s23] =	ssyncset.done $0x0  }
0x3c4: {  	s26 =	simm.s32 $0x1070;
	[sflag:s23] =	ssyncadd.s32 $0xFFFFF000  }
0x3c5: {  	v0 =	vld [tilespmem:s26+$0x0]  }
0x3c6: {  	v1 =	vld [tilespmem:s26+$0xFFFFFFA0]  }
0x3c7: {  	v2 =	vld [tilespmem:s26+$0xFFFFFFB0]  }
0x3c8: {  	v3 =	vld [tilespmem:s26+$0xFFFFFFC0]  }
0x3c9: {  	v4 =	vld [tilespmem:s26+$0xFFFFFFD0]  }
0x3ca: {  	v6 =	vld [tilespmem:s26+$0xFFFFFFE0]  }
0x3cb: {  	v7 =	vld [tilespmem:s26+$0xFFFFFFF0]  }
0x3cc: {  	v8 =	vld [tilespmem:s26+$0xFFFFFF90]  }
0x3cd: {  	v9 =	vld.idx.msk [tilespmem:v0+s19+$0x0], $0xffff  }
0x3ce: {  	v10 =	vld.idx.msk [tilespmem:v1+s19+$0x0], $0xffff  }
0x3cf: {  	v5 =	vld.idx.msk [tilespmem:v2+s19+$0x0], $0xffff  }
0x3d0: {  	v3 =	vld.idx.msk [tilespmem:v3+s19+$0x0], $0xffff  }
0x3d1: {  	v0 =	vld.idx.msk [tilespmem:v4+s19+$0x0], $0xffff  }
0x3d2: {  	s25 =	simm.s32 $0x1D740;
	v1 =	vld.idx.msk [tilespmem:v6+s19+$0x0], $0xffff  }
0x3d3: {  	v2 =	vld.idx.msk [tilespmem:v7+s19+$0x0], $0xffff;
	[tilespmem:s25+$0x30] =	vst v9  }
0x3d4: {  	s28 =	simm.s32 $0x10F0;
	s26 =	simm.s32 $0x0;
	v4 =	vld.idx.msk [tilespmem:v8+s19+$0x0], $0xffff;
	[tilespmem:s25+$0xFFFFFFD0] =	vst v10  }
.LBB2_44:
0x3d5: {  	v6 =	vld [tilespmem:s28+$0x0];
	s26 =	sadd.s32 $0x8, s26;
	[tilespmem:s25+$0xFFFFFFE0] =	vst v5  }
0x3d6: {  	v5 =	vld [tilespmem:s28+$0xFFFFFFA0];
	p0 =	slt.u32 s26, $0xF8;
	[tilespmem:s25+$0xFFFFFFF0] =	vst v3  }
0x3d7: {  	v3 =	vld [tilespmem:s28+$0xFFFFFFB0];
	[tilespmem:s25+$0x0] =	vst v0  }
0x3d8: {  	v0 =	vld [tilespmem:s28+$0xFFFFFFC0];
	[tilespmem:s25+$0x10] =	vst v1  }
0x3d9: {  	v1 =	vld [tilespmem:s28+$0xFFFFFFD0];
	[tilespmem:s25+$0x20] =	vst v2  }
0x3da: {  	v2 =	vld [tilespmem:s28+$0xFFFFFFE0];
	[tilespmem:s25+$0xFFFFFFC0] =	vst v4  }
0x3db: {  	v4 =	vld [tilespmem:s28+$0xFFFFFFF0]  }
0x3dc: {  	v7 =	vld [tilespmem:s28+$0xFFFFFF90]  }
0x3dd: {  	v6 =	vld.idx.msk [tilespmem:v6+s19+$0x0], $0xffff  }
0x3de: {  	v8 =	vld.idx.msk [tilespmem:v5+s19+$0x0], $0xffff  }
0x3df: {  	v5 =	vld.idx.msk [tilespmem:v3+s19+$0x0], $0xffff  }
.Ltmp21:
0x3e0: {  	v3 =	vld.idx.msk [tilespmem:v0+s19+$0x0], $0xffff;
	(pc) =	sbr.rel @p0 .LBB2_44-.Ltmp21, $4  }
0x3e1: {  	v0 =	vld.idx.msk [tilespmem:v1+s19+$0x0], $0xffff  }
0x3e2: {  	s25 =	sadd.s32 $0x80, s25;
	v1 =	vld.idx.msk [tilespmem:v2+s19+$0x0], $0xffff  }
0x3e3: {  	v2 =	vld.idx.msk [tilespmem:v4+s19+$0x0], $0xffff;
	[tilespmem:s25+$0x30] =	vst v6  }
0x3e4: {  	s28 =	sadd.s32 $0x80, s28;
	v4 =	vld.idx.msk [tilespmem:v7+s19+$0x0], $0xffff;
	[tilespmem:s25+$0xFFFFFFD0] =	vst v8  }
0x3e5: {  	[tilespmem:s25+$0xFFFFFFE0] =	vst v5  }
0x3e6: {  	[tilespmem:s25+$0xFFFFFFF0] =	vst v3  }
0x3e7: {  	[tilespmem:s25+$0x0] =	vst v0  }
0x3e8: {  	[tilespmem:s25+$0x10] =	vst v1  }
0x3e9: {  	[tilespmem:s25+$0x20] =	vst v2  }
0x3ea: {  	[tilespmem:s25+$0xFFFFFFC0] =	vst v4  }
0x3eb: {  	[hbm4b:s0+s17] =	stream.strided.scatter [tilespmem:s21], [sflag:$0x2], $0x1000, s18, s17, $0x38;
	[tilespmem:$0x1E700] =	vst v63  }
0x3ec: {  	_ =	swait.ge [sflag:s22], $0x1000  }
0x3ed: {  	[sflag:s22] =	ssyncset.done $0x0  }
0x3ee: {  	s26 =	simm.s32 $0x2070;
	[sflag:s22] =	ssyncadd.s32 $0xFFFFF000  }
0x3ef: {  	v0 =	vld [tilespmem:s26+$0x0]  }
0x3f0: {  	v1 =	vld [tilespmem:s26+$0xFFFFFFA0]  }
0x3f1: {  	v2 =	vld [tilespmem:s26+$0xFFFFFFB0]  }
0x3f2: {  	v3 =	vld [tilespmem:s26+$0xFFFFFFC0]  }
0x3f3: {  	v4 =	vld [tilespmem:s26+$0xFFFFFFD0]  }
0x3f4: {  	v6 =	vld [tilespmem:s26+$0xFFFFFFE0]  }
0x3f5: {  	v7 =	vld [tilespmem:s26+$0xFFFFFFF0]  }
0x3f6: {  	v8 =	vld [tilespmem:s26+$0xFFFFFF90]  }
0x3f7: {  	v9 =	vld.idx.msk [tilespmem:v0+s19+$0x0], $0xffff  }
0x3f8: {  	v10 =	vld.idx.msk [tilespmem:v1+s19+$0x0], $0xffff  }
0x3f9: {  	v5 =	vld.idx.msk [tilespmem:v2+s19+$0x0], $0xffff  }
0x3fa: {  	v3 =	vld.idx.msk [tilespmem:v3+s19+$0x0], $0xffff  }
0x3fb: {  	v0 =	vld.idx.msk [tilespmem:v4+s19+$0x0], $0xffff  }
0x3fc: {  	s25 =	simm.s32 $0x1C740;
	v1 =	vld.idx.msk [tilespmem:v6+s19+$0x0], $0xffff  }
0x3fd: {  	v2 =	vld.idx.msk [tilespmem:v7+s19+$0x0], $0xffff;
	[tilespmem:s25+$0x30] =	vst v9  }
0x3fe: {  	s28 =	simm.s32 $0x20F0;
	s26 =	simm.s32 $0x0;
	v4 =	vld.idx.msk [tilespmem:v8+s19+$0x0], $0xffff;
	[tilespmem:s25+$0xFFFFFFD0] =	vst v10  }
.LBB2_46:
0x3ff: {  	v6 =	vld [tilespmem:s28+$0x0];
	s26 =	sadd.s32 $0x8, s26;
	[tilespmem:s25+$0xFFFFFFE0] =	vst v5  }
0x400: {  	v5 =	vld [tilespmem:s28+$0xFFFFFFA0];
	p0 =	slt.u32 s26, $0xF8;
	[tilespmem:s25+$0xFFFFFFF0] =	vst v3  }
0x401: {  	v3 =	vld [tilespmem:s28+$0xFFFFFFB0];
	[tilespmem:s25+$0x0] =	vst v0  }
0x402: {  	v0 =	vld [tilespmem:s28+$0xFFFFFFC0];
	[tilespmem:s25+$0x10] =	vst v1  }
0x403: {  	v1 =	vld [tilespmem:s28+$0xFFFFFFD0];
	[tilespmem:s25+$0x20] =	vst v2  }
0x404: {  	v2 =	vld [tilespmem:s28+$0xFFFFFFE0];
	[tilespmem:s25+$0xFFFFFFC0] =	vst v4  }
0x405: {  	v4 =	vld [tilespmem:s28+$0xFFFFFFF0]  }
0x406: {  	v7 =	vld [tilespmem:s28+$0xFFFFFF90]  }
0x407: {  	v6 =	vld.idx.msk [tilespmem:v6+s19+$0x0], $0xffff  }
0x408: {  	v8 =	vld.idx.msk [tilespmem:v5+s19+$0x0], $0xffff  }
0x409: {  	v5 =	vld.idx.msk [tilespmem:v3+s19+$0x0], $0xffff  }
.Ltmp22:
0x40a: {  	v3 =	vld.idx.msk [tilespmem:v0+s19+$0x0], $0xffff;
	(pc) =	sbr.rel @p0 .LBB2_46-.Ltmp22, $4  }
0x40b: {  	v0 =	vld.idx.msk [tilespmem:v1+s19+$0x0], $0xffff  }
0x40c: {  	s25 =	sadd.s32 $0x80, s25;
	v1 =	vld.idx.msk [tilespmem:v2+s19+$0x0], $0xffff  }
0x40d: {  	v2 =	vld.idx.msk [tilespmem:v4+s19+$0x0], $0xffff;
	[tilespmem:s25+$0x30] =	vst v6  }
0x40e: {  	s28 =	sadd.s32 $0x80, s28;
	v4 =	vld.idx.msk [tilespmem:v7+s19+$0x0], $0xffff;
	[tilespmem:s25+$0xFFFFFFD0] =	vst v8  }
0x40f: {  	[tilespmem:s25+$0xFFFFFFE0] =	vst v5  }
0x410: {  	[tilespmem:s25+$0xFFFFFFF0] =	vst v3  }
0x411: {  	[tilespmem:s25+$0x0] =	vst v0  }
0x412: {  	[tilespmem:s25+$0x10] =	vst v1  }
0x413: {  	[tilespmem:s25+$0x20] =	vst v2  }
0x414: {  	[tilespmem:s25+$0xFFFFFFC0] =	vst v4  }
0x415: {  	[hbm4b:s2+s17] =	stream.strided.scatter [tilespmem:s20], [sflag:$0x1], $0x1000, s18, s17, $0x38;
	[tilespmem:$0x1E700] =	vst v63  }
0x416: {  	_ =	swait.ge [sflag:s23], $0x1000  }
0x417: {  	[sflag:s23] =	ssyncset.done $0x0  }
0x418: {  	s26 =	simm.s32 $0x3070;
	[sflag:s23] =	ssyncadd.s32 $0xFFFFF000  }
0x419: {  	v0 =	vld [tilespmem:s26+$0x0]  }
0x41a: {  	v1 =	vld [tilespmem:s26+$0xFFFFFFA0]  }
0x41b: {  	v2 =	vld [tilespmem:s26+$0xFFFFFFB0]  }
0x41c: {  	v3 =	vld [tilespmem:s26+$0xFFFFFFC0]  }
0x41d: {  	v4 =	vld [tilespmem:s26+$0xFFFFFFD0]  }
0x41e: {  	v6 =	vld [tilespmem:s26+$0xFFFFFFE0]  }
0x41f: {  	v7 =	vld [tilespmem:s26+$0xFFFFFFF0]  }
0x420: {  	v8 =	vld [tilespmem:s26+$0xFFFFFF90]  }
0x421: {  	v9 =	vld.idx.msk [tilespmem:v0+s19+$0x0], $0xffff  }
0x422: {  	v10 =	vld.idx.msk [tilespmem:v1+s19+$0x0], $0xffff  }
0x423: {  	v5 =	vld.idx.msk [tilespmem:v2+s19+$0x0], $0xffff  }
0x424: {  	v3 =	vld.idx.msk [tilespmem:v3+s19+$0x0], $0xffff  }
0x425: {  	v0 =	vld.idx.msk [tilespmem:v4+s19+$0x0], $0xffff  }
0x426: {  	s25 =	simm.s32 $0x1D740;
	v1 =	vld.idx.msk [tilespmem:v6+s19+$0x0], $0xffff  }
0x427: {  	v2 =	vld.idx.msk [tilespmem:v7+s19+$0x0], $0xffff;
	[tilespmem:s25+$0x30] =	vst v9  }
0x428: {  	s28 =	simm.s32 $0x30F0;
	s26 =	simm.s32 $0x0;
	v4 =	vld.idx.msk [tilespmem:v8+s19+$0x0], $0xffff;
	[tilespmem:s25+$0xFFFFFFD0] =	vst v10  }
.LBB2_48:
0x429: {  	v6 =	vld [tilespmem:s28+$0x0];
	s26 =	sadd.s32 $0x8, s26;
	[tilespmem:s25+$0xFFFFFFE0] =	vst v5  }
0x42a: {  	v5 =	vld [tilespmem:s28+$0xFFFFFFA0];
	p0 =	slt.u32 s26, $0xF8;
	[tilespmem:s25+$0xFFFFFFF0] =	vst v3  }
0x42b: {  	v3 =	vld [tilespmem:s28+$0xFFFFFFB0];
	[tilespmem:s25+$0x0] =	vst v0  }
0x42c: {  	v0 =	vld [tilespmem:s28+$0xFFFFFFC0];
	[tilespmem:s25+$0x10] =	vst v1  }
0x42d: {  	v1 =	vld [tilespmem:s28+$0xFFFFFFD0];
	[tilespmem:s25+$0x20] =	vst v2  }
0x42e: {  	v2 =	vld [tilespmem:s28+$0xFFFFFFE0];
	[tilespmem:s25+$0xFFFFFFC0] =	vst v4  }
0x42f: {  	v4 =	vld [tilespmem:s28+$0xFFFFFFF0]  }
0x430: {  	v7 =	vld [tilespmem:s28+$0xFFFFFF90]  }
0x431: {  	v6 =	vld.idx.msk [tilespmem:v6+s19+$0x0], $0xffff  }
0x432: {  	v8 =	vld.idx.msk [tilespmem:v5+s19+$0x0], $0xffff  }
0x433: {  	v5 =	vld.idx.msk [tilespmem:v3+s19+$0x0], $0xffff  }
.Ltmp23:
0x434: {  	v3 =	vld.idx.msk [tilespmem:v0+s19+$0x0], $0xffff;
	(pc) =	sbr.rel @p0 .LBB2_48-.Ltmp23, $4  }
0x435: {  	v0 =	vld.idx.msk [tilespmem:v1+s19+$0x0], $0xffff  }
0x436: {  	s25 =	sadd.s32 $0x80, s25;
	v1 =	vld.idx.msk [tilespmem:v2+s19+$0x0], $0xffff  }
0x437: {  	v2 =	vld.idx.msk [tilespmem:v4+s19+$0x0], $0xffff;
	[tilespmem:s25+$0x30] =	vst v6  }
0x438: {  	s28 =	sadd.s32 $0x80, s28;
	v4 =	vld.idx.msk [tilespmem:v7+s19+$0x0], $0xffff;
	[tilespmem:s25+$0xFFFFFFD0] =	vst v8  }
0x439: {  	[tilespmem:s25+$0xFFFFFFE0] =	vst v5  }
0x43a: {  	[tilespmem:s25+$0xFFFFFFF0] =	vst v3  }
0x43b: {  	[tilespmem:s25+$0x0] =	vst v0  }
0x43c: {  	[tilespmem:s25+$0x10] =	vst v1  }
0x43d: {  	[tilespmem:s25+$0x20] =	vst v2  }
0x43e: {  	[tilespmem:s25+$0xFFFFFFC0] =	vst v4  }
0x43f: {  	[hbm4b:s3+s17] =	stream.strided.scatter [tilespmem:s21], [sflag:$0x2], $0x1000, s18, s17, $0x38;
	[tilespmem:$0x1E700] =	vst v63  }
0x440: {  	_ = 	snop  }
0x441: {  	[tilespmem:s19], [sflag:$0x3] =	stream.strided.gather [hbm4b:s6+s17], $0x18700, s18, s17, $0x38;
	[tilespmem:$0x1E700] =	vst v63  }
0x442: {  	_ =	swait.ge [sflag:s16], $0x18700  }
0x443: {  	[sflag:s16] =	ssyncset.done $0x0  }
0x444: {  	[sflag:s16] =	ssyncadd.s32 $0xFFFE7900  }
0x445: {  	_ =	swait.ge [sflag:s22], $0x1000  }
0x446: {  	[sflag:s22] =	ssyncset.done $0x0  }
0x447: {  	s26 =	simm.s32 $0x40;
	[sflag:s22] =	ssyncadd.s32 $0xFFFFF000  }
0x448: {  	v0 =	vld [tilespmem:s26+$0x30]  }
0x449: {  	v1 =	vld [tilespmem:s26+$0xFFFFFFD0]  }
0x44a: {  	v2 =	vld [tilespmem:s26+$0xFFFFFFE0]  }
0x44b: {  	v3 =	vld [tilespmem:s26+$0xFFFFFFF0]  }
0x44c: {  	v4 =	vld [tilespmem:s26+$0x0]  }
0x44d: {  	v6 =	vld [tilespmem:s26+$0x10]  }
0x44e: {  	v7 =	vld [tilespmem:s26+$0x20]  }
0x44f: {  	v8 =	vld [tilespmem:s26+$0xFFFFFFC0]  }
0x450: {  	v9 =	vld.idx.msk [tilespmem:v0+s19+$0x0], $0xffff  }
0x451: {  	v10 =	vld.idx.msk [tilespmem:v1+s19+$0x0], $0xffff  }
0x452: {  	v5 =	vld.idx.msk [tilespmem:v2+s19+$0x0], $0xffff  }
0x453: {  	v3 =	vld.idx.msk [tilespmem:v3+s19+$0x0], $0xffff  }
0x454: {  	v0 =	vld.idx.msk [tilespmem:v4+s19+$0x0], $0xffff  }
0x455: {  	s25 =	simm.s32 $0x1C740;
	v1 =	vld.idx.msk [tilespmem:v6+s19+$0x0], $0xffff  }
0x456: {  	v2 =	vld.idx.msk [tilespmem:v7+s19+$0x0], $0xffff;
	[tilespmem:s25+$0x30] =	vst v9  }
0x457: {  	s28 =	simm.s32 $0xC0;
	s26 =	simm.s32 $0x0;
	v4 =	vld.idx.msk [tilespmem:v8+s19+$0x0], $0xffff;
	[tilespmem:s25+$0xFFFFFFD0] =	vst v10  }
.LBB2_50:
0x458: {  	v6 =	vld [tilespmem:s28+$0x30];
	s26 =	sadd.s32 $0x8, s26;
	[tilespmem:s25+$0xFFFFFFE0] =	vst v5  }
0x459: {  	v5 =	vld [tilespmem:s28+$0xFFFFFFD0];
	p0 =	slt.u32 s26, $0xF8;
	[tilespmem:s25+$0xFFFFFFF0] =	vst v3  }
0x45a: {  	v3 =	vld [tilespmem:s28+$0xFFFFFFE0];
	[tilespmem:s25+$0x0] =	vst v0  }
0x45b: {  	v0 =	vld [tilespmem:s28+$0xFFFFFFF0];
	[tilespmem:s25+$0x10] =	vst v1  }
0x45c: {  	v1 =	vld [tilespmem:s28+$0x0];
	[tilespmem:s25+$0x20] =	vst v2  }
0x45d: {  	v2 =	vld [tilespmem:s28+$0x10];
	[tilespmem:s25+$0xFFFFFFC0] =	vst v4  }
0x45e: {  	v4 =	vld [tilespmem:s28+$0x20]  }
0x45f: {  	v7 =	vld [tilespmem:s28+$0xFFFFFFC0]  }
0x460: {  	v6 =	vld.idx.msk [tilespmem:v6+s19+$0x0], $0xffff  }
0x461: {  	v8 =	vld.idx.msk [tilespmem:v5+s19+$0x0], $0xffff  }
0x462: {  	v5 =	vld.idx.msk [tilespmem:v3+s19+$0x0], $0xffff  }
.Ltmp24:
0x463: {  	v3 =	vld.idx.msk [tilespmem:v0+s19+$0x0], $0xffff;
	(pc) =	sbr.rel @p0 .LBB2_50-.Ltmp24, $4  }
0x464: {  	v0 =	vld.idx.msk [tilespmem:v1+s19+$0x0], $0xffff  }
0x465: {  	s25 =	sadd.s32 $0x80, s25;
	v1 =	vld.idx.msk [tilespmem:v2+s19+$0x0], $0xffff  }
0x466: {  	v2 =	vld.idx.msk [tilespmem:v4+s19+$0x0], $0xffff;
	[tilespmem:s25+$0x30] =	vst v6  }
0x467: {  	s28 =	sadd.s32 $0x80, s28;
	v4 =	vld.idx.msk [tilespmem:v7+s19+$0x0], $0xffff;
	[tilespmem:s25+$0xFFFFFFD0] =	vst v8  }
0x468: {  	[tilespmem:s25+$0xFFFFFFE0] =	vst v5  }
0x469: {  	[tilespmem:s25+$0xFFFFFFF0] =	vst v3  }
0x46a: {  	[tilespmem:s25+$0x0] =	vst v0  }
0x46b: {  	[tilespmem:s25+$0x10] =	vst v1  }
0x46c: {  	[tilespmem:s25+$0x20] =	vst v2  }
0x46d: {  	[tilespmem:s25+$0xFFFFFFC0] =	vst v4  }
0x46e: {  	[hbm4b:s7+s17] =	stream.strided.scatter [tilespmem:s20], [sflag:$0x1], $0x1000, s18, s17, $0x38;
	[tilespmem:$0x1E700] =	vst v63  }
0x46f: {  	_ =	swait.ge [sflag:s23], $0x1000  }
0x470: {  	[sflag:s23] =	ssyncset.done $0x0  }
0x471: {  	s26 =	simm.s32 $0x1070;
	[sflag:s23] =	ssyncadd.s32 $0xFFFFF000  }
0x472: {  	v0 =	vld [tilespmem:s26+$0x0]  }
0x473: {  	v1 =	vld [tilespmem:s26+$0xFFFFFFA0]  }
0x474: {  	v2 =	vld [tilespmem:s26+$0xFFFFFFB0]  }
0x475: {  	v3 =	vld [tilespmem:s26+$0xFFFFFFC0]  }
0x476: {  	v4 =	vld [tilespmem:s26+$0xFFFFFFD0]  }
0x477: {  	v6 =	vld [tilespmem:s26+$0xFFFFFFE0]  }
0x478: {  	v7 =	vld [tilespmem:s26+$0xFFFFFFF0]  }
0x479: {  	v8 =	vld [tilespmem:s26+$0xFFFFFF90]  }
0x47a: {  	v9 =	vld.idx.msk [tilespmem:v0+s19+$0x0], $0xffff  }
0x47b: {  	v10 =	vld.idx.msk [tilespmem:v1+s19+$0x0], $0xffff  }
0x47c: {  	v5 =	vld.idx.msk [tilespmem:v2+s19+$0x0], $0xffff  }
0x47d: {  	v3 =	vld.idx.msk [tilespmem:v3+s19+$0x0], $0xffff  }
0x47e: {  	v0 =	vld.idx.msk [tilespmem:v4+s19+$0x0], $0xffff  }
0x47f: {  	s25 =	simm.s32 $0x1D740;
	v1 =	vld.idx.msk [tilespmem:v6+s19+$0x0], $0xffff  }
0x480: {  	v2 =	vld.idx.msk [tilespmem:v7+s19+$0x0], $0xffff;
	[tilespmem:s25+$0x30] =	vst v9  }
0x481: {  	s28 =	simm.s32 $0x10F0;
	s26 =	simm.s32 $0x0;
	v4 =	vld.idx.msk [tilespmem:v8+s19+$0x0], $0xffff;
	[tilespmem:s25+$0xFFFFFFD0] =	vst v10  }
.LBB2_52:
0x482: {  	v6 =	vld [tilespmem:s28+$0x0];
	s26 =	sadd.s32 $0x8, s26;
	[tilespmem:s25+$0xFFFFFFE0] =	vst v5  }
0x483: {  	v5 =	vld [tilespmem:s28+$0xFFFFFFA0];
	p0 =	slt.u32 s26, $0xF8;
	[tilespmem:s25+$0xFFFFFFF0] =	vst v3  }
0x484: {  	v3 =	vld [tilespmem:s28+$0xFFFFFFB0];
	[tilespmem:s25+$0x0] =	vst v0  }
0x485: {  	v0 =	vld [tilespmem:s28+$0xFFFFFFC0];
	[tilespmem:s25+$0x10] =	vst v1  }
0x486: {  	v1 =	vld [tilespmem:s28+$0xFFFFFFD0];
	[tilespmem:s25+$0x20] =	vst v2  }
0x487: {  	v2 =	vld [tilespmem:s28+$0xFFFFFFE0];
	[tilespmem:s25+$0xFFFFFFC0] =	vst v4  }
0x488: {  	v4 =	vld [tilespmem:s28+$0xFFFFFFF0]  }
0x489: {  	v7 =	vld [tilespmem:s28+$0xFFFFFF90]  }
0x48a: {  	v6 =	vld.idx.msk [tilespmem:v6+s19+$0x0], $0xffff  }
0x48b: {  	v8 =	vld.idx.msk [tilespmem:v5+s19+$0x0], $0xffff  }
0x48c: {  	v5 =	vld.idx.msk [tilespmem:v3+s19+$0x0], $0xffff  }
.Ltmp25:
0x48d: {  	v3 =	vld.idx.msk [tilespmem:v0+s19+$0x0], $0xffff;
	(pc) =	sbr.rel @p0 .LBB2_52-.Ltmp25, $4  }
0x48e: {  	v0 =	vld.idx.msk [tilespmem:v1+s19+$0x0], $0xffff  }
0x48f: {  	s25 =	sadd.s32 $0x80, s25;
	v1 =	vld.idx.msk [tilespmem:v2+s19+$0x0], $0xffff  }
0x490: {  	v2 =	vld.idx.msk [tilespmem:v4+s19+$0x0], $0xffff;
	[tilespmem:s25+$0x30] =	vst v6  }
0x491: {  	s28 =	sadd.s32 $0x80, s28;
	v4 =	vld.idx.msk [tilespmem:v7+s19+$0x0], $0xffff;
	[tilespmem:s25+$0xFFFFFFD0] =	vst v8  }
0x492: {  	[tilespmem:s25+$0xFFFFFFE0] =	vst v5  }
0x493: {  	[tilespmem:s25+$0xFFFFFFF0] =	vst v3  }
0x494: {  	[tilespmem:s25+$0x0] =	vst v0  }
0x495: {  	[tilespmem:s25+$0x10] =	vst v1  }
0x496: {  	[tilespmem:s25+$0x20] =	vst v2  }
0x497: {  	[tilespmem:s25+$0xFFFFFFC0] =	vst v4  }
0x498: {  	[hbm4b:s8+s17] =	stream.strided.scatter [tilespmem:s21], [sflag:$0x2], $0x1000, s18, s17, $0x38;
	[tilespmem:$0x1E700] =	vst v63  }
0x499: {  	_ =	swait.ge [sflag:s22], $0x1000  }
0x49a: {  	[sflag:s22] =	ssyncset.done $0x0  }
0x49b: {  	s26 =	simm.s32 $0x2070;
	[sflag:s22] =	ssyncadd.s32 $0xFFFFF000  }
0x49c: {  	v0 =	vld [tilespmem:s26+$0x0]  }
0x49d: {  	v1 =	vld [tilespmem:s26+$0xFFFFFFA0]  }
0x49e: {  	v2 =	vld [tilespmem:s26+$0xFFFFFFB0]  }
0x49f: {  	v3 =	vld [tilespmem:s26+$0xFFFFFFC0]  }
0x4a0: {  	v4 =	vld [tilespmem:s26+$0xFFFFFFD0]  }
0x4a1: {  	v6 =	vld [tilespmem:s26+$0xFFFFFFE0]  }
0x4a2: {  	v7 =	vld [tilespmem:s26+$0xFFFFFFF0]  }
0x4a3: {  	v8 =	vld [tilespmem:s26+$0xFFFFFF90]  }
0x4a4: {  	v9 =	vld.idx.msk [tilespmem:v0+s19+$0x0], $0xffff  }
0x4a5: {  	v10 =	vld.idx.msk [tilespmem:v1+s19+$0x0], $0xffff  }
0x4a6: {  	v5 =	vld.idx.msk [tilespmem:v2+s19+$0x0], $0xffff  }
0x4a7: {  	v3 =	vld.idx.msk [tilespmem:v3+s19+$0x0], $0xffff  }
0x4a8: {  	v0 =	vld.idx.msk [tilespmem:v4+s19+$0x0], $0xffff  }
0x4a9: {  	s25 =	simm.s32 $0x1C740;
	v1 =	vld.idx.msk [tilespmem:v6+s19+$0x0], $0xffff  }
0x4aa: {  	v2 =	vld.idx.msk [tilespmem:v7+s19+$0x0], $0xffff;
	[tilespmem:s25+$0x30] =	vst v9  }
0x4ab: {  	s28 =	simm.s32 $0x20F0;
	s26 =	simm.s32 $0x0;
	v4 =	vld.idx.msk [tilespmem:v8+s19+$0x0], $0xffff;
	[tilespmem:s25+$0xFFFFFFD0] =	vst v10  }
.LBB2_54:
0x4ac: {  	v6 =	vld [tilespmem:s28+$0x0];
	s26 =	sadd.s32 $0x8, s26;
	[tilespmem:s25+$0xFFFFFFE0] =	vst v5  }
0x4ad: {  	v5 =	vld [tilespmem:s28+$0xFFFFFFA0];
	p0 =	slt.u32 s26, $0xF8;
	[tilespmem:s25+$0xFFFFFFF0] =	vst v3  }
0x4ae: {  	v3 =	vld [tilespmem:s28+$0xFFFFFFB0];
	[tilespmem:s25+$0x0] =	vst v0  }
0x4af: {  	v0 =	vld [tilespmem:s28+$0xFFFFFFC0];
	[tilespmem:s25+$0x10] =	vst v1  }
0x4b0: {  	v1 =	vld [tilespmem:s28+$0xFFFFFFD0];
	[tilespmem:s25+$0x20] =	vst v2  }
0x4b1: {  	v2 =	vld [tilespmem:s28+$0xFFFFFFE0];
	[tilespmem:s25+$0xFFFFFFC0] =	vst v4  }
0x4b2: {  	v4 =	vld [tilespmem:s28+$0xFFFFFFF0]  }
0x4b3: {  	v7 =	vld [tilespmem:s28+$0xFFFFFF90]  }
0x4b4: {  	v6 =	vld.idx.msk [tilespmem:v6+s19+$0x0], $0xffff  }
0x4b5: {  	v8 =	vld.idx.msk [tilespmem:v5+s19+$0x0], $0xffff  }
0x4b6: {  	v5 =	vld.idx.msk [tilespmem:v3+s19+$0x0], $0xffff  }
.Ltmp26:
0x4b7: {  	v3 =	vld.idx.msk [tilespmem:v0+s19+$0x0], $0xffff;
	(pc) =	sbr.rel @p0 .LBB2_54-.Ltmp26, $4  }
0x4b8: {  	v0 =	vld.idx.msk [tilespmem:v1+s19+$0x0], $0xffff  }
0x4b9: {  	s25 =	sadd.s32 $0x80, s25;
	v1 =	vld.idx.msk [tilespmem:v2+s19+$0x0], $0xffff  }
0x4ba: {  	v2 =	vld.idx.msk [tilespmem:v4+s19+$0x0], $0xffff;
	[tilespmem:s25+$0x30] =	vst v6  }
0x4bb: {  	s28 =	sadd.s32 $0x80, s28;
	v4 =	vld.idx.msk [tilespmem:v7+s19+$0x0], $0xffff;
	[tilespmem:s25+$0xFFFFFFD0] =	vst v8  }
0x4bc: {  	[tilespmem:s25+$0xFFFFFFE0] =	vst v5  }
0x4bd: {  	[tilespmem:s25+$0xFFFFFFF0] =	vst v3  }
0x4be: {  	[tilespmem:s25+$0x0] =	vst v0  }
0x4bf: {  	[tilespmem:s25+$0x10] =	vst v1  }
0x4c0: {  	[tilespmem:s25+$0x20] =	vst v2  }
0x4c1: {  	[tilespmem:s25+$0xFFFFFFC0] =	vst v4  }
0x4c2: {  	[hbm4b:s9+s17] =	stream.strided.scatter [tilespmem:s20], [sflag:$0x1], $0x1000, s18, s17, $0x38;
	[tilespmem:$0x1E700] =	vst v63  }
0x4c3: {  	_ =	swait.ge [sflag:s23], $0x1000  }
0x4c4: {  	[sflag:s23] =	ssyncset.done $0x0  }
0x4c5: {  	s26 =	simm.s32 $0x3070;
	[sflag:s23] =	ssyncadd.s32 $0xFFFFF000  }
0x4c6: {  	v0 =	vld [tilespmem:s26+$0x0]  }
0x4c7: {  	v1 =	vld [tilespmem:s26+$0xFFFFFFA0]  }
0x4c8: {  	v2 =	vld [tilespmem:s26+$0xFFFFFFB0]  }
0x4c9: {  	v3 =	vld [tilespmem:s26+$0xFFFFFFC0]  }
0x4ca: {  	v4 =	vld [tilespmem:s26+$0xFFFFFFD0]  }
0x4cb: {  	v6 =	vld [tilespmem:s26+$0xFFFFFFE0]  }
0x4cc: {  	v7 =	vld [tilespmem:s26+$0xFFFFFFF0]  }
0x4cd: {  	v8 =	vld [tilespmem:s26+$0xFFFFFF90]  }
0x4ce: {  	v9 =	vld.idx.msk [tilespmem:v0+s19+$0x0], $0xffff  }
0x4cf: {  	v10 =	vld.idx.msk [tilespmem:v1+s19+$0x0], $0xffff  }
0x4d0: {  	v5 =	vld.idx.msk [tilespmem:v2+s19+$0x0], $0xffff  }
0x4d1: {  	v3 =	vld.idx.msk [tilespmem:v3+s19+$0x0], $0xffff  }
0x4d2: {  	v0 =	vld.idx.msk [tilespmem:v4+s19+$0x0], $0xffff  }
0x4d3: {  	s25 =	simm.s32 $0x1D740;
	v1 =	vld.idx.msk [tilespmem:v6+s19+$0x0], $0xffff  }
0x4d4: {  	v2 =	vld.idx.msk [tilespmem:v7+s19+$0x0], $0xffff;
	[tilespmem:s25+$0x30] =	vst v9  }
0x4d5: {  	s28 =	simm.s32 $0x30F0;
	s26 =	simm.s32 $0x0;
	v4 =	vld.idx.msk [tilespmem:v8+s19+$0x0], $0xffff;
	[tilespmem:s25+$0xFFFFFFD0] =	vst v10  }
.LBB2_56:
0x4d6: {  	v6 =	vld [tilespmem:s28+$0x0];
	s26 =	sadd.s32 $0x8, s26;
	[tilespmem:s25+$0xFFFFFFE0] =	vst v5  }
0x4d7: {  	v5 =	vld [tilespmem:s28+$0xFFFFFFA0];
	p0 =	slt.u32 s26, $0xF8;
	[tilespmem:s25+$0xFFFFFFF0] =	vst v3  }
0x4d8: {  	v3 =	vld [tilespmem:s28+$0xFFFFFFB0];
	[tilespmem:s25+$0x0] =	vst v0  }
0x4d9: {  	v0 =	vld [tilespmem:s28+$0xFFFFFFC0];
	[tilespmem:s25+$0x10] =	vst v1  }
0x4da: {  	v1 =	vld [tilespmem:s28+$0xFFFFFFD0];
	[tilespmem:s25+$0x20] =	vst v2  }
0x4db: {  	v2 =	vld [tilespmem:s28+$0xFFFFFFE0];
	[tilespmem:s25+$0xFFFFFFC0] =	vst v4  }
0x4dc: {  	v4 =	vld [tilespmem:s28+$0xFFFFFFF0]  }
0x4dd: {  	v7 =	vld [tilespmem:s28+$0xFFFFFF90]  }
0x4de: {  	v6 =	vld.idx.msk [tilespmem:v6+s19+$0x0], $0xffff  }
0x4df: {  	v8 =	vld.idx.msk [tilespmem:v5+s19+$0x0], $0xffff  }
0x4e0: {  	v5 =	vld.idx.msk [tilespmem:v3+s19+$0x0], $0xffff  }
.Ltmp27:
0x4e1: {  	v3 =	vld.idx.msk [tilespmem:v0+s19+$0x0], $0xffff;
	(pc) =	sbr.rel @p0 .LBB2_56-.Ltmp27, $4  }
0x4e2: {  	v0 =	vld.idx.msk [tilespmem:v1+s19+$0x0], $0xffff  }
0x4e3: {  	s25 =	sadd.s32 $0x80, s25;
	v1 =	vld.idx.msk [tilespmem:v2+s19+$0x0], $0xffff  }
0x4e4: {  	v2 =	vld.idx.msk [tilespmem:v4+s19+$0x0], $0xffff;
	[tilespmem:s25+$0x30] =	vst v6  }
0x4e5: {  	s28 =	sadd.s32 $0x80, s28;
	v4 =	vld.idx.msk [tilespmem:v7+s19+$0x0], $0xffff;
	[tilespmem:s25+$0xFFFFFFD0] =	vst v8  }
0x4e6: {  	[tilespmem:s25+$0xFFFFFFE0] =	vst v5  }
0x4e7: {  	[tilespmem:s25+$0xFFFFFFF0] =	vst v3  }
0x4e8: {  	[tilespmem:s25+$0x0] =	vst v0  }
0x4e9: {  	[tilespmem:s25+$0x10] =	vst v1  }
0x4ea: {  	[tilespmem:s25+$0x20] =	vst v2  }
0x4eb: {  	[tilespmem:s25+$0xFFFFFFC0] =	vst v4  }
0x4ec: {  	[hbm4b:s10+s17] =	stream.strided.scatter [tilespmem:s21], [sflag:$0x2], $0x1000, s18, s17, $0x38;
	[tilespmem:$0x1E700] =	vst v63  }
0x4ed: {  	_ = 	snop  }
0x4ee: {  	[tilespmem:s19], [sflag:$0x3] =	stream.strided.gather [hbm4b:s11+s17], $0x18700, s18, s17, $0x38;
	[tilespmem:$0x1E700] =	vst v63  }
0x4ef: {  	_ =	swait.ge [sflag:s16], $0x18700  }
0x4f0: {  	[sflag:s16] =	ssyncset.done $0x0  }
0x4f1: {  	[sflag:s16] =	ssyncadd.s32 $0xFFFE7900  }
0x4f2: {  	_ =	swait.ge [sflag:s22], $0x1000  }
0x4f3: {  	[sflag:s22] =	ssyncset.done $0x0  }
0x4f4: {  	s26 =	simm.s32 $0x40;
	[sflag:s22] =	ssyncadd.s32 $0xFFFFF000  }
0x4f5: {  	v0 =	vld [tilespmem:s26+$0x30]  }
0x4f6: {  	v1 =	vld [tilespmem:s26+$0xFFFFFFD0]  }
0x4f7: {  	v2 =	vld [tilespmem:s26+$0xFFFFFFE0]  }
0x4f8: {  	v3 =	vld [tilespmem:s26+$0xFFFFFFF0]  }
0x4f9: {  	v4 =	vld [tilespmem:s26+$0x0]  }
0x4fa: {  	v6 =	vld [tilespmem:s26+$0x10]  }
0x4fb: {  	v7 =	vld [tilespmem:s26+$0x20]  }
0x4fc: {  	v8 =	vld [tilespmem:s26+$0xFFFFFFC0]  }
0x4fd: {  	v9 =	vld.idx.msk [tilespmem:v0+s19+$0x0], $0xffff  }
0x4fe: {  	v10 =	vld.idx.msk [tilespmem:v1+s19+$0x0], $0xffff  }
0x4ff: {  	v5 =	vld.idx.msk [tilespmem:v2+s19+$0x0], $0xffff  }
0x500: {  	v3 =	vld.idx.msk [tilespmem:v3+s19+$0x0], $0xffff  }
0x501: {  	v0 =	vld.idx.msk [tilespmem:v4+s19+$0x0], $0xffff  }
0x502: {  	s25 =	simm.s32 $0x1C740;
	v1 =	vld.idx.msk [tilespmem:v6+s19+$0x0], $0xffff  }
0x503: {  	v2 =	vld.idx.msk [tilespmem:v7+s19+$0x0], $0xffff;
	[tilespmem:s25+$0x30] =	vst v9  }
0x504: {  	s28 =	simm.s32 $0xC0;
	s26 =	simm.s32 $0x0;
	v4 =	vld.idx.msk [tilespmem:v8+s19+$0x0], $0xffff;
	[tilespmem:s25+$0xFFFFFFD0] =	vst v10  }
.LBB2_58:
0x505: {  	v6 =	vld [tilespmem:s28+$0x30];
	s26 =	sadd.s32 $0x8, s26;
	[tilespmem:s25+$0xFFFFFFE0] =	vst v5  }
0x506: {  	v5 =	vld [tilespmem:s28+$0xFFFFFFD0];
	p0 =	slt.u32 s26, $0xF8;
	[tilespmem:s25+$0xFFFFFFF0] =	vst v3  }
0x507: {  	v3 =	vld [tilespmem:s28+$0xFFFFFFE0];
	[tilespmem:s25+$0x0] =	vst v0  }
0x508: {  	v0 =	vld [tilespmem:s28+$0xFFFFFFF0];
	[tilespmem:s25+$0x10] =	vst v1  }
0x509: {  	v1 =	vld [tilespmem:s28+$0x0];
	[tilespmem:s25+$0x20] =	vst v2  }
0x50a: {  	v2 =	vld [tilespmem:s28+$0x10];
	[tilespmem:s25+$0xFFFFFFC0] =	vst v4  }
0x50b: {  	v4 =	vld [tilespmem:s28+$0x20]  }
0x50c: {  	v7 =	vld [tilespmem:s28+$0xFFFFFFC0]  }
0x50d: {  	v6 =	vld.idx.msk [tilespmem:v6+s19+$0x0], $0xffff  }
0x50e: {  	v8 =	vld.idx.msk [tilespmem:v5+s19+$0x0], $0xffff  }
0x50f: {  	v5 =	vld.idx.msk [tilespmem:v3+s19+$0x0], $0xffff  }
.Ltmp28:
0x510: {  	v3 =	vld.idx.msk [tilespmem:v0+s19+$0x0], $0xffff;
	(pc) =	sbr.rel @p0 .LBB2_58-.Ltmp28, $4  }
0x511: {  	v0 =	vld.idx.msk [tilespmem:v1+s19+$0x0], $0xffff  }
0x512: {  	s25 =	sadd.s32 $0x80, s25;
	v1 =	vld.idx.msk [tilespmem:v2+s19+$0x0], $0xffff  }
0x513: {  	v2 =	vld.idx.msk [tilespmem:v4+s19+$0x0], $0xffff;
	[tilespmem:s25+$0x30] =	vst v6  }
0x514: {  	s28 =	sadd.s32 $0x80, s28;
	v4 =	vld.idx.msk [tilespmem:v7+s19+$0x0], $0xffff;
	[tilespmem:s25+$0xFFFFFFD0] =	vst v8  }
0x515: {  	[tilespmem:s25+$0xFFFFFFE0] =	vst v5  }
0x516: {  	[tilespmem:s25+$0xFFFFFFF0] =	vst v3  }
0x517: {  	[tilespmem:s25+$0x0] =	vst v0  }
0x518: {  	[tilespmem:s25+$0x10] =	vst v1  }
0x519: {  	[tilespmem:s25+$0x20] =	vst v2  }
0x51a: {  	[tilespmem:s25+$0xFFFFFFC0] =	vst v4  }
0x51b: {  	[hbm4b:s12+s17] =	stream.strided.scatter [tilespmem:s20], [sflag:$0x1], $0x1000, s18, s17, $0x38;
	[tilespmem:$0x1E700] =	vst v63  }
0x51c: {  	_ =	swait.ge [sflag:s23], $0x1000  }
0x51d: {  	[sflag:s23] =	ssyncset.done $0x0  }
0x51e: {  	s26 =	simm.s32 $0x1070;
	[sflag:s23] =	ssyncadd.s32 $0xFFFFF000  }
0x51f: {  	v0 =	vld [tilespmem:s26+$0x0]  }
0x520: {  	v1 =	vld [tilespmem:s26+$0xFFFFFFA0]  }
0x521: {  	v2 =	vld [tilespmem:s26+$0xFFFFFFB0]  }
0x522: {  	v3 =	vld [tilespmem:s26+$0xFFFFFFC0]  }
0x523: {  	v4 =	vld [tilespmem:s26+$0xFFFFFFD0]  }
0x524: {  	v6 =	vld [tilespmem:s26+$0xFFFFFFE0]  }
0x525: {  	v7 =	vld [tilespmem:s26+$0xFFFFFFF0]  }
0x526: {  	v8 =	vld [tilespmem:s26+$0xFFFFFF90]  }
0x527: {  	v9 =	vld.idx.msk [tilespmem:v0+s19+$0x0], $0xffff  }
0x528: {  	v10 =	vld.idx.msk [tilespmem:v1+s19+$0x0], $0xffff  }
0x529: {  	v5 =	vld.idx.msk [tilespmem:v2+s19+$0x0], $0xffff  }
0x52a: {  	v3 =	vld.idx.msk [tilespmem:v3+s19+$0x0], $0xffff  }
0x52b: {  	v0 =	vld.idx.msk [tilespmem:v4+s19+$0x0], $0xffff  }
0x52c: {  	s25 =	simm.s32 $0x1D740;
	v1 =	vld.idx.msk [tilespmem:v6+s19+$0x0], $0xffff  }
0x52d: {  	v2 =	vld.idx.msk [tilespmem:v7+s19+$0x0], $0xffff;
	[tilespmem:s25+$0x30] =	vst v9  }
0x52e: {  	s28 =	simm.s32 $0x10F0;
	s26 =	simm.s32 $0x0;
	v4 =	vld.idx.msk [tilespmem:v8+s19+$0x0], $0xffff;
	[tilespmem:s25+$0xFFFFFFD0] =	vst v10  }
.LBB2_60:
0x52f: {  	v6 =	vld [tilespmem:s28+$0x0];
	s26 =	sadd.s32 $0x8, s26;
	[tilespmem:s25+$0xFFFFFFE0] =	vst v5  }
0x530: {  	v5 =	vld [tilespmem:s28+$0xFFFFFFA0];
	p0 =	slt.u32 s26, $0xF8;
	[tilespmem:s25+$0xFFFFFFF0] =	vst v3  }
0x531: {  	v3 =	vld [tilespmem:s28+$0xFFFFFFB0];
	[tilespmem:s25+$0x0] =	vst v0  }
0x532: {  	v0 =	vld [tilespmem:s28+$0xFFFFFFC0];
	[tilespmem:s25+$0x10] =	vst v1  }
0x533: {  	v1 =	vld [tilespmem:s28+$0xFFFFFFD0];
	[tilespmem:s25+$0x20] =	vst v2  }
0x534: {  	v2 =	vld [tilespmem:s28+$0xFFFFFFE0];
	[tilespmem:s25+$0xFFFFFFC0] =	vst v4  }
0x535: {  	v4 =	vld [tilespmem:s28+$0xFFFFFFF0]  }
0x536: {  	v7 =	vld [tilespmem:s28+$0xFFFFFF90]  }
0x537: {  	v6 =	vld.idx.msk [tilespmem:v6+s19+$0x0], $0xffff  }
0x538: {  	v8 =	vld.idx.msk [tilespmem:v5+s19+$0x0], $0xffff  }
0x539: {  	v5 =	vld.idx.msk [tilespmem:v3+s19+$0x0], $0xffff  }
.Ltmp29:
0x53a: {  	v3 =	vld.idx.msk [tilespmem:v0+s19+$0x0], $0xffff;
	(pc) =	sbr.rel @p0 .LBB2_60-.Ltmp29, $4  }
0x53b: {  	v0 =	vld.idx.msk [tilespmem:v1+s19+$0x0], $0xffff  }
0x53c: {  	s25 =	sadd.s32 $0x80, s25;
	v1 =	vld.idx.msk [tilespmem:v2+s19+$0x0], $0xffff  }
0x53d: {  	v2 =	vld.idx.msk [tilespmem:v4+s19+$0x0], $0xffff;
	[tilespmem:s25+$0x30] =	vst v6  }
0x53e: {  	s28 =	sadd.s32 $0x80, s28;
	v4 =	vld.idx.msk [tilespmem:v7+s19+$0x0], $0xffff;
	[tilespmem:s25+$0xFFFFFFD0] =	vst v8  }
0x53f: {  	[tilespmem:s25+$0xFFFFFFE0] =	vst v5  }
0x540: {  	[tilespmem:s25+$0xFFFFFFF0] =	vst v3  }
0x541: {  	[tilespmem:s25+$0x0] =	vst v0  }
0x542: {  	[tilespmem:s25+$0x10] =	vst v1  }
0x543: {  	[tilespmem:s25+$0x20] =	vst v2  }
0x544: {  	[tilespmem:s25+$0xFFFFFFC0] =	vst v4  }
0x545: {  	[hbm4b:s13+s17] =	stream.strided.scatter [tilespmem:s21], [sflag:$0x2], $0x1000, s18, s17, $0x38;
	[tilespmem:$0x1E700] =	vst v63  }
0x546: {  	_ =	swait.ge [sflag:s22], $0x1000  }
0x547: {  	[sflag:s22] =	ssyncset.done $0x0  }
0x548: {  	s26 =	simm.s32 $0x2070;
	[sflag:s22] =	ssyncadd.s32 $0xFFFFF000  }
0x549: {  	v0 =	vld [tilespmem:s26+$0x0]  }
0x54a: {  	v1 =	vld [tilespmem:s26+$0xFFFFFFA0]  }
0x54b: {  	v2 =	vld [tilespmem:s26+$0xFFFFFFB0]  }
0x54c: {  	v3 =	vld [tilespmem:s26+$0xFFFFFFC0]  }
0x54d: {  	v4 =	vld [tilespmem:s26+$0xFFFFFFD0]  }
0x54e: {  	v6 =	vld [tilespmem:s26+$0xFFFFFFE0]  }
0x54f: {  	v7 =	vld [tilespmem:s26+$0xFFFFFFF0]  }
0x550: {  	v8 =	vld [tilespmem:s26+$0xFFFFFF90]  }
0x551: {  	v9 =	vld.idx.msk [tilespmem:v0+s19+$0x0], $0xffff  }
0x552: {  	v10 =	vld.idx.msk [tilespmem:v1+s19+$0x0], $0xffff  }
0x553: {  	v5 =	vld.idx.msk [tilespmem:v2+s19+$0x0], $0xffff  }
0x554: {  	v3 =	vld.idx.msk [tilespmem:v3+s19+$0x0], $0xffff  }
0x555: {  	v0 =	vld.idx.msk [tilespmem:v4+s19+$0x0], $0xffff  }
0x556: {  	s25 =	simm.s32 $0x1C740;
	v1 =	vld.idx.msk [tilespmem:v6+s19+$0x0], $0xffff  }
0x557: {  	v2 =	vld.idx.msk [tilespmem:v7+s19+$0x0], $0xffff;
	[tilespmem:s25+$0x30] =	vst v9  }
0x558: {  	s28 =	simm.s32 $0x20F0;
	s26 =	simm.s32 $0x0;
	v4 =	vld.idx.msk [tilespmem:v8+s19+$0x0], $0xffff;
	[tilespmem:s25+$0xFFFFFFD0] =	vst v10  }
.LBB2_62:
0x559: {  	v6 =	vld [tilespmem:s28+$0x0];
	s26 =	sadd.s32 $0x8, s26;
	[tilespmem:s25+$0xFFFFFFE0] =	vst v5  }
0x55a: {  	v5 =	vld [tilespmem:s28+$0xFFFFFFA0];
	p0 =	slt.u32 s26, $0xF8;
	[tilespmem:s25+$0xFFFFFFF0] =	vst v3  }
0x55b: {  	v3 =	vld [tilespmem:s28+$0xFFFFFFB0];
	[tilespmem:s25+$0x0] =	vst v0  }
0x55c: {  	v0 =	vld [tilespmem:s28+$0xFFFFFFC0];
	[tilespmem:s25+$0x10] =	vst v1  }
0x55d: {  	v1 =	vld [tilespmem:s28+$0xFFFFFFD0];
	[tilespmem:s25+$0x20] =	vst v2  }
0x55e: {  	v2 =	vld [tilespmem:s28+$0xFFFFFFE0];
	[tilespmem:s25+$0xFFFFFFC0] =	vst v4  }
0x55f: {  	v4 =	vld [tilespmem:s28+$0xFFFFFFF0]  }
0x560: {  	v7 =	vld [tilespmem:s28+$0xFFFFFF90]  }
0x561: {  	v6 =	vld.idx.msk [tilespmem:v6+s19+$0x0], $0xffff  }
0x562: {  	v8 =	vld.idx.msk [tilespmem:v5+s19+$0x0], $0xffff  }
0x563: {  	v5 =	vld.idx.msk [tilespmem:v3+s19+$0x0], $0xffff  }
.Ltmp30:
0x564: {  	v3 =	vld.idx.msk [tilespmem:v0+s19+$0x0], $0xffff;
	(pc) =	sbr.rel @p0 .LBB2_62-.Ltmp30, $4  }
0x565: {  	v0 =	vld.idx.msk [tilespmem:v1+s19+$0x0], $0xffff  }
0x566: {  	s25 =	sadd.s32 $0x80, s25;
	v1 =	vld.idx.msk [tilespmem:v2+s19+$0x0], $0xffff  }
0x567: {  	v2 =	vld.idx.msk [tilespmem:v4+s19+$0x0], $0xffff;
	[tilespmem:s25+$0x30] =	vst v6  }
0x568: {  	s28 =	sadd.s32 $0x80, s28;
	v4 =	vld.idx.msk [tilespmem:v7+s19+$0x0], $0xffff;
	[tilespmem:s25+$0xFFFFFFD0] =	vst v8  }
0x569: {  	[tilespmem:s25+$0xFFFFFFE0] =	vst v5  }
0x56a: {  	[tilespmem:s25+$0xFFFFFFF0] =	vst v3  }
0x56b: {  	[tilespmem:s25+$0x0] =	vst v0  }
0x56c: {  	[tilespmem:s25+$0x10] =	vst v1  }
0x56d: {  	[tilespmem:s25+$0x20] =	vst v2  }
0x56e: {  	[tilespmem:s25+$0xFFFFFFC0] =	vst v4  }
0x56f: {  	[hbm4b:s14+s17] =	stream.strided.scatter [tilespmem:s20], [sflag:$0x1], $0x1000, s18, s17, $0x38;
	[tilespmem:$0x1E700] =	vst v63  }
0x570: {  	_ =	swait.ge [sflag:s23], $0x1000  }
0x571: {  	[sflag:s23] =	ssyncset.done $0x0  }
0x572: {  	s26 =	simm.s32 $0x3070;
	[sflag:s23] =	ssyncadd.s32 $0xFFFFF000  }
0x573: {  	v0 =	vld [tilespmem:s26+$0x0]  }
0x574: {  	v1 =	vld [tilespmem:s26+$0xFFFFFFA0]  }
0x575: {  	v2 =	vld [tilespmem:s26+$0xFFFFFFB0]  }
0x576: {  	v3 =	vld [tilespmem:s26+$0xFFFFFFC0]  }
0x577: {  	v4 =	vld [tilespmem:s26+$0xFFFFFFD0]  }
0x578: {  	v6 =	vld [tilespmem:s26+$0xFFFFFFE0]  }
0x579: {  	v7 =	vld [tilespmem:s26+$0xFFFFFFF0]  }
0x57a: {  	v8 =	vld [tilespmem:s26+$0xFFFFFF90]  }
0x57b: {  	v9 =	vld.idx.msk [tilespmem:v0+s19+$0x0], $0xffff  }
0x57c: {  	v10 =	vld.idx.msk [tilespmem:v1+s19+$0x0], $0xffff  }
0x57d: {  	v5 =	vld.idx.msk [tilespmem:v2+s19+$0x0], $0xffff  }
0x57e: {  	v3 =	vld.idx.msk [tilespmem:v3+s19+$0x0], $0xffff  }
0x57f: {  	v0 =	vld.idx.msk [tilespmem:v4+s19+$0x0], $0xffff  }
0x580: {  	s25 =	simm.s32 $0x1D740;
	v1 =	vld.idx.msk [tilespmem:v6+s19+$0x0], $0xffff  }
0x581: {  	v2 =	vld.idx.msk [tilespmem:v7+s19+$0x0], $0xffff;
	[tilespmem:s25+$0x30] =	vst v9  }
0x582: {  	s28 =	simm.s32 $0x30F0;
	s26 =	simm.s32 $0x0;
	v4 =	vld.idx.msk [tilespmem:v8+s19+$0x0], $0xffff;
	[tilespmem:s25+$0xFFFFFFD0] =	vst v10  }
.LBB2_64:
0x583: {  	v6 =	vld [tilespmem:s28+$0x0];
	s26 =	sadd.s32 $0x8, s26;
	[tilespmem:s25+$0xFFFFFFE0] =	vst v5  }
0x584: {  	v5 =	vld [tilespmem:s28+$0xFFFFFFA0];
	p0 =	slt.u32 s26, $0xF8;
	[tilespmem:s25+$0xFFFFFFF0] =	vst v3  }
0x585: {  	v3 =	vld [tilespmem:s28+$0xFFFFFFB0];
	[tilespmem:s25+$0x0] =	vst v0  }
0x586: {  	v0 =	vld [tilespmem:s28+$0xFFFFFFC0];
	[tilespmem:s25+$0x10] =	vst v1  }
0x587: {  	v1 =	vld [tilespmem:s28+$0xFFFFFFD0];
	[tilespmem:s25+$0x20] =	vst v2  }
0x588: {  	v2 =	vld [tilespmem:s28+$0xFFFFFFE0];
	[tilespmem:s25+$0xFFFFFFC0] =	vst v4  }
0x589: {  	v4 =	vld [tilespmem:s28+$0xFFFFFFF0]  }
0x58a: {  	v7 =	vld [tilespmem:s28+$0xFFFFFF90]  }
0x58b: {  	v6 =	vld.idx.msk [tilespmem:v6+s19+$0x0], $0xffff  }
0x58c: {  	v8 =	vld.idx.msk [tilespmem:v5+s19+$0x0], $0xffff  }
0x58d: {  	v5 =	vld.idx.msk [tilespmem:v3+s19+$0x0], $0xffff  }
.Ltmp31:
0x58e: {  	v3 =	vld.idx.msk [tilespmem:v0+s19+$0x0], $0xffff;
	(pc) =	sbr.rel @p0 .LBB2_64-.Ltmp31, $4  }
0x58f: {  	v0 =	vld.idx.msk [tilespmem:v1+s19+$0x0], $0xffff  }
0x590: {  	s25 =	sadd.s32 $0x80, s25;
	v1 =	vld.idx.msk [tilespmem:v2+s19+$0x0], $0xffff  }
0x591: {  	v2 =	vld.idx.msk [tilespmem:v4+s19+$0x0], $0xffff;
	[tilespmem:s25+$0x30] =	vst v6  }
0x592: {  	s28 =	sadd.s32 $0x80, s28;
	v4 =	vld.idx.msk [tilespmem:v7+s19+$0x0], $0xffff;
	[tilespmem:s25+$0xFFFFFFD0] =	vst v8  }
0x593: {  	[tilespmem:s25+$0xFFFFFFE0] =	vst v5  }
0x594: {  	[tilespmem:s25+$0xFFFFFFF0] =	vst v3  }
0x595: {  	[tilespmem:s25+$0x0] =	vst v0  }
0x596: {  	[tilespmem:s25+$0x10] =	vst v1  }
0x597: {  	[tilespmem:s25+$0x20] =	vst v2  }
0x598: {  	[tilespmem:s25+$0xFFFFFFC0] =	vst v4  }
0x599: {  	[hbm4b:s15+s17] =	stream.strided.scatter [tilespmem:s21], [sflag:$0x2], $0x1000, s18, s17, $0x38;
	[tilespmem:$0x1E700] =	vst v63  }
0x59a: {  	_ =	swait.ge [sflag:s22], $0x1000  }
0x59b: {  	[sflag:s22] =	ssyncset.done $0x0  }
0x59c: {  	[sflag:s22] =	ssyncadd.s32 $0xFFFFF000  }
0x59d: {  	_ =	swait.ge [sflag:s23], $0x1000  }
0x59e: {  	s24 =	sadd.s32 $0x1, s24;
	s28 =	rddreg [dreg:$0x17]  }
0x59f: {  	p0 =	sne.s32 s24, s28  }
.Ltmp32:
0x5a0: {  	_ = 	snop;
	(pc) =	sbr.rel @p0 .LBB2_1-.Ltmp32, $3  }
0x5a1: {  	_ =	sdelay $0x1  }
0x5a2: {  	[sflag:s23] =	ssyncset.done $0x0  }
0x5a3: {  	[sflag:s23] =	ssyncadd.s32 $0xFFFFF000  }
0x5a4: {  	_ =	sfence.sel $0x180000  }
0x5a5: {  	[bflag:$0x0] =	sbarrier.arrive $0xFFFF  }
0x5a6: {  	_ =	strace $0x90000047  }
0x5a7: {  	s0 =	stileid.u32;
	[bflag:$0x2] =	sbarrier.arrive $0xFFFF  }
0x5a8: {  	p0 =	sne.s32 s0, $0x0;
	s0 =	rddreg [dreg:$0x3]  }
0x5a9: {  	s0 =	sadd.s32 @!p0 $0x100000, s0  }
0x5aa: {  	[sflag:s0] =	ssyncadd.tile.s32 @!p0 $0x1;
	_ =	shalt  }
.Lfunc_end2:
_tile_overlayer_lowered:
.L_overlay_start_2:
0x5ab: {  	(tag) =	ssettag $0x2  }
0x5ac: {  	s0 =	rddreg [dreg:$0x0];
	s2 =	stileid.u32  }
0x5ad: {  	s1 =	rddreg [dreg:$0x1];
	p0 =	sne.s32 s2, $0x0  }
0x5ae: {  	s3 =	rddreg [dreg:$0x2];
	[bflag:$0x3] =	sbarrier.arrive $0xFFFF;
	s2 =	simm.s32 @!p0 $0x1C03  }
0x5af: {  	[timem:s3], [sflag:s2] =	dma.local @!p0 [hbm:s0], s1  }
0x5b0: {  	s0 =	simm.s32 @!p0 $0x3  }
0x5b1: {  	_ =	swait.ge @!p0 [sflag:s0], s1  }
0x5b2: {  	s1 =	ssub.s32 @!p0 $0x0, s1;
	[sflag:s0] =	ssyncset.done @!p0 $0x0  }
0x5b3: {  	[sflag:s0] =	ssyncadd.s32 @!p0 s1  }
0x5b4: {  	[bflag:$0x3] =	sbarrier.arrive $0xFFFF  }
0x5b5: {  	_ =	shalt  }

</sc_bundles>
